<compile_context>
chip_gen: v7x
topology: tpu7x:2x2x1
jax: 0.10.2.dev20260603
libtpu: 0.0.44.dev20260713+nightly
codegen_flags: <defaults>
</compile_context>

<pallas_src>
import jax
import jax.numpy as jnp
from jax import lax
from jax.experimental import pallas as pl
from jax.experimental.pallas import tpu as pltpu
from jax.experimental.pallas import tpu_sc as plsc

N = 10000
E = 320000
D = 128

NC = 2
NS = 16
NW = NC * NS
EPW = E // NW
CHUNK = 80
NCHUNK = EPW // CHUNK
NPH = 5
CPP = NCHUNK // NPH
ACC_N = 10240
RPT = ACC_N // NS


def _sc_agg_body(src_hbm, dst_hbm, x_hbm, zeros_hbm, out_hbm,
                 src_v, dst_v, rows_a, rows_b, rows_c, rows_d,
                 acc_sh, sem_a, sem_b, sem_c, sem_d, sem_sa, sem_sb):
    c = lax.axis_index("c")
    s = lax.axis_index("s")
    wid = c * NS + s

    pltpu.sync_copy(zeros_hbm.at[s], acc_sh.at[pl.ds(s * RPT, RPT)])
    plsc.subcore_barrier()

    def gather(j, rows, sem):
        return pltpu.async_copy(x_hbm.at[src_v.at[j]], rows, sem)

    def scatter(j, rows):
        pltpu.sync_copy(rows, acc_sh.at[dst_v.at[j]], add=True)

    def ascatter(j, rows, sem):
        return pltpu.async_copy(rows, acc_sh.at[dst_v.at[j]], sem, add=True)

    for p in range(NPH):
        pltpu.sync_copy(src_hbm.at[wid, p], src_v)
        pltpu.sync_copy(dst_hbm.at[wid, p], dst_v)

        gather(0, rows_a, sem_a).wait()

        def body(jj, carry):
            j = 4 * jj
            d_b = gather(j + 1, rows_b, sem_b)
            d_c = gather(j + 2, rows_c, sem_c)
            d_d = gather(j + 3, rows_d, sem_d)
            s_a = ascatter(j, rows_a, sem_sa)
            d_b.wait()
            s_b = ascatter(j + 1, rows_b, sem_sb)
            s_a.wait()
            d_a = gather(j + 4, rows_a, sem_a)
            d_c.wait()
            s_c = ascatter(j + 2, rows_c, sem_sa)
            s_b.wait()
            d_d.wait()
            s_d = ascatter(j + 3, rows_d, sem_sb)
            s_c.wait()
            s_d.wait()
            d_a.wait()
            return carry

        lax.fori_loop(0, (CPP - 1) // 4, body, 0)
        scatter(CPP - 1, rows_a)

    plsc.subcore_barrier()

    pltpu.sync_copy(acc_sh.at[pl.ds(s * RPT, RPT)], out_hbm.at[c, s])


@jax.jit
def _sc_agg(src3d, dst3d, x, zeros):
    mesh = plsc.VectorSubcoreMesh(core_axis_name="c", subcore_axis_name="s",
                                  num_cores=NC, num_subcores=NS)
    f = pl.kernel(
        _sc_agg_body,
        out_type=jax.ShapeDtypeStruct((NC, NS, RPT, D), jnp.float32),
        mesh=mesh,
        scratch_types=[
            pltpu.VMEM((CPP, CHUNK), jnp.int32),
            pltpu.VMEM((CPP, CHUNK), jnp.int32),
            pltpu.VMEM((CHUNK, D), jnp.float32),
            pltpu.VMEM((CHUNK, D), jnp.float32),
            pltpu.VMEM((CHUNK, D), jnp.float32),
            pltpu.VMEM((CHUNK, D), jnp.float32),
            pltpu.VMEM_SHARED((ACC_N, D), jnp.float32),
            pltpu.SemaphoreType.DMA,
            pltpu.SemaphoreType.DMA,
            pltpu.SemaphoreType.DMA,
            pltpu.SemaphoreType.DMA,
            pltpu.SemaphoreType.DMA,
            pltpu.SemaphoreType.DMA,
        ],
    )
    return f(src3d, dst3d, x, zeros)


def _tc_mlp_body(x_ref, p_ref, W1_ref, b1_ref, W2_ref, b2_ref, W3_ref, b3_ref,
                 gamma_ref, beta_ref, o_ref):
    h = x_ref[...] + p_ref[0, :N] + p_ref[1, :N]
    h = jax.nn.sigmoid(
        jnp.dot(h, W1_ref[...], preferred_element_type=jnp.float32)
        + b1_ref[...])
    h = jax.nn.sigmoid(
        jnp.dot(h, W2_ref[...], preferred_element_type=jnp.float32)
        + b2_ref[...])
    h = (jnp.dot(h, W3_ref[...], preferred_element_type=jnp.float32)
         + b3_ref[...])
    h = jnp.where(h >= 0, h, 0.01 * h)
    mean = jnp.mean(h, axis=0, keepdims=True)
    var = jnp.mean(h * h, axis=0, keepdims=True) - mean * mean
    o_ref[...] = ((h - mean) * jax.lax.rsqrt(var + 1e-5) * gamma_ref[...]
                  + beta_ref[...])


@jax.jit
def _tc_mlp(x, partials, W1, b1, W2, b2, W3, b3, gamma, beta):
    return pl.pallas_call(
        _tc_mlp_body,
        out_shape=jax.ShapeDtypeStruct((N, D), jnp.float32),
    )(x, partials, W1, b1.reshape(1, -1), W2, b2.reshape(1, -1),
      W3, b3.reshape(1, -1), gamma.reshape(1, -1), beta.reshape(1, -1))


@jax.jit
def kernel(x, edge_index, W1, b1, W2, b2, W3, b3, gamma, beta):
    src3d = edge_index[0].reshape(NW, NPH, CPP, CHUNK)
    dst3d = edge_index[1].reshape(NW, NPH, CPP, CHUNK)
    zeros = jnp.zeros((NS, RPT, D), jnp.float32)
    out4d = _sc_agg(src3d, dst3d, x, zeros)
    partials = out4d.reshape(NC, ACC_N, D)
    h = _tc_mlp(x, partials, W1, b1, W2, b2, W3, b3, gamma, beta)
    return (h, edge_index)

# --- scband reference (transcript-rebuilt; emitter-appended) ---
"""Pipeline reference for scband-coll-conv-69561290326103 (READ-ONLY COPY).

The authoritative reference and input builder live on the scoring server;
editing this copy changes nothing except your own understanding.
"""

import jax, jax.numpy as jnp
import numpy as np

N = 10000
E = 320000
D_IN = 128
H1 = 32
H2 = 64
D_OUT = 128

def setup_inputs(seed: int = 0) -> dict:
    key = jax.random.key(seed)
    ks = jax.random.split(key, 12)
    x = jax.random.normal(ks[0], (N, D_IN), dtype=jnp.float32)
    edge_index = jax.random.randint(ks[1], (2, E), 0, N, dtype=jnp.int32)
    W1 = jax.random.normal(ks[2], (D_IN, H1), dtype=jnp.float32) * (1.0 / np.sqrt(D_IN))
    b1 = jnp.zeros((H1,), dtype=jnp.float32)
    W2 = jax.random.normal(ks[3], (H1, H2), dtype=jnp.float32) * (1.0 / np.sqrt(H1))
    b2 = jnp.zeros((H2,), dtype=jnp.float32)
    W3 = jax.random.normal(ks[4], (H2, D_OUT), dtype=jnp.float32) * (1.0 / np.sqrt(H2))
    b3 = jnp.zeros((D_OUT,), dtype=jnp.float32)
    gamma = jnp.ones((D_OUT,), dtype=jnp.float32)
    beta = jnp.zeros((D_OUT,), dtype=jnp.float32)
    return {"x": x, "edge_index": edge_index, "W1": W1, "b1": b1, "W2": W2, "b2": b2, "W3": W3, "b3": b3, "gamma": gamma, "beta": beta}

def reference(x, edge_index, W1, b1, W2, b2, W3, b3, gamma, beta):
    src = edge_index[0]
    dst = edge_index[1]
    # GINConv with eps=0: h = MLP((1+eps)*x + sum_{j in N(i)} x_j)
    agg = jnp.zeros_like(x).at[dst].add(x[src])
    h = x + agg
    # MLP: Linear(128->32) -> Sigmoid -> Linear(32->64) -> Sigmoid -> Linear(64->128)
    h = jax.nn.sigmoid(h @ W1 + b1)
    h = jax.nn.sigmoid(h @ W2 + b2)
    h = h @ W3 + b3
    # final activation: LeakyReLU (negative_slope=0.01)
    h = jnp.where(h >= 0, h, 0.01 * h)
    # BatchNorm1d in training mode (batch statistics, biased variance)
    mean = jnp.mean(h, axis=0)
    var = jnp.var(h, axis=0)
    h = (h - mean) / jnp.sqrt(var + 1e-5) * gamma + beta
    return (h, edge_index)

if __name__ == "__main__":
    import jax
    _d = setup_inputs()
    print(jax.jit(kernel)(*tuple(_d.values())))

</pallas_src>

<mosaic_0001>
#map = affine_map<(d0, d1) -> (0, 0, 0, 0)>
#map1 = affine_map<(d0, d1) -> (0, 0)>
#map2 = affine_map<(d0, d1) -> (0, 0, 0)>
module attributes {stable_mosaic.version = 14 : i64} {
  func.func @_sc_agg_body(%arg0: i32, %arg1: i32, %arg2: memref<32x5x25x80xi32, #tpu.memory_space<hbm>>, %arg3: memref<32x5x25x80xi32, #tpu.memory_space<hbm>>, %arg4: memref<10000x128xf32, #tpu.memory_space<hbm>>, %arg5: memref<16x640x128xf32, #tpu.memory_space<hbm>>, %arg6: memref<2x16x640x128xf32, #tpu.memory_space<hbm>>, %arg7: memref<25x80xi32, #tpu.memory_space<vmem>>, %arg8: memref<25x80xi32, #tpu.memory_space<vmem>>, %arg9: memref<80x128xf32, #tpu.memory_space<vmem>>, %arg10: memref<80x128xf32, #tpu.memory_space<vmem>>, %arg11: memref<80x128xf32, #tpu.memory_space<vmem>>, %arg12: memref<80x128xf32, #tpu.memory_space<vmem>>, %arg13: memref<10240x128xf32, #tpu.memory_space<vmem_shared>>, %arg14: memref<!tpu.dma_semaphore, #tpu.memory_space<semaphore_mem>>, %arg15: memref<!tpu.dma_semaphore, #tpu.memory_space<semaphore_mem>>, %arg16: memref<!tpu.dma_semaphore, #tpu.memory_space<semaphore_mem>>, %arg17: memref<!tpu.dma_semaphore, #tpu.memory_space<semaphore_mem>>, %arg18: memref<!tpu.dma_semaphore, #tpu.memory_space<semaphore_mem>>, %arg19: memref<!tpu.dma_semaphore, #tpu.memory_space<semaphore_mem>>) attributes {dimension_semantics = [#tpu.dimension_semantics<core_parallel>, #tpu.dimension_semantics<subcore_parallel>], iteration_bounds = array<i64: 2, 16>, scalar_prefetch = 0 : i64, scratch_operands = 13 : i64, tpu.core_type = #tpu.core_type<sc_vector_subcore>, window_params = [{transform_indices = #map}, {transform_indices = #map}, {transform_indices = #map1}, {transform_indices = #map2}, {transform_indices = #map}]} {
    %mul3A = arith.constant 16 : i32
    %mul3A_0 = arith.muli %arg0, %mul3A : i32
    %add3A = arith.addi %mul3A_0, %arg1 : i32
    %mul3A_1 = arith.constant 640 : i32
    %mul3A_2 = arith.muli %arg1, %mul3A_1 : i32
    "tpu.region"() ({
      %run_scoped3A_117 = tpu.sem_alloc : memref<!tpu.dma_semaphore, #tpu.memory_space<semaphore_mem>>
      %dma_start3A_118 = arith.constant 0 : i32
      %dma_start3A_119 = tpu.memref_slice %arg13[%mul3A_2, %dma_start3A_118] : memref<10240x128xf32, #tpu.memory_space<vmem_shared>> -> memref<640x128xf32, #tpu.memory_space<vmem_shared>>
      %dma_start3A_120 = arith.constant 0 : i32
      %dma_start3A_121 = arith.constant 0 : i32
      %dma_start3A_122 = tpu.memref_slice %arg5[%arg1, %dma_start3A_120, %dma_start3A_121] : memref<16x640x128xf32, #tpu.memory_space<hbm>> -> memref<1x640x128xf32, #tpu.memory_space<hbm>>
      %dma_start3A_123 = tpu.memref_squeeze %dma_start3A_122 : memref<1x640x128xf32, #tpu.memory_space<hbm>> -> memref<640x128xf32, #tpu.memory_space<hbm>>
      tpu.enqueue_dma source(%dma_start3A_123 : memref<640x128xf32, #tpu.memory_space<hbm>>) target(%dma_start3A_119 : memref<640x128xf32, #tpu.memory_space<vmem_shared>>) target_semaphore(%run_scoped3A_117 : memref<!tpu.dma_semaphore, #tpu.memory_space<semaphore_mem>>)
      %dma_wait3A_124 = arith.constant 0 : i32
      %dma_wait3A_125 = tpu.memref_slice %arg13[%mul3A_2, %dma_wait3A_124] : memref<10240x128xf32, #tpu.memory_space<vmem_shared>> -> memref<640x128xf32, #tpu.memory_space<vmem_shared>>
      %dma_wait3A_126 = arith.constant 0 : i32
      %dma_wait3A_127 = arith.constant 0 : i32
      %dma_wait3A_128 = tpu.memref_slice %arg5[%arg1, %dma_wait3A_126, %dma_wait3A_127] : memref<16x640x128xf32, #tpu.memory_space<hbm>> -> memref<1x640x128xf32, #tpu.memory_space<hbm>>
      %dma_wait3A_129 = tpu.memref_squeeze %dma_wait3A_128 : memref<1x640x128xf32, #tpu.memory_space<hbm>> -> memref<640x128xf32, #tpu.memory_space<hbm>>
      tpu.wait_dma2 semaphore(%run_scoped3A_117 : memref<!tpu.dma_semaphore, #tpu.memory_space<semaphore_mem>>) src(%dma_wait3A_129 : memref<640x128xf32, #tpu.memory_space<hbm>>) dst(%dma_wait3A_125 : memref<640x128xf32, #tpu.memory_space<vmem_shared>>)
      tpu.yield
    }) : () -> ()
    %barrier3A = arith.constant 0 : index
    tpu.barrier barrier_id(%barrier3A)
    %run_scoped3A = arith.constant 0 : i32
    "tpu.region"() ({
      %run_scoped3A_117 = tpu.sem_alloc : memref<!tpu.dma_semaphore, #tpu.memory_space<semaphore_mem>>
      %dma_start3A_118 = arith.constant 0 : i32
      %dma_start3A_119 = arith.constant 0 : i32
      %dma_start3A_120 = tpu.memref_slice %arg2[%add3A, %run_scoped3A, %dma_start3A_118, %dma_start3A_119] : memref<32x5x25x80xi32, #tpu.memory_space<hbm>> -> memref<1x1x25x80xi32, #tpu.memory_space<hbm>>
      %dma_start3A_121 = tpu.memref_squeeze %dma_start3A_120 : memref<1x1x25x80xi32, #tpu.memory_space<hbm>> -> memref<25x80xi32, #tpu.memory_space<hbm>>
      %dma_start3A_122 = arith.constant 0 : i32
      %dma_start3A_123 = arith.constant 0 : i32
      %dma_start3A_124 = tpu.memref_slice %arg2[%add3A, %run_scoped3A, %dma_start3A_122, %dma_start3A_123] : memref<32x5x25x80xi32, #tpu.memory_space<hbm>> -> memref<1x1x25x80xi32, #tpu.memory_space<hbm>>
      %dma_start3A_125 = tpu.memref_squeeze %dma_start3A_124 : memref<1x1x25x80xi32, #tpu.memory_space<hbm>> -> memref<25x80xi32, #tpu.memory_space<hbm>>
      tpu.enqueue_dma source(%dma_start3A_125 : memref<25x80xi32, #tpu.memory_space<hbm>>) target(%arg7 : memref<25x80xi32, #tpu.memory_space<vmem>>) target_semaphore(%run_scoped3A_117 : memref<!tpu.dma_semaphore, #tpu.memory_space<semaphore_mem>>)
      %dma_wait3A_126 = arith.constant 0 : i32
      %dma_wait3A_127 = arith.constant 0 : i32
      %dma_wait3A_128 = tpu.memref_slice %arg2[%add3A, %run_scoped3A, %dma_wait3A_126, %dma_wait3A_127] : memref<32x5x25x80xi32, #tpu.memory_space<hbm>> -> memref<1x1x25x80xi32, #tpu.memory_space<hbm>>
      %dma_wait3A_129 = tpu.memref_squeeze %dma_wait3A_128 : memref<1x1x25x80xi32, #tpu.memory_space<hbm>> -> memref<25x80xi32, #tpu.memory_space<hbm>>
      %dma_wait3A_130 = arith.constant 0 : i32
      %dma_wait3A_131 = arith.constant 0 : i32
      %dma_wait3A_132 = tpu.memref_slice %arg2[%add3A, %run_scoped3A, %dma_wait3A_130, %dma_wait3A_131] : memref<32x5x25x80xi32, #tpu.memory_space<hbm>> -> memref<1x1x25x80xi32, #tpu.memory_space<hbm>>
      %dma_wait3A_133 = tpu.memref_squeeze %dma_wait3A_132 : memref<1x1x25x80xi32, #tpu.memory_space<hbm>> -> memref<25x80xi32, #tpu.memory_space<hbm>>
      tpu.wait_dma2 semaphore(%run_scoped3A_117 : memref<!tpu.dma_semaphore, #tpu.memory_space<semaphore_mem>>) src(%dma_wait3A_133 : memref<25x80xi32, #tpu.memory_space<hbm>>) dst(%arg7 : memref<25x80xi32, #tpu.memory_space<vmem>>)
      tpu.yield
    }) : () -> ()
    %run_scoped3A_3 = arith.constant 0 : i32
    "tpu.region"() ({
      %run_scoped3A_117 = tpu.sem_alloc : memref<!tpu.dma_semaphore, #tpu.memory_space<semaphore_mem>>
      %dma_start3A_118 = arith.constant 0 : i32
      %dma_start3A_119 = arith.constant 0 : i32
      %dma_start3A_120 = tpu.memref_slice %arg3[%add3A, %run_scoped3A_3, %dma_start3A_118, %dma_start3A_119] : memref<32x5x25x80xi32, #tpu.memory_space<hbm>> -> memref<1x1x25x80xi32, #tpu.memory_space<hbm>>
      %dma_start3A_121 = tpu.memref_squeeze %dma_start3A_120 : memref<1x1x25x80xi32, #tpu.memory_space<hbm>> -> memref<25x80xi32, #tpu.memory_space<hbm>>
      %dma_start3A_122 = arith.constant 0 : i32
      %dma_start3A_123 = arith.constant 0 : i32
      %dma_start3A_124 = tpu.memref_slice %arg3[%add3A, %run_scoped3A_3, %dma_start3A_122, %dma_start3A_123] : memref<32x5x25x80xi32, #tpu.memory_space<hbm>> -> memref<1x1x25x80xi32, #tpu.memory_space<hbm>>
      %dma_start3A_125 = tpu.memref_squeeze %dma_start3A_124 : memref<1x1x25x80xi32, #tpu.memory_space<hbm>> -> memref<25x80xi32, #tpu.memory_space<hbm>>
      tpu.enqueue_dma source(%dma_start3A_125 : memref<25x80xi32, #tpu.memory_space<hbm>>) target(%arg8 : memref<25x80xi32, #tpu.memory_space<vmem>>) target_semaphore(%run_scoped3A_117 : memref<!tpu.dma_semaphore, #tpu.memory_space<semaphore_mem>>)
      %dma_wait3A_126 = arith.constant 0 : i32
      %dma_wait3A_127 = arith.constant 0 : i32
      %dma_wait3A_128 = tpu.memref_slice %arg3[%add3A, %run_scoped3A_3, %dma_wait3A_126, %dma_wait3A_127] : memref<32x5x25x80xi32, #tpu.memory_space<hbm>> -> memref<1x1x25x80xi32, #tpu.memory_space<hbm>>
      %dma_wait3A_129 = tpu.memref_squeeze %dma_wait3A_128 : memref<1x1x25x80xi32, #tpu.memory_space<hbm>> -> memref<25x80xi32, #tpu.memory_space<hbm>>
      %dma_wait3A_130 = arith.constant 0 : i32
      %dma_wait3A_131 = arith.constant 0 : i32
      %dma_wait3A_132 = tpu.memref_slice %arg3[%add3A, %run_scoped3A_3, %dma_wait3A_130, %dma_wait3A_131] : memref<32x5x25x80xi32, #tpu.memory_space<hbm>> -> memref<1x1x25x80xi32, #tpu.memory_space<hbm>>
      %dma_wait3A_133 = tpu.memref_squeeze %dma_wait3A_132 : memref<1x1x25x80xi32, #tpu.memory_space<hbm>> -> memref<25x80xi32, #tpu.memory_space<hbm>>
      tpu.wait_dma2 semaphore(%run_scoped3A_117 : memref<!tpu.dma_semaphore, #tpu.memory_space<semaphore_mem>>) src(%dma_wait3A_133 : memref<25x80xi32, #tpu.memory_space<hbm>>) dst(%arg8 : memref<25x80xi32, #tpu.memory_space<vmem>>)
      tpu.yield
    }) : () -> ()
    %dma_start3A = arith.constant 0 : i32
    %dma_start3A_4 = arith.constant 0 : i32
    %dma_start3A_5 = tpu.memref_slice %arg7[%dma_start3A, %dma_start3A_4] : memref<25x80xi32, #tpu.memory_space<vmem>> -> memref<1x80xi32, #tpu.memory_space<vmem>>
    %dma_start3A_6 = tpu.memref_squeeze %dma_start3A_5 : memref<1x80xi32, #tpu.memory_space<vmem>> -> memref<80xi32, #tpu.memory_space<vmem>>
    %dma_start3A_7 = arith.constant 0 : i32
    %dma_start3A_8 = arith.constant 0 : i32
    %dma_start3A_9 = tpu.memref_slice %arg4[%dma_start3A_7, %dma_start3A_8] : memref<10000x128xf32, #tpu.memory_space<hbm>> -> memref<10000x128xf32, #tpu.memory_space<hbm>>
    tpu.enqueue_indirect_dma source(%dma_start3A_9 : memref<10000x128xf32, #tpu.memory_space<hbm>>) target(%arg9 : memref<80x128xf32, #tpu.memory_space<vmem>>) offsets(%dma_start3A_6 : memref<80xi32, #tpu.memory_space<vmem>>) semaphore(%arg14 : memref<!tpu.dma_semaphore, #tpu.memory_space<semaphore_mem>>)
    %dma_wait3A = arith.constant 0 : i32
    %dma_wait3A_10 = arith.constant 0 : i32
    %dma_wait3A_11 = tpu.memref_slice %arg7[%dma_wait3A, %dma_wait3A_10] : memref<25x80xi32, #tpu.memory_space<vmem>> -> memref<1x80xi32, #tpu.memory_space<vmem>>
    %dma_wait3A_12 = tpu.memref_squeeze %dma_wait3A_11 : memref<1x80xi32, #tpu.memory_space<vmem>> -> memref<80xi32, #tpu.memory_space<vmem>>
    %dma_wait3A_13 = arith.constant 0 : i32
    %dma_wait3A_14 = arith.constant 0 : i32
    %dma_wait3A_15 = tpu.memref_slice %arg4[%dma_wait3A_13, %dma_wait3A_14] : memref<10000x128xf32, #tpu.memory_space<hbm>> -> memref<10000x128xf32, #tpu.memory_space<hbm>>
    tpu.wait_indirect_dma semaphore(%arg14 : memref<!tpu.dma_semaphore, #tpu.memory_space<semaphore_mem>>) src(%dma_wait3A_15 : memref<10000x128xf32, #tpu.memory_space<hbm>>) dst(%arg9 : memref<80x128xf32, #tpu.memory_space<vmem>>)
    %scan3A = arith.constant 0 : i32
    %scan3A_16 = arith.constant 0 : i32
    %scan3A_17 = arith.constant 6 : i32
    %scan3A_18 = arith.addi %scan3A_16, %scan3A_17 : i32
    %scan3A_19 = arith.constant 1 : i32
    scf.for %scan3A_117 = %scan3A_16 to %scan3A_18 step %scan3A_19  : i32 {
      %mul3A_118 = arith.constant 4 : i32
      %mul3A_119 = arith.muli %mul3A_118, %scan3A_117 : i32
      %add3A_120 = arith.constant 1 : i32
      %add3A_121 = arith.addi %mul3A_119, %add3A_120 : i32
      %dma_start3A_122 = arith.constant 0 : i32
      %dma_start3A_123 = tpu.memref_slice %arg7[%add3A_121, %dma_start3A_122] : memref<25x80xi32, #tpu.memory_space<vmem>> -> memref<1x80xi32, #tpu.memory_space<vmem>>
      %dma_start3A_124 = tpu.memref_squeeze %dma_start3A_123 : memref<1x80xi32, #tpu.memory_space<vmem>> -> memref<80xi32, #tpu.memory_space<vmem>>
      %dma_start3A_125 = arith.constant 0 : i32
      %dma_start3A_126 = arith.constant 0 : i32
      %dma_start3A_127 = tpu.memref_slice %arg4[%dma_start3A_125, %dma_start3A_126] : memref<10000x128xf32, #tpu.memory_space<hbm>> -> memref<10000x128xf32, #tpu.memory_space<hbm>>
      tpu.enqueue_indirect_dma source(%dma_start3A_127 : memref<10000x128xf32, #tpu.memory_space<hbm>>) target(%arg10 : memref<80x128xf32, #tpu.memory_space<vmem>>) offsets(%dma_start3A_124 : memref<80xi32, #tpu.memory_space<vmem>>) semaphore(%arg15 : memref<!tpu.dma_semaphore, #tpu.memory_space<semaphore_mem>>)
      %add3A_128 = arith.constant 2 : i32
      %add3A_129 = arith.addi %mul3A_119, %add3A_128 : i32
      %dma_start3A_130 = arith.constant 0 : i32
      %dma_start3A_131 = tpu.memref_slice %arg7[%add3A_129, %dma_start3A_130] : memref<25x80xi32, #tpu.memory_space<vmem>> -> memref<1x80xi32, #tpu.memory_space<vmem>>
      %dma_start3A_132 = tpu.memref_squeeze %dma_start3A_131 : memref<1x80xi32, #tpu.memory_space<vmem>> -> memref<80xi32, #tpu.memory_space<vmem>>
      %dma_start3A_133 = arith.constant 0 : i32
      %dma_start3A_134 = arith.constant 0 : i32
      %dma_start3A_135 = tpu.memref_slice %arg4[%dma_start3A_133, %dma_start3A_134] : memref<10000x128xf32, #tpu.memory_space<hbm>> -> memref<10000x128xf32, #tpu.memory_space<hbm>>
      tpu.enqueue_indirect_dma source(%dma_start3A_135 : memref<10000x128xf32, #tpu.memory_space<hbm>>) target(%arg11 : memref<80x128xf32, #tpu.memory_space<vmem>>) offsets(%dma_start3A_132 : memref<80xi32, #tpu.memory_space<vmem>>) semaphore(%arg16 : memref<!tpu.dma_semaphore, #tpu.memory_space<semaphore_mem>>)
      %add3A_136 = arith.constant 3 : i32
      %add3A_137 = arith.addi %mul3A_119, %add3A_136 : i32
      %dma_start3A_138 = arith.constant 0 : i32
      %dma_start3A_139 = tpu.memref_slice %arg7[%add3A_137, %dma_start3A_138] : memref<25x80xi32, #tpu.memory_space<vmem>> -> memref<1x80xi32, #tpu.memory_space<vmem>>
      %dma_start3A_140 = tpu.memref_squeeze %dma_start3A_139 : memref<1x80xi32, #tpu.memory_space<vmem>> -> memref<80xi32, #tpu.memory_space<vmem>>
      %dma_start3A_141 = arith.constant 0 : i32
      %dma_start3A_142 = arith.constant 0 : i32
      %dma_start3A_143 = tpu.memref_slice %arg4[%dma_start3A_141, %dma_start3A_142] : memref<10000x128xf32, #tpu.memory_space<hbm>> -> memref<10000x128xf32, #tpu.memory_space<hbm>>
      tpu.enqueue_indirect_dma source(%dma_start3A_143 : memref<10000x128xf32, #tpu.memory_space<hbm>>) target(%arg12 : memref<80x128xf32, #tpu.memory_space<vmem>>) offsets(%dma_start3A_140 : memref<80xi32, #tpu.memory_space<vmem>>) semaphore(%arg17 : memref<!tpu.dma_semaphore, #tpu.memory_space<semaphore_mem>>)
      %dma_start3A_144 = arith.constant 0 : i32
      %dma_start3A_145 = tpu.memref_slice %arg8[%mul3A_119, %dma_start3A_144] : memref<25x80xi32, #tpu.memory_space<vmem>> -> memref<1x80xi32, #tpu.memory_space<vmem>>
      %dma_start3A_146 = tpu.memref_squeeze %dma_start3A_145 : memref<1x80xi32, #tpu.memory_space<vmem>> -> memref<80xi32, #tpu.memory_space<vmem>>
      %dma_start3A_147 = arith.constant 0 : i32
      %dma_start3A_148 = arith.constant 0 : i32
      %dma_start3A_149 = tpu.memref_slice %arg13[%dma_start3A_147, %dma_start3A_148] : memref<10240x128xf32, #tpu.memory_space<vmem_shared>> -> memref<10240x128xf32, #tpu.memory_space<vmem_shared>>
      tpu.enqueue_indirect_dma source(%arg9 : memref<80x128xf32, #tpu.memory_space<vmem>>) target(%dma_start3A_149 : memref<10240x128xf32, #tpu.memory_space<vmem_shared>>) offsets(%dma_start3A_146 : memref<80xi32, #tpu.memory_space<vmem>>) semaphore(%arg18 : memref<!tpu.dma_semaphore, #tpu.memory_space<semaphore_mem>>) {add = true}
      %dma_wait3A_150 = arith.constant 0 : i32
      %dma_wait3A_151 = tpu.memref_slice %arg7[%add3A_121, %dma_wait3A_150] : memref<25x80xi32, #tpu.memory_space<vmem>> -> memref<1x80xi32, #tpu.memory_space<vmem>>
      %dma_wait3A_152 = tpu.memref_squeeze %dma_wait3A_151 : memref<1x80xi32, #tpu.memory_space<vmem>> -> memref<80xi32, #tpu.memory_space<vmem>>
      %dma_wait3A_153 = arith.constant 0 : i32
      %dma_wait3A_154 = arith.constant 0 : i32
      %dma_wait3A_155 = tpu.memref_slice %arg4[%dma_wait3A_153, %dma_wait3A_154] : memref<10000x128xf32, #tpu.memory_space<hbm>> -> memref<10000x128xf32, #tpu.memory_space<hbm>>
      tpu.wait_indirect_dma semaphore(%arg15 : memref<!tpu.dma_semaphore, #tpu.memory_space<semaphore_mem>>) src(%dma_wait3A_155 : memref<10000x128xf32, #tpu.memory_space<hbm>>) dst(%arg10 : memref<80x128xf32, #tpu.memory_space<vmem>>)
      %add3A_156 = arith.constant 1 : i32
      %add3A_157 = arith.addi %mul3A_119, %add3A_156 : i32
      %dma_start3A_158 = arith.constant 0 : i32
      %dma_start3A_159 = tpu.memref_slice %arg8[%add3A_157, %dma_start3A_158] : memref<25x80xi32, #tpu.memory_space<vmem>> -> memref<1x80xi32, #tpu.memory_space<vmem>>
      %dma_start3A_160 = tpu.memref_squeeze %dma_start3A_159 : memref<1x80xi32, #tpu.memory_space<vmem>> -> memref<80xi32, #tpu.memory_space<vmem>>
      %dma_start3A_161 = arith.constant 0 : i32
      %dma_start3A_162 = arith.constant 0 : i32
      %dma_start3A_163 = tpu.memref_slice %arg13[%dma_start3A_161, %dma_start3A_162] : memref<10240x128xf32, #tpu.memory_space<vmem_shared>> -> memref<10240x128xf32, #tpu.memory_space<vmem_shared>>
      tpu.enqueue_indirect_dma source(%arg10 : memref<80x128xf32, #tpu.memory_space<vmem>>) target(%dma_start3A_163 : memref<10240x128xf32, #tpu.memory_space<vmem_shared>>) offsets(%dma_start3A_160 : memref<80xi32, #tpu.memory_space<vmem>>) semaphore(%arg19 : memref<!tpu.dma_semaphore, #tpu.memory_space<semaphore_mem>>) {add = true}
      %dma_wait3A_164 = arith.constant 0 : i32
      %dma_wait3A_165 = tpu.memref_slice %arg8[%mul3A_119, %dma_wait3A_164] : memref<25x80xi32, #tpu.memory_space<vmem>> -> memref<1x80xi32, #tpu.memory_space<vmem>>
      %dma_wait3A_166 = tpu.memref_squeeze %dma_wait3A_165 : memref<1x80xi32, #tpu.memory_space<vmem>> -> memref<80xi32, #tpu.memory_space<vmem>>
      %dma_wait3A_167 = arith.constant 0 : i32
      %dma_wait3A_168 = arith.constant 0 : i32
      %dma_wait3A_169 = tpu.memref_slice %arg13[%dma_wait3A_167, %dma_wait3A_168] : memref<10240x128xf32, #tpu.memory_space<vmem_shared>> -> memref<10240x128xf32, #tpu.memory_space<vmem_shared>>
      tpu.wait_indirect_dma semaphore(%arg18 : memref<!tpu.dma_semaphore, #tpu.memory_space<semaphore_mem>>) src(%arg9 : memref<80x128xf32, #tpu.memory_space<vmem>>) dst(%dma_wait3A_169 : memref<10240x128xf32, #tpu.memory_space<vmem_shared>>)
      %add3A_170 = arith.constant 4 : i32
      %add3A_171 = arith.addi %mul3A_119, %add3A_170 : i32
      %dma_start3A_172 = arith.constant 0 : i32
      %dma_start3A_173 = tpu.memref_slice %arg7[%add3A_171, %dma_start3A_172] : memref<25x80xi32, #tpu.memory_space<vmem>> -> memref<1x80xi32, #tpu.memory_space<vmem>>
      %dma_start3A_174 = tpu.memref_squeeze %dma_start3A_173 : memref<1x80xi32, #tpu.memory_space<vmem>> -> memref<80xi32, #tpu.memory_space<vmem>>
      %dma_start3A_175 = arith.constant 0 : i32
      %dma_start3A_176 = arith.constant 0 : i32
      %dma_start3A_177 = tpu.memref_slice %arg4[%dma_start3A_175, %dma_start3A_176] : memref<10000x128xf32, #tpu.memory_space<hbm>> -> memref<10000x128xf32, #tpu.memory_space<hbm>>
      tpu.enqueue_indirect_dma source(%dma_start3A_177 : memref<10000x128xf32, #tpu.memory_space<hbm>>) target(%arg9 : memref<80x128xf32, #tpu.memory_space<vmem>>) offsets(%dma_start3A_174 : memref<80xi32, #tpu.memory_space<vmem>>) semaphore(%arg14 : memref<!tpu.dma_semaphore, #tpu.memory_space<semaphore_mem>>)
      %dma_wait3A_178 = arith.constant 0 : i32
      %dma_wait3A_179 = tpu.memref_slice %arg7[%add3A_129, %dma_wait3A_178] : memref<25x80xi32, #tpu.memory_space<vmem>> -> memref<1x80xi32, #tpu.memory_space<vmem>>
      %dma_wait3A_180 = tpu.memref_squeeze %dma_wait3A_179 : memref<1x80xi32, #tpu.memory_space<vmem>> -> memref<80xi32, #tpu.memory_space<vmem>>
      %dma_wait3A_181 = arith.constant 0 : i32
      %dma_wait3A_182 = arith.constant 0 : i32
      %dma_wait3A_183 = tpu.memref_slice %arg4[%dma_wait3A_181, %dma_wait3A_182] : memref<10000x128xf32, #tpu.memory_space<hbm>> -> memref<10000x128xf32, #tpu.memory_space<hbm>>
      tpu.wait_indirect_dma semaphore(%arg16 : memref<!tpu.dma_semaphore, #tpu.memory_space<semaphore_mem>>) src(%dma_wait3A_183 : memref<10000x128xf32, #tpu.memory_space<hbm>>) dst(%arg11 : memref<80x128xf32, #tpu.memory_space<vmem>>)
      %add3A_184 = arith.constant 2 : i32
      %add3A_185 = arith.addi %mul3A_119, %add3A_184 : i32
      %dma_start3A_186 = arith.constant 0 : i32
      %dma_start3A_187 = tpu.memref_slice %arg8[%add3A_185, %dma_start3A_186] : memref<25x80xi32, #tpu.memory_space<vmem>> -> memref<1x80xi32, #tpu.memory_space<vmem>>
      %dma_start3A_188 = tpu.memref_squeeze %dma_start3A_187 : memref<1x80xi32, #tpu.memory_space<vmem>> -> memref<80xi32, #tpu.memory_space<vmem>>
      %dma_start3A_189 = arith.constant 0 : i32
      %dma_start3A_190 = arith.constant 0 : i32
      %dma_start3A_191 = tpu.memref_slice %arg13[%dma_start3A_189, %dma_start3A_190] : memref<10240x128xf32, #tpu.memory_space<vmem_shared>> -> memref<10240x128xf32, #tpu.memory_space<vmem_shared>>
      tpu.enqueue_indirect_dma source(%arg11 : memref<80x128xf32, #tpu.memory_space<vmem>>) target(%dma_start3A_191 : memref<10240x128xf32, #tpu.memory_space<vmem_shared>>) offsets(%dma_start3A_188 : memref<80xi32, #tpu.memory_space<vmem>>) semaphore(%arg18 : memref<!tpu.dma_semaphore, #tpu.memory_space<semaphore_mem>>) {add = true}
      %dma_wait3A_192 = arith.constant 0 : i32
      %dma_wait3A_193 = tpu.memref_slice %arg8[%add3A_157, %dma_wait3A_192] : memref<25x80xi32, #tpu.memory_space<vmem>> -> memref<1x80xi32, #tpu.memory_space<vmem>>
      %dma_wait3A_194 = tpu.memref_squeeze %dma_wait3A_193 : memref<1x80xi32, #tpu.memory_space<vmem>> -> memref<80xi32, #tpu.memory_space<vmem>>
      %dma_wait3A_195 = arith.constant 0 : i32
      %dma_wait3A_196 = arith.constant 0 : i32
      %dma_wait3A_197 = tpu.memref_slice %arg13[%dma_wait3A_195, %dma_wait3A_196] : memref<10240x128xf32, #tpu.memory_space<vmem_shared>> -> memref<10240x128xf32, #tpu.memory_space<vmem_shared>>
      tpu.wait_indirect_dma semaphore(%arg19 : memref<!tpu.dma_semaphore, #tpu.memory_space<semaphore_mem>>) src(%arg10 : memref<80x128xf32, #tpu.memory_space<vmem>>) dst(%dma_wait3A_197 : memref<10240x128xf32, #tpu.memory_space<vmem_shared>>)
      %dma_wait3A_198 = arith.constant 0 : i32
      %dma_wait3A_199 = tpu.memref_slice %arg7[%add3A_137, %dma_wait3A_198] : memref<25x80xi32, #tpu.memory_space<vmem>> -> memref<1x80xi32, #tpu.memory_space<vmem>>
      %dma_wait3A_200 = tpu.memref_squeeze %dma_wait3A_199 : memref<1x80xi32, #tpu.memory_space<vmem>> -> memref<80xi32, #tpu.memory_space<vmem>>
      %dma_wait3A_201 = arith.constant 0 : i32
      %dma_wait3A_202 = arith.constant 0 : i32
      %dma_wait3A_203 = tpu.memref_slice %arg4[%dma_wait3A_201, %dma_wait3A_202] : memref<10000x128xf32, #tpu.memory_space<hbm>> -> memref<10000x128xf32, #tpu.memory_space<hbm>>
      tpu.wait_indirect_dma semaphore(%arg17 : memref<!tpu.dma_semaphore, #tpu.memory_space<semaphore_mem>>) src(%dma_wait3A_203 : memref<10000x128xf32, #tpu.memory_space<hbm>>) dst(%arg12 : memref<80x128xf32, #tpu.memory_space<vmem>>)
      %add3A_204 = arith.constant 3 : i32
      %add3A_205 = arith.addi %mul3A_119, %add3A_204 : i32
      %dma_start3A_206 = arith.constant 0 : i32
      %dma_start3A_207 = tpu.memref_slice %arg8[%add3A_205, %dma_start3A_206] : memref<25x80xi32, #tpu.memory_space<vmem>> -> memref<1x80xi32, #tpu.memory_space<vmem>>
      %dma_start3A_208 = tpu.memref_squeeze %dma_start3A_207 : memref<1x80xi32, #tpu.memory_space<vmem>> -> memref<80xi32, #tpu.memory_space<vmem>>
      %dma_start3A_209 = arith.constant 0 : i32
      %dma_start3A_210 = arith.constant 0 : i32
      %dma_start3A_211 = tpu.memref_slice %arg13[%dma_start3A_209, %dma_start3A_210] : memref<10240x128xf32, #tpu.memory_space<vmem_shared>> -> memref<10240x128xf32, #tpu.memory_space<vmem_shared>>
      tpu.enqueue_indirect_dma source(%arg12 : memref<80x128xf32, #tpu.memory_space<vmem>>) target(%dma_start3A_211 : memref<10240x128xf32, #tpu.memory_space<vmem_shared>>) offsets(%dma_start3A_208 : memref<80xi32, #tpu.memory_space<vmem>>) semaphore(%arg19 : memref<!tpu.dma_semaphore, #tpu.memory_space<semaphore_mem>>) {add = true}
      %dma_wait3A_212 = arith.constant 0 : i32
      %dma_wait3A_213 = tpu.memref_slice %arg8[%add3A_185, %dma_wait3A_212] : memref<25x80xi32, #tpu.memory_space<vmem>> -> memref<1x80xi32, #tpu.memory_space<vmem>>
      %dma_wait3A_214 = tpu.memref_squeeze %dma_wait3A_213 : memref<1x80xi32, #tpu.memory_space<vmem>> -> memref<80xi32, #tpu.memory_space<vmem>>
      %dma_wait3A_215 = arith.constant 0 : i32
      %dma_wait3A_216 = arith.constant 0 : i32
      %dma_wait3A_217 = tpu.memref_slice %arg13[%dma_wait3A_215, %dma_wait3A_216] : memref<10240x128xf32, #tpu.memory_space<vmem_shared>> -> memref<10240x128xf32, #tpu.memory_space<vmem_shared>>
      tpu.wait_indirect_dma semaphore(%arg18 : memref<!tpu.dma_semaphore, #tpu.memory_space<semaphore_mem>>) src(%arg11 : memref<80x128xf32, #tpu.memory_space<vmem>>) dst(%dma_wait3A_217 : memref<10240x128xf32, #tpu.memory_space<vmem_shared>>)
      %dma_wait3A_218 = arith.constant 0 : i32
      %dma_wait3A_219 = tpu.memref_slice %arg8[%add3A_205, %dma_wait3A_218] : memref<25x80xi32, #tpu.memory_space<vmem>> -> memref<1x80xi32, #tpu.memory_space<vmem>>
      %dma_wait3A_220 = tpu.memref_squeeze %dma_wait3A_219 : memref<1x80xi32, #tpu.memory_space<vmem>> -> memref<80xi32, #tpu.memory_space<vmem>>
      %dma_wait3A_221 = arith.constant 0 : i32
      %dma_wait3A_222 = arith.constant 0 : i32
      %dma_wait3A_223 = tpu.memref_slice %arg13[%dma_wait3A_221, %dma_wait3A_222] : memref<10240x128xf32, #tpu.memory_space<vmem_shared>> -> memref<10240x128xf32, #tpu.memory_space<vmem_shared>>
      tpu.wait_indirect_dma semaphore(%arg19 : memref<!tpu.dma_semaphore, #tpu.memory_space<semaphore_mem>>) src(%arg12 : memref<80x128xf32, #tpu.memory_space<vmem>>) dst(%dma_wait3A_223 : memref<10240x128xf32, #tpu.memory_space<vmem_shared>>)
      %dma_wait3A_224 = arith.constant 0 : i32
      %dma_wait3A_225 = tpu.memref_slice %arg7[%add3A_171, %dma_wait3A_224] : memref<25x80xi32, #tpu.memory_space<vmem>> -> memref<1x80xi32, #tpu.memory_space<vmem>>
      %dma_wait3A_226 = tpu.memref_squeeze %dma_wait3A_225 : memref<1x80xi32, #tpu.memory_space<vmem>> -> memref<80xi32, #tpu.memory_space<vmem>>
      %dma_wait3A_227 = arith.constant 0 : i32
      %dma_wait3A_228 = arith.constant 0 : i32
      %dma_wait3A_229 = tpu.memref_slice %arg4[%dma_wait3A_227, %dma_wait3A_228] : memref<10000x128xf32, #tpu.memory_space<hbm>> -> memref<10000x128xf32, #tpu.memory_space<hbm>>
      tpu.wait_indirect_dma semaphore(%arg14 : memref<!tpu.dma_semaphore, #tpu.memory_space<semaphore_mem>>) src(%dma_wait3A_229 : memref<10000x128xf32, #tpu.memory_space<hbm>>) dst(%arg9 : memref<80x128xf32, #tpu.memory_space<vmem>>)
    }
    %scan3A_20 = arith.constant 6 : i32
    %run_scoped3A_21 = arith.constant 24 : i32
    "tpu.region"() ({
      %run_scoped3A_117 = tpu.sem_alloc : memref<!tpu.dma_semaphore, #tpu.memory_space<semaphore_mem>>
      %dma_start3A_118 = arith.constant 0 : i32
      %dma_start3A_119 = tpu.memref_slice %arg8[%run_scoped3A_21, %dma_start3A_118] : memref<25x80xi32, #tpu.memory_space<vmem>> -> memref<1x80xi32, #tpu.memory_space<vmem>>
      %dma_start3A_120 = tpu.memref_squeeze %dma_start3A_119 : memref<1x80xi32, #tpu.memory_space<vmem>> -> memref<80xi32, #tpu.memory_space<vmem>>
      %dma_start3A_121 = arith.constant 0 : i32
      %dma_start3A_122 = arith.constant 0 : i32
      %dma_start3A_123 = tpu.memref_slice %arg13[%dma_start3A_121, %dma_start3A_122] : memref<10240x128xf32, #tpu.memory_space<vmem_shared>> -> memref<10240x128xf32, #tpu.memory_space<vmem_shared>>
      tpu.enqueue_indirect_dma source(%arg9 : memref<80x128xf32, #tpu.memory_space<vmem>>) target(%dma_start3A_123 : memref<10240x128xf32, #tpu.memory_space<vmem_shared>>) offsets(%dma_start3A_120 : memref<80xi32, #tpu.memory_space<vmem>>) semaphore(%run_scoped3A_117 : memref<!tpu.dma_semaphore, #tpu.memory_space<semaphore_mem>>) {add = true}
      %dma_wait3A_124 = arith.constant 0 : i32
      %dma_wait3A_125 = tpu.memref_slice %arg8[%run_scoped3A_21, %dma_wait3A_124] : memref<25x80xi32, #tpu.memory_space<vmem>> -> memref<1x80xi32, #tpu.memory_space<vmem>>
      %dma_wait3A_126 = tpu.memref_squeeze %dma_wait3A_125 : memref<1x80xi32, #tpu.memory_space<vmem>> -> memref<80xi32, #tpu.memory_space<vmem>>
      %dma_wait3A_127 = arith.constant 0 : i32
      %dma_wait3A_128 = arith.constant 0 : i32
      %dma_wait3A_129 = tpu.memref_slice %arg13[%dma_wait3A_127, %dma_wait3A_128] : memref<10240x128xf32, #tpu.memory_space<vmem_shared>> -> memref<10240x128xf32, #tpu.memory_space<vmem_shared>>
      tpu.wait_indirect_dma semaphore(%run_scoped3A_117 : memref<!tpu.dma_semaphore, #tpu.memory_space<semaphore_mem>>) src(%arg9 : memref<80x128xf32, #tpu.memory_space<vmem>>) dst(%dma_wait3A_129 : memref<10240x128xf32, #tpu.memory_space<vmem_shared>>)
      tpu.yield
    }) : () -> ()
    %run_scoped3A_22 = arith.constant 1 : i32
    "tpu.region"() ({
      %run_scoped3A_117 = tpu.sem_alloc : memref<!tpu.dma_semaphore, #tpu.memory_space<semaphore_mem>>
      %dma_start3A_118 = arith.constant 0 : i32
      %dma_start3A_119 = arith.constant 0 : i32
      %dma_start3A_120 = tpu.memref_slice %arg2[%add3A, %run_scoped3A_22, %dma_start3A_118, %dma_start3A_119] : memref<32x5x25x80xi32, #tpu.memory_space<hbm>> -> memref<1x1x25x80xi32, #tpu.memory_space<hbm>>
      %dma_start3A_121 = tpu.memref_squeeze %dma_start3A_120 : memref<1x1x25x80xi32, #tpu.memory_space<hbm>> -> memref<25x80xi32, #tpu.memory_space<hbm>>
      %dma_start3A_122 = arith.constant 0 : i32
      %dma_start3A_123 = arith.constant 0 : i32
      %dma_start3A_124 = tpu.memref_slice %arg2[%add3A, %run_scoped3A_22, %dma_start3A_122, %dma_start3A_123] : memref<32x5x25x80xi32, #tpu.memory_space<hbm>> -> memref<1x1x25x80xi32, #tpu.memory_space<hbm>>
      %dma_start3A_125 = tpu.memref_squeeze %dma_start3A_124 : memref<1x1x25x80xi32, #tpu.memory_space<hbm>> -> memref<25x80xi32, #tpu.memory_space<hbm>>
      tpu.enqueue_dma source(%dma_start3A_125 : memref<25x80xi32, #tpu.memory_space<hbm>>) target(%arg7 : memref<25x80xi32, #tpu.memory_space<vmem>>) target_semaphore(%run_scoped3A_117 : memref<!tpu.dma_semaphore, #tpu.memory_space<semaphore_mem>>)
      %dma_wait3A_126 = arith.constant 0 : i32
      %dma_wait3A_127 = arith.constant 0 : i32
      %dma_wait3A_128 = tpu.memref_slice %arg2[%add3A, %run_scoped3A_22, %dma_wait3A_126, %dma_wait3A_127] : memref<32x5x25x80xi32, #tpu.memory_space<hbm>> -> memref<1x1x25x80xi32, #tpu.memory_space<hbm>>
      %dma_wait3A_129 = tpu.memref_squeeze %dma_wait3A_128 : memref<1x1x25x80xi32, #tpu.memory_space<hbm>> -> memref<25x80xi32, #tpu.memory_space<hbm>>
      %dma_wait3A_130 = arith.constant 0 : i32
      %dma_wait3A_131 = arith.constant 0 : i32
      %dma_wait3A_132 = tpu.memref_slice %arg2[%add3A, %run_scoped3A_22, %dma_wait3A_130, %dma_wait3A_131] : memref<32x5x25x80xi32, #tpu.memory_space<hbm>> -> memref<1x1x25x80xi32, #tpu.memory_space<hbm>>
      %dma_wait3A_133 = tpu.memref_squeeze %dma_wait3A_132 : memref<1x1x25x80xi32, #tpu.memory_space<hbm>> -> memref<25x80xi32, #tpu.memory_space<hbm>>
      tpu.wait_dma2 semaphore(%run_scoped3A_117 : memref<!tpu.dma_semaphore, #tpu.memory_space<semaphore_mem>>) src(%dma_wait3A_133 : memref<25x80xi32, #tpu.memory_space<hbm>>) dst(%arg7 : memref<25x80xi32, #tpu.memory_space<vmem>>)
      tpu.yield
    }) : () -> ()
    %run_scoped3A_23 = arith.constant 1 : i32
    "tpu.region"() ({
      %run_scoped3A_117 = tpu.sem_alloc : memref<!tpu.dma_semaphore, #tpu.memory_space<semaphore_mem>>
      %dma_start3A_118 = arith.constant 0 : i32
      %dma_start3A_119 = arith.constant 0 : i32
      %dma_start3A_120 = tpu.memref_slice %arg3[%add3A, %run_scoped3A_23, %dma_start3A_118, %dma_start3A_119] : memref<32x5x25x80xi32, #tpu.memory_space<hbm>> -> memref<1x1x25x80xi32, #tpu.memory_space<hbm>>
      %dma_start3A_121 = tpu.memref_squeeze %dma_start3A_120 : memref<1x1x25x80xi32, #tpu.memory_space<hbm>> -> memref<25x80xi32, #tpu.memory_space<hbm>>
      %dma_start3A_122 = arith.constant 0 : i32
      %dma_start3A_123 = arith.constant 0 : i32
      %dma_start3A_124 = tpu.memref_slice %arg3[%add3A, %run_scoped3A_23, %dma_start3A_122, %dma_start3A_123] : memref<32x5x25x80xi32, #tpu.memory_space<hbm>> -> memref<1x1x25x80xi32, #tpu.memory_space<hbm>>
      %dma_start3A_125 = tpu.memref_squeeze %dma_start3A_124 : memref<1x1x25x80xi32, #tpu.memory_space<hbm>> -> memref<25x80xi32, #tpu.memory_space<hbm>>
      tpu.enqueue_dma source(%dma_start3A_125 : memref<25x80xi32, #tpu.memory_space<hbm>>) target(%arg8 : memref<25x80xi32, #tpu.memory_space<vmem>>) target_semaphore(%run_scoped3A_117 : memref<!tpu.dma_semaphore, #tpu.memory_space<semaphore_mem>>)
      %dma_wait3A_126 = arith.constant 0 : i32
      %dma_wait3A_127 = arith.constant 0 : i32
      %dma_wait3A_128 = tpu.memref_slice %arg3[%add3A, %run_scoped3A_23, %dma_wait3A_126, %dma_wait3A_127] : memref<32x5x25x80xi32, #tpu.memory_space<hbm>> -> memref<1x1x25x80xi32, #tpu.memory_space<hbm>>
      %dma_wait3A_129 = tpu.memref_squeeze %dma_wait3A_128 : memref<1x1x25x80xi32, #tpu.memory_space<hbm>> -> memref<25x80xi32, #tpu.memory_space<hbm>>
      %dma_wait3A_130 = arith.constant 0 : i32
      %dma_wait3A_131 = arith.constant 0 : i32
      %dma_wait3A_132 = tpu.memref_slice %arg3[%add3A, %run_scoped3A_23, %dma_wait3A_130, %dma_wait3A_131] : memref<32x5x25x80xi32, #tpu.memory_space<hbm>> -> memref<1x1x25x80xi32, #tpu.memory_space<hbm>>
      %dma_wait3A_133 = tpu.memref_squeeze %dma_wait3A_132 : memref<1x1x25x80xi32, #tpu.memory_space<hbm>> -> memref<25x80xi32, #tpu.memory_space<hbm>>
      tpu.wait_dma2 semaphore(%run_scoped3A_117 : memref<!tpu.dma_semaphore, #tpu.memory_space<semaphore_mem>>) src(%dma_wait3A_133 : memref<25x80xi32, #tpu.memory_space<hbm>>) dst(%arg8 : memref<25x80xi32, #tpu.memory_space<vmem>>)
      tpu.yield
    }) : () -> ()
    %dma_start3A_24 = arith.constant 0 : i32
    %dma_start3A_25 = arith.constant 0 : i32
    %dma_start3A_26 = tpu.memref_slice %arg7[%dma_start3A_24, %dma_start3A_25] : memref<25x80xi32, #tpu.memory_space<vmem>> -> memref<1x80xi32, #tpu.memory_space<vmem>>
    %dma_start3A_27 = tpu.memref_squeeze %dma_start3A_26 : memref<1x80xi32, #tpu.memory_space<vmem>> -> memref<80xi32, #tpu.memory_space<vmem>>
    %dma_start3A_28 = arith.constant 0 : i32
    %dma_start3A_29 = arith.constant 0 : i32
    %dma_start3A_30 = tpu.memref_slice %arg4[%dma_start3A_28, %dma_start3A_29] : memref<10000x128xf32, #tpu.memory_space<hbm>> -> memref<10000x128xf32, #tpu.memory_space<hbm>>
    tpu.enqueue_indirect_dma source(%dma_start3A_30 : memref<10000x128xf32, #tpu.memory_space<hbm>>) target(%arg9 : memref<80x128xf32, #tpu.memory_space<vmem>>) offsets(%dma_start3A_27 : memref<80xi32, #tpu.memory_space<vmem>>) semaphore(%arg14 : memref<!tpu.dma_semaphore, #tpu.memory_space<semaphore_mem>>)
    %dma_wait3A_31 = arith.constant 0 : i32
    %dma_wait3A_32 = arith.constant 0 : i32
    %dma_wait3A_33 = tpu.memref_slice %arg7[%dma_wait3A_31, %dma_wait3A_32] : memref<25x80xi32, #tpu.memory_space<vmem>> -> memref<1x80xi32, #tpu.memory_space<vmem>>
    %dma_wait3A_34 = tpu.memref_squeeze %dma_wait3A_33 : memref<1x80xi32, #tpu.memory_space<vmem>> -> memref<80xi32, #tpu.memory_space<vmem>>
    %dma_wait3A_35 = arith.constant 0 : i32
    %dma_wait3A_36 = arith.constant 0 : i32
    %dma_wait3A_37 = tpu.memref_slice %arg4[%dma_wait3A_35, %dma_wait3A_36] : memref<10000x128xf32, #tpu.memory_space<hbm>> -> memref<10000x128xf32, #tpu.memory_space<hbm>>
    tpu.wait_indirect_dma semaphore(%arg14 : memref<!tpu.dma_semaphore, #tpu.memory_space<semaphore_mem>>) src(%dma_wait3A_37 : memref<10000x128xf32, #tpu.memory_space<hbm>>) dst(%arg9 : memref<80x128xf32, #tpu.memory_space<vmem>>)
    %scan3A_38 = arith.constant 0 : i32
    %scan3A_39 = arith.constant 0 : i32
    %scan3A_40 = arith.constant 6 : i32
    %scan3A_41 = arith.addi %scan3A_39, %scan3A_40 : i32
    %scan3A_42 = arith.constant 1 : i32
    scf.for %scan3A_117 = %scan3A_39 to %scan3A_41 step %scan3A_42  : i32 {
      %mul3A_118 = arith.constant 4 : i32
      %mul3A_119 = arith.muli %mul3A_118, %scan3A_117 : i32
      %add3A_120 = arith.constant 1 : i32
      %add3A_121 = arith.addi %mul3A_119, %add3A_120 : i32
      %dma_start3A_122 = arith.constant 0 : i32
      %dma_start3A_123 = tpu.memref_slice %arg7[%add3A_121, %dma_start3A_122] : memref<25x80xi32, #tpu.memory_space<vmem>> -> memref<1x80xi32, #tpu.memory_space<vmem>>
      %dma_start3A_124 = tpu.memref_squeeze %dma_start3A_123 : memref<1x80xi32, #tpu.memory_space<vmem>> -> memref<80xi32, #tpu.memory_space<vmem>>
      %dma_start3A_125 = arith.constant 0 : i32
      %dma_start3A_126 = arith.constant 0 : i32
      %dma_start3A_127 = tpu.memref_slice %arg4[%dma_start3A_125, %dma_start3A_126] : memref<10000x128xf32, #tpu.memory_space<hbm>> -> memref<10000x128xf32, #tpu.memory_space<hbm>>
      tpu.enqueue_indirect_dma source(%dma_start3A_127 : memref<10000x128xf32, #tpu.memory_space<hbm>>) target(%arg10 : memref<80x128xf32, #tpu.memory_space<vmem>>) offsets(%dma_start3A_124 : memref<80xi32, #tpu.memory_space<vmem>>) semaphore(%arg15 : memref<!tpu.dma_semaphore, #tpu.memory_space<semaphore_mem>>)
      %add3A_128 = arith.constant 2 : i32
      %add3A_129 = arith.addi %mul3A_119, %add3A_128 : i32
      %dma_start3A_130 = arith.constant 0 : i32
      %dma_start3A_131 = tpu.memref_slice %arg7[%add3A_129, %dma_start3A_130] : memref<25x80xi32, #tpu.memory_space<vmem>> -> memref<1x80xi32, #tpu.memory_space<vmem>>
      %dma_start3A_132 = tpu.memref_squeeze %dma_start3A_131 : memref<1x80xi32, #tpu.memory_space<vmem>> -> memref<80xi32, #tpu.memory_space<vmem>>
      %dma_start3A_133 = arith.constant 0 : i32
      %dma_start3A_134 = arith.constant 0 : i32
      %dma_start3A_135 = tpu.memref_slice %arg4[%dma_start3A_133, %dma_start3A_134] : memref<10000x128xf32, #tpu.memory_space<hbm>> -> memref<10000x128xf32, #tpu.memory_space<hbm>>
      tpu.enqueue_indirect_dma source(%dma_start3A_135 : memref<10000x128xf32, #tpu.memory_space<hbm>>) target(%arg11 : memref<80x128xf32, #tpu.memory_space<vmem>>) offsets(%dma_start3A_132 : memref<80xi32, #tpu.memory_space<vmem>>) semaphore(%arg16 : memref<!tpu.dma_semaphore, #tpu.memory_space<semaphore_mem>>)
      %add3A_136 = arith.constant 3 : i32
      %add3A_137 = arith.addi %mul3A_119, %add3A_136 : i32
      %dma_start3A_138 = arith.constant 0 : i32
      %dma_start3A_139 = tpu.memref_slice %arg7[%add3A_137, %dma_start3A_138] : memref<25x80xi32, #tpu.memory_space<vmem>> -> memref<1x80xi32, #tpu.memory_space<vmem>>
      %dma_start3A_140 = tpu.memref_squeeze %dma_start3A_139 : memref<1x80xi32, #tpu.memory_space<vmem>> -> memref<80xi32, #tpu.memory_space<vmem>>
      %dma_start3A_141 = arith.constant 0 : i32
      %dma_start3A_142 = arith.constant 0 : i32
      %dma_start3A_143 = tpu.memref_slice %arg4[%dma_start3A_141, %dma_start3A_142] : memref<10000x128xf32, #tpu.memory_space<hbm>> -> memref<10000x128xf32, #tpu.memory_space<hbm>>
      tpu.enqueue_indirect_dma source(%dma_start3A_143 : memref<10000x128xf32, #tpu.memory_space<hbm>>) target(%arg12 : memref<80x128xf32, #tpu.memory_space<vmem>>) offsets(%dma_start3A_140 : memref<80xi32, #tpu.memory_space<vmem>>) semaphore(%arg17 : memref<!tpu.dma_semaphore, #tpu.memory_space<semaphore_mem>>)
      %dma_start3A_144 = arith.constant 0 : i32
      %dma_start3A_145 = tpu.memref_slice %arg8[%mul3A_119, %dma_start3A_144] : memref<25x80xi32, #tpu.memory_space<vmem>> -> memref<1x80xi32, #tpu.memory_space<vmem>>
      %dma_start3A_146 = tpu.memref_squeeze %dma_start3A_145 : memref<1x80xi32, #tpu.memory_space<vmem>> -> memref<80xi32, #tpu.memory_space<vmem>>
      %dma_start3A_147 = arith.constant 0 : i32
      %dma_start3A_148 = arith.constant 0 : i32
      %dma_start3A_149 = tpu.memref_slice %arg13[%dma_start3A_147, %dma_start3A_148] : memref<10240x128xf32, #tpu.memory_space<vmem_shared>> -> memref<10240x128xf32, #tpu.memory_space<vmem_shared>>
      tpu.enqueue_indirect_dma source(%arg9 : memref<80x128xf32, #tpu.memory_space<vmem>>) target(%dma_start3A_149 : memref<10240x128xf32, #tpu.memory_space<vmem_shared>>) offsets(%dma_start3A_146 : memref<80xi32, #tpu.memory_space<vmem>>) semaphore(%arg18 : memref<!tpu.dma_semaphore, #tpu.memory_space<semaphore_mem>>) {add = true}
      %dma_wait3A_150 = arith.constant 0 : i32
      %dma_wait3A_151 = tpu.memref_slice %arg7[%add3A_121, %dma_wait3A_150] : memref<25x80xi32, #tpu.memory_space<vmem>> -> memref<1x80xi32, #tpu.memory_space<vmem>>
      %dma_wait3A_152 = tpu.memref_squeeze %dma_wait3A_151 : memref<1x80xi32, #tpu.memory_space<vmem>> -> memref<80xi32, #tpu.memory_space<vmem>>
      %dma_wait3A_153 = arith.constant 0 : i32
      %dma_wait3A_154 = arith.constant 0 : i32
      %dma_wait3A_155 = tpu.memref_slice %arg4[%dma_wait3A_153, %dma_wait3A_154] : memref<10000x128xf32, #tpu.memory_space<hbm>> -> memref<10000x128xf32, #tpu.memory_space<hbm>>
      tpu.wait_indirect_dma semaphore(%arg15 : memref<!tpu.dma_semaphore, #tpu.memory_space<semaphore_mem>>) src(%dma_wait3A_155 : memref<10000x128xf32, #tpu.memory_space<hbm>>) dst(%arg10 : memref<80x128xf32, #tpu.memory_space<vmem>>)
      %add3A_156 = arith.constant 1 : i32
      %add3A_157 = arith.addi %mul3A_119, %add3A_156 : i32
      %dma_start3A_158 = arith.constant 0 : i32
      %dma_start3A_159 = tpu.memref_slice %arg8[%add3A_157, %dma_start3A_158] : memref<25x80xi32, #tpu.memory_space<vmem>> -> memref<1x80xi32, #tpu.memory_space<vmem>>
      %dma_start3A_160 = tpu.memref_squeeze %dma_start3A_159 : memref<1x80xi32, #tpu.memory_space<vmem>> -> memref<80xi32, #tpu.memory_space<vmem>>
      %dma_start3A_161 = arith.constant 0 : i32
      %dma_start3A_162 = arith.constant 0 : i32
      %dma_start3A_163 = tpu.memref_slice %arg13[%dma_start3A_161, %dma_start3A_162] : memref<10240x128xf32, #tpu.memory_space<vmem_shared>> -> memref<10240x128xf32, #tpu.memory_space<vmem_shared>>
      tpu.enqueue_indirect_dma source(%arg10 : memref<80x128xf32, #tpu.memory_space<vmem>>) target(%dma_start3A_163 : memref<10240x128xf32, #tpu.memory_space<vmem_shared>>) offsets(%dma_start3A_160 : memref<80xi32, #tpu.memory_space<vmem>>) semaphore(%arg19 : memref<!tpu.dma_semaphore, #tpu.memory_space<semaphore_mem>>) {add = true}
      %dma_wait3A_164 = arith.constant 0 : i32
      %dma_wait3A_165 = tpu.memref_slice %arg8[%mul3A_119, %dma_wait3A_164] : memref<25x80xi32, #tpu.memory_space<vmem>> -> memref<1x80xi32, #tpu.memory_space<vmem>>
      %dma_wait3A_166 = tpu.memref_squeeze %dma_wait3A_165 : memref<1x80xi32, #tpu.memory_space<vmem>> -> memref<80xi32, #tpu.memory_space<vmem>>
      %dma_wait3A_167 = arith.constant 0 : i32
      %dma_wait3A_168 = arith.constant 0 : i32
      %dma_wait3A_169 = tpu.memref_slice %arg13[%dma_wait3A_167, %dma_wait3A_168] : memref<10240x128xf32, #tpu.memory_space<vmem_shared>> -> memref<10240x128xf32, #tpu.memory_space<vmem_shared>>
      tpu.wait_indirect_dma semaphore(%arg18 : memref<!tpu.dma_semaphore, #tpu.memory_space<semaphore_mem>>) src(%arg9 : memref<80x128xf32, #tpu.memory_space<vmem>>) dst(%dma_wait3A_169 : memref<10240x128xf32, #tpu.memory_space<vmem_shared>>)
      %add3A_170 = arith.constant 4 : i32
      %add3A_171 = arith.addi %mul3A_119, %add3A_170 : i32
      %dma_start3A_172 = arith.constant 0 : i32
      %dma_start3A_173 = tpu.memref_slice %arg7[%add3A_171, %dma_start3A_172] : memref<25x80xi32, #tpu.memory_space<vmem>> -> memref<1x80xi32, #tpu.memory_space<vmem>>
      %dma_start3A_174 = tpu.memref_squeeze %dma_start3A_173 : memref<1x80xi32, #tpu.memory_space<vmem>> -> memref<80xi32, #tpu.memory_space<vmem>>
      %dma_start3A_175 = arith.constant 0 : i32
      %dma_start3A_176 = arith.constant 0 : i32
      %dma_start3A_177 = tpu.memref_slice %arg4[%dma_start3A_175, %dma_start3A_176] : memref<10000x128xf32, #tpu.memory_space<hbm>> -> memref<10000x128xf32, #tpu.memory_space<hbm>>
      tpu.enqueue_indirect_dma source(%dma_start3A_177 : memref<10000x128xf32, #tpu.memory_space<hbm>>) target(%arg9 : memref<80x128xf32, #tpu.memory_space<vmem>>) offsets(%dma_start3A_174 : memref<80xi32, #tpu.memory_space<vmem>>) semaphore(%arg14 : memref<!tpu.dma_semaphore, #tpu.memory_space<semaphore_mem>>)
      %dma_wait3A_178 = arith.constant 0 : i32
      %dma_wait3A_179 = tpu.memref_slice %arg7[%add3A_129, %dma_wait3A_178] : memref<25x80xi32, #tpu.memory_space<vmem>> -> memref<1x80xi32, #tpu.memory_space<vmem>>
      %dma_wait3A_180 = tpu.memref_squeeze %dma_wait3A_179 : memref<1x80xi32, #tpu.memory_space<vmem>> -> memref<80xi32, #tpu.memory_space<vmem>>
      %dma_wait3A_181 = arith.constant 0 : i32
      %dma_wait3A_182 = arith.constant 0 : i32
      %dma_wait3A_183 = tpu.memref_slice %arg4[%dma_wait3A_181, %dma_wait3A_182] : memref<10000x128xf32, #tpu.memory_space<hbm>> -> memref<10000x128xf32, #tpu.memory_space<hbm>>
      tpu.wait_indirect_dma semaphore(%arg16 : memref<!tpu.dma_semaphore, #tpu.memory_space<semaphore_mem>>) src(%dma_wait3A_183 : memref<10000x128xf32, #tpu.memory_space<hbm>>) dst(%arg11 : memref<80x128xf32, #tpu.memory_space<vmem>>)
      %add3A_184 = arith.constant 2 : i32
      %add3A_185 = arith.addi %mul3A_119, %add3A_184 : i32
      %dma_start3A_186 = arith.constant 0 : i32
      %dma_start3A_187 = tpu.memref_slice %arg8[%add3A_185, %dma_start3A_186] : memref<25x80xi32, #tpu.memory_space<vmem>> -> memref<1x80xi32, #tpu.memory_space<vmem>>
      %dma_start3A_188 = tpu.memref_squeeze %dma_start3A_187 : memref<1x80xi32, #tpu.memory_space<vmem>> -> memref<80xi32, #tpu.memory_space<vmem>>
      %dma_start3A_189 = arith.constant 0 : i32
      %dma_start3A_190 = arith.constant 0 : i32
      %dma_start3A_191 = tpu.memref_slice %arg13[%dma_start3A_189, %dma_start3A_190] : memref<10240x128xf32, #tpu.memory_space<vmem_shared>> -> memref<10240x128xf32, #tpu.memory_space<vmem_shared>>
      tpu.enqueue_indirect_dma source(%arg11 : memref<80x128xf32, #tpu.memory_space<vmem>>) target(%dma_start3A_191 : memref<10240x128xf32, #tpu.memory_space<vmem_shared>>) offsets(%dma_start3A_188 : memref<80xi32, #tpu.memory_space<vmem>>) semaphore(%arg18 : memref<!tpu.dma_semaphore, #tpu.memory_space<semaphore_mem>>) {add = true}
      %dma_wait3A_192 = arith.constant 0 : i32
      %dma_wait3A_193 = tpu.memref_slice %arg8[%add3A_157, %dma_wait3A_192] : memref<25x80xi32, #tpu.memory_space<vmem>> -> memref<1x80xi32, #tpu.memory_space<vmem>>
      %dma_wait3A_194 = tpu.memref_squeeze %dma_wait3A_193 : memref<1x80xi32, #tpu.memory_space<vmem>> -> memref<80xi32, #tpu.memory_space<vmem>>
      %dma_wait3A_195 = arith.constant 0 : i32
      %dma_wait3A_196 = arith.constant 0 : i32
      %dma_wait3A_197 = tpu.memref_slice %arg13[%dma_wait3A_195, %dma_wait3A_196] : memref<10240x128xf32, #tpu.memory_space<vmem_shared>> -> memref<10240x128xf32, #tpu.memory_space<vmem_shared>>
      tpu.wait_indirect_dma semaphore(%arg19 : memref<!tpu.dma_semaphore, #tpu.memory_space<semaphore_mem>>) src(%arg10 : memref<80x128xf32, #tpu.memory_space<vmem>>) dst(%dma_wait3A_197 : memref<10240x128xf32, #tpu.memory_space<vmem_shared>>)
      %dma_wait3A_198 = arith.constant 0 : i32
      %dma_wait3A_199 = tpu.memref_slice %arg7[%add3A_137, %dma_wait3A_198] : memref<25x80xi32, #tpu.memory_space<vmem>> -> memref<1x80xi32, #tpu.memory_space<vmem>>
      %dma_wait3A_200 = tpu.memref_squeeze %dma_wait3A_199 : memref<1x80xi32, #tpu.memory_space<vmem>> -> memref<80xi32, #tpu.memory_space<vmem>>
      %dma_wait3A_201 = arith.constant 0 : i32
      %dma_wait3A_202 = arith.constant 0 : i32
      %dma_wait3A_203 = tpu.memref_slice %arg4[%dma_wait3A_201, %dma_wait3A_202] : memref<10000x128xf32, #tpu.memory_space<hbm>> -> memref<10000x128xf32, #tpu.memory_space<hbm>>
      tpu.wait_indirect_dma semaphore(%arg17 : memref<!tpu.dma_semaphore, #tpu.memory_space<semaphore_mem>>) src(%dma_wait3A_203 : memref<10000x128xf32, #tpu.memory_space<hbm>>) dst(%arg12 : memref<80x128xf32, #tpu.memory_space<vmem>>)
      %add3A_204 = arith.constant 3 : i32
      %add3A_205 = arith.addi %mul3A_119, %add3A_204 : i32
      %dma_start3A_206 = arith.constant 0 : i32
      %dma_start3A_207 = tpu.memref_slice %arg8[%add3A_205, %dma_start3A_206] : memref<25x80xi32, #tpu.memory_space<vmem>> -> memref<1x80xi32, #tpu.memory_space<vmem>>
      %dma_start3A_208 = tpu.memref_squeeze %dma_start3A_207 : memref<1x80xi32, #tpu.memory_space<vmem>> -> memref<80xi32, #tpu.memory_space<vmem>>
      %dma_start3A_209 = arith.constant 0 : i32
      %dma_start3A_210 = arith.constant 0 : i32
      %dma_start3A_211 = tpu.memref_slice %arg13[%dma_start3A_209, %dma_start3A_210] : memref<10240x128xf32, #tpu.memory_space<vmem_shared>> -> memref<10240x128xf32, #tpu.memory_space<vmem_shared>>
      tpu.enqueue_indirect_dma source(%arg12 : memref<80x128xf32, #tpu.memory_space<vmem>>) target(%dma_start3A_211 : memref<10240x128xf32, #tpu.memory_space<vmem_shared>>) offsets(%dma_start3A_208 : memref<80xi32, #tpu.memory_space<vmem>>) semaphore(%arg19 : memref<!tpu.dma_semaphore, #tpu.memory_space<semaphore_mem>>) {add = true}
      %dma_wait3A_212 = arith.constant 0 : i32
      %dma_wait3A_213 = tpu.memref_slice %arg8[%add3A_185, %dma_wait3A_212] : memref<25x80xi32, #tpu.memory_space<vmem>> -> memref<1x80xi32, #tpu.memory_space<vmem>>
      %dma_wait3A_214 = tpu.memref_squeeze %dma_wait3A_213 : memref<1x80xi32, #tpu.memory_space<vmem>> -> memref<80xi32, #tpu.memory_space<vmem>>
      %dma_wait3A_215 = arith.constant 0 : i32
      %dma_wait3A_216 = arith.constant 0 : i32
      %dma_wait3A_217 = tpu.memref_slice %arg13[%dma_wait3A_215, %dma_wait3A_216] : memref<10240x128xf32, #tpu.memory_space<vmem_shared>> -> memref<10240x128xf32, #tpu.memory_space<vmem_shared>>
      tpu.wait_indirect_dma semaphore(%arg18 : memref<!tpu.dma_semaphore, #tpu.memory_space<semaphore_mem>>) src(%arg11 : memref<80x128xf32, #tpu.memory_space<vmem>>) dst(%dma_wait3A_217 : memref<10240x128xf32, #tpu.memory_space<vmem_shared>>)
      %dma_wait3A_218 = arith.constant 0 : i32
      %dma_wait3A_219 = tpu.memref_slice %arg8[%add3A_205, %dma_wait3A_218] : memref<25x80xi32, #tpu.memory_space<vmem>> -> memref<1x80xi32, #tpu.memory_space<vmem>>
      %dma_wait3A_220 = tpu.memref_squeeze %dma_wait3A_219 : memref<1x80xi32, #tpu.memory_space<vmem>> -> memref<80xi32, #tpu.memory_space<vmem>>
      %dma_wait3A_221 = arith.constant 0 : i32
      %dma_wait3A_222 = arith.constant 0 : i32
      %dma_wait3A_223 = tpu.memref_slice %arg13[%dma_wait3A_221, %dma_wait3A_222] : memref<10240x128xf32, #tpu.memory_space<vmem_shared>> -> memref<10240x128xf32, #tpu.memory_space<vmem_shared>>
      tpu.wait_indirect_dma semaphore(%arg19 : memref<!tpu.dma_semaphore, #tpu.memory_space<semaphore_mem>>) src(%arg12 : memref<80x128xf32, #tpu.memory_space<vmem>>) dst(%dma_wait3A_223 : memref<10240x128xf32, #tpu.memory_space<vmem_shared>>)
      %dma_wait3A_224 = arith.constant 0 : i32
      %dma_wait3A_225 = tpu.memref_slice %arg7[%add3A_171, %dma_wait3A_224] : memref<25x80xi32, #tpu.memory_space<vmem>> -> memref<1x80xi32, #tpu.memory_space<vmem>>
      %dma_wait3A_226 = tpu.memref_squeeze %dma_wait3A_225 : memref<1x80xi32, #tpu.memory_space<vmem>> -> memref<80xi32, #tpu.memory_space<vmem>>
      %dma_wait3A_227 = arith.constant 0 : i32
      %dma_wait3A_228 = arith.constant 0 : i32
      %dma_wait3A_229 = tpu.memref_slice %arg4[%dma_wait3A_227, %dma_wait3A_228] : memref<10000x128xf32, #tpu.memory_space<hbm>> -> memref<10000x128xf32, #tpu.memory_space<hbm>>
      tpu.wait_indirect_dma semaphore(%arg14 : memref<!tpu.dma_semaphore, #tpu.memory_space<semaphore_mem>>) src(%dma_wait3A_229 : memref<10000x128xf32, #tpu.memory_space<hbm>>) dst(%arg9 : memref<80x128xf32, #tpu.memory_space<vmem>>)
    }
    %scan3A_43 = arith.constant 6 : i32
    %run_scoped3A_44 = arith.constant 24 : i32
    "tpu.region"() ({
      %run_scoped3A_117 = tpu.sem_alloc : memref<!tpu.dma_semaphore, #tpu.memory_space<semaphore_mem>>
      %dma_start3A_118 = arith.constant 0 : i32
      %dma_start3A_119 = tpu.memref_slice %arg8[%run_scoped3A_44, %dma_start3A_118] : memref<25x80xi32, #tpu.memory_space<vmem>> -> memref<1x80xi32, #tpu.memory_space<vmem>>
      %dma_start3A_120 = tpu.memref_squeeze %dma_start3A_119 : memref<1x80xi32, #tpu.memory_space<vmem>> -> memref<80xi32, #tpu.memory_space<vmem>>
      %dma_start3A_121 = arith.constant 0 : i32
      %dma_start3A_122 = arith.constant 0 : i32
      %dma_start3A_123 = tpu.memref_slice %arg13[%dma_start3A_121, %dma_start3A_122] : memref<10240x128xf32, #tpu.memory_space<vmem_shared>> -> memref<10240x128xf32, #tpu.memory_space<vmem_shared>>
      tpu.enqueue_indirect_dma source(%arg9 : memref<80x128xf32, #tpu.memory_space<vmem>>) target(%dma_start3A_123 : memref<10240x128xf32, #tpu.memory_space<vmem_shared>>) offsets(%dma_start3A_120 : memref<80xi32, #tpu.memory_space<vmem>>) semaphore(%run_scoped3A_117 : memref<!tpu.dma_semaphore, #tpu.memory_space<semaphore_mem>>) {add = true}
      %dma_wait3A_124 = arith.constant 0 : i32
      %dma_wait3A_125 = tpu.memref_slice %arg8[%run_scoped3A_44, %dma_wait3A_124] : memref<25x80xi32, #tpu.memory_space<vmem>> -> memref<1x80xi32, #tpu.memory_space<vmem>>
      %dma_wait3A_126 = tpu.memref_squeeze %dma_wait3A_125 : memref<1x80xi32, #tpu.memory_space<vmem>> -> memref<80xi32, #tpu.memory_space<vmem>>
      %dma_wait3A_127 = arith.constant 0 : i32
      %dma_wait3A_128 = arith.constant 0 : i32
      %dma_wait3A_129 = tpu.memref_slice %arg13[%dma_wait3A_127, %dma_wait3A_128] : memref<10240x128xf32, #tpu.memory_space<vmem_shared>> -> memref<10240x128xf32, #tpu.memory_space<vmem_shared>>
      tpu.wait_indirect_dma semaphore(%run_scoped3A_117 : memref<!tpu.dma_semaphore, #tpu.memory_space<semaphore_mem>>) src(%arg9 : memref<80x128xf32, #tpu.memory_space<vmem>>) dst(%dma_wait3A_129 : memref<10240x128xf32, #tpu.memory_space<vmem_shared>>)
      tpu.yield
    }) : () -> ()
    %run_scoped3A_45 = arith.constant 2 : i32
    "tpu.region"() ({
      %run_scoped3A_117 = tpu.sem_alloc : memref<!tpu.dma_semaphore, #tpu.memory_space<semaphore_mem>>
      %dma_start3A_118 = arith.constant 0 : i32
      %dma_start3A_119 = arith.constant 0 : i32
      %dma_start3A_120 = tpu.memref_slice %arg2[%add3A, %run_scoped3A_45, %dma_start3A_118, %dma_start3A_119] : memref<32x5x25x80xi32, #tpu.memory_space<hbm>> -> memref<1x1x25x80xi32, #tpu.memory_space<hbm>>
      %dma_start3A_121 = tpu.memref_squeeze %dma_start3A_120 : memref<1x1x25x80xi32, #tpu.memory_space<hbm>> -> memref<25x80xi32, #tpu.memory_space<hbm>>
      %dma_start3A_122 = arith.constant 0 : i32
      %dma_start3A_123 = arith.constant 0 : i32
      %dma_start3A_124 = tpu.memref_slice %arg2[%add3A, %run_scoped3A_45, %dma_start3A_122, %dma_start3A_123] : memref<32x5x25x80xi32, #tpu.memory_space<hbm>> -> memref<1x1x25x80xi32, #tpu.memory_space<hbm>>
      %dma_start3A_125 = tpu.memref_squeeze %dma_start3A_124 : memref<1x1x25x80xi32, #tpu.memory_space<hbm>> -> memref<25x80xi32, #tpu.memory_space<hbm>>
      tpu.enqueue_dma source(%dma_start3A_125 : memref<25x80xi32, #tpu.memory_space<hbm>>) target(%arg7 : memref<25x80xi32, #tpu.memory_space<vmem>>) target_semaphore(%run_scoped3A_117 : memref<!tpu.dma_semaphore, #tpu.memory_space<semaphore_mem>>)
      %dma_wait3A_126 = arith.constant 0 : i32
      %dma_wait3A_127 = arith.constant 0 : i32
      %dma_wait3A_128 = tpu.memref_slice %arg2[%add3A, %run_scoped3A_45, %dma_wait3A_126, %dma_wait3A_127] : memref<32x5x25x80xi32, #tpu.memory_space<hbm>> -> memref<1x1x25x80xi32, #tpu.memory_space<hbm>>
      %dma_wait3A_129 = tpu.memref_squeeze %dma_wait3A_128 : memref<1x1x25x80xi32, #tpu.memory_space<hbm>> -> memref<25x80xi32, #tpu.memory_space<hbm>>
      %dma_wait3A_130 = arith.constant 0 : i32
      %dma_wait3A_131 = arith.constant 0 : i32
      %dma_wait3A_132 = tpu.memref_slice %arg2[%add3A, %run_scoped3A_45, %dma_wait3A_130, %dma_wait3A_131] : memref<32x5x25x80xi32, #tpu.memory_space<hbm>> -> memref<1x1x25x80xi32, #tpu.memory_space<hbm>>
      %dma_wait3A_133 = tpu.memref_squeeze %dma_wait3A_132 : memref<1x1x25x80xi32, #tpu.memory_space<hbm>> -> memref<25x80xi32, #tpu.memory_space<hbm>>
      tpu.wait_dma2 semaphore(%run_scoped3A_117 : memref<!tpu.dma_semaphore, #tpu.memory_space<semaphore_mem>>) src(%dma_wait3A_133 : memref<25x80xi32, #tpu.memory_space<hbm>>) dst(%arg7 : memref<25x80xi32, #tpu.memory_space<vmem>>)
      tpu.yield
    }) : () -> ()
    %run_scoped3A_46 = arith.constant 2 : i32
    "tpu.region"() ({
      %run_scoped3A_117 = tpu.sem_alloc : memref<!tpu.dma_semaphore, #tpu.memory_space<semaphore_mem>>
      %dma_start3A_118 = arith.constant 0 : i32
      %dma_start3A_119 = arith.constant 0 : i32
      %dma_start3A_120 = tpu.memref_slice %arg3[%add3A, %run_scoped3A_46, %dma_start3A_118, %dma_start3A_119] : memref<32x5x25x80xi32, #tpu.memory_space<hbm>> -> memref<1x1x25x80xi32, #tpu.memory_space<hbm>>
      %dma_start3A_121 = tpu.memref_squeeze %dma_start3A_120 : memref<1x1x25x80xi32, #tpu.memory_space<hbm>> -> memref<25x80xi32, #tpu.memory_space<hbm>>
      %dma_start3A_122 = arith.constant 0 : i32
      %dma_start3A_123 = arith.constant 0 : i32
      %dma_start3A_124 = tpu.memref_slice %arg3[%add3A, %run_scoped3A_46, %dma_start3A_122, %dma_start3A_123] : memref<32x5x25x80xi32, #tpu.memory_space<hbm>> -> memref<1x1x25x80xi32, #tpu.memory_space<hbm>>
      %dma_start3A_125 = tpu.memref_squeeze %dma_start3A_124 : memref<1x1x25x80xi32, #tpu.memory_space<hbm>> -> memref<25x80xi32, #tpu.memory_space<hbm>>
      tpu.enqueue_dma source(%dma_start3A_125 : memref<25x80xi32, #tpu.memory_space<hbm>>) target(%arg8 : memref<25x80xi32, #tpu.memory_space<vmem>>) target_semaphore(%run_scoped3A_117 : memref<!tpu.dma_semaphore, #tpu.memory_space<semaphore_mem>>)
      %dma_wait3A_126 = arith.constant 0 : i32
      %dma_wait3A_127 = arith.constant 0 : i32
      %dma_wait3A_128 = tpu.memref_slice %arg3[%add3A, %run_scoped3A_46, %dma_wait3A_126, %dma_wait3A_127] : memref<32x5x25x80xi32, #tpu.memory_space<hbm>> -> memref<1x1x25x80xi32, #tpu.memory_space<hbm>>
      %dma_wait3A_129 = tpu.memref_squeeze %dma_wait3A_128 : memref<1x1x25x80xi32, #tpu.memory_space<hbm>> -> memref<25x80xi32, #tpu.memory_space<hbm>>
      %dma_wait3A_130 = arith.constant 0 : i32
      %dma_wait3A_131 = arith.constant 0 : i32
      %dma_wait3A_132 = tpu.memref_slice %arg3[%add3A, %run_scoped3A_46, %dma_wait3A_130, %dma_wait3A_131] : memref<32x5x25x80xi32, #tpu.memory_space<hbm>> -> memref<1x1x25x80xi32, #tpu.memory_space<hbm>>
      %dma_wait3A_133 = tpu.memref_squeeze %dma_wait3A_132 : memref<1x1x25x80xi32, #tpu.memory_space<hbm>> -> memref<25x80xi32, #tpu.memory_space<hbm>>
      tpu.wait_dma2 semaphore(%run_scoped3A_117 : memref<!tpu.dma_semaphore, #tpu.memory_space<semaphore_mem>>) src(%dma_wait3A_133 : memref<25x80xi32, #tpu.memory_space<hbm>>) dst(%arg8 : memref<25x80xi32, #tpu.memory_space<vmem>>)
      tpu.yield
    }) : () -> ()
    %dma_start3A_47 = arith.constant 0 : i32
    %dma_start3A_48 = arith.constant 0 : i32
    %dma_start3A_49 = tpu.memref_slice %arg7[%dma_start3A_47, %dma_start3A_48] : memref<25x80xi32, #tpu.memory_space<vmem>> -> memref<1x80xi32, #tpu.memory_space<vmem>>
    %dma_start3A_50 = tpu.memref_squeeze %dma_start3A_49 : memref<1x80xi32, #tpu.memory_space<vmem>> -> memref<80xi32, #tpu.memory_space<vmem>>
    %dma_start3A_51 = arith.constant 0 : i32
    %dma_start3A_52 = arith.constant 0 : i32
    %dma_start3A_53 = tpu.memref_slice %arg4[%dma_start3A_51, %dma_start3A_52] : memref<10000x128xf32, #tpu.memory_space<hbm>> -> memref<10000x128xf32, #tpu.memory_space<hbm>>
    tpu.enqueue_indirect_dma source(%dma_start3A_53 : memref<10000x128xf32, #tpu.memory_space<hbm>>) target(%arg9 : memref<80x128xf32, #tpu.memory_space<vmem>>) offsets(%dma_start3A_50 : memref<80xi32, #tpu.memory_space<vmem>>) semaphore(%arg14 : memref<!tpu.dma_semaphore, #tpu.memory_space<semaphore_mem>>)
    %dma_wait3A_54 = arith.constant 0 : i32
    %dma_wait3A_55 = arith.constant 0 : i32
    %dma_wait3A_56 = tpu.memref_slice %arg7[%dma_wait3A_54, %dma_wait3A_55] : memref<25x80xi32, #tpu.memory_space<vmem>> -> memref<1x80xi32, #tpu.memory_space<vmem>>
    %dma_wait3A_57 = tpu.memref_squeeze %dma_wait3A_56 : memref<1x80xi32, #tpu.memory_space<vmem>> -> memref<80xi32, #tpu.memory_space<vmem>>
    %dma_wait3A_58 = arith.constant 0 : i32
    %dma_wait3A_59 = arith.constant 0 : i32
    %dma_wait3A_60 = tpu.memref_slice %arg4[%dma_wait3A_58, %dma_wait3A_59] : memref<10000x128xf32, #tpu.memory_space<hbm>> -> memref<10000x128xf32, #tpu.memory_space<hbm>>
    tpu.wait_indirect_dma semaphore(%arg14 : memref<!tpu.dma_semaphore, #tpu.memory_space<semaphore_mem>>) src(%dma_wait3A_60 : memref<10000x128xf32, #tpu.memory_space<hbm>>) dst(%arg9 : memref<80x128xf32, #tpu.memory_space<vmem>>)
    %scan3A_61 = arith.constant 0 : i32
    %scan3A_62 = arith.constant 0 : i32
    %scan3A_63 = arith.constant 6 : i32
    %scan3A_64 = arith.addi %scan3A_62, %scan3A_63 : i32
    %scan3A_65 = arith.constant 1 : i32
    scf.for %scan3A_117 = %scan3A_62 to %scan3A_64 step %scan3A_65  : i32 {
      %mul3A_118 = arith.constant 4 : i32
      %mul3A_119 = arith.muli %mul3A_118, %scan3A_117 : i32
      %add3A_120 = arith.constant 1 : i32
      %add3A_121 = arith.addi %mul3A_119, %add3A_120 : i32
      %dma_start3A_122 = arith.constant 0 : i32
      %dma_start3A_123 = tpu.memref_slice %arg7[%add3A_121, %dma_start3A_122] : memref<25x80xi32, #tpu.memory_space<vmem>> -> memref<1x80xi32, #tpu.memory_space<vmem>>
      %dma_start3A_124 = tpu.memref_squeeze %dma_start3A_123 : memref<1x80xi32, #tpu.memory_space<vmem>> -> memref<80xi32, #tpu.memory_space<vmem>>
      %dma_start3A_125 = arith.constant 0 : i32
      %dma_start3A_126 = arith.constant 0 : i32
      %dma_start3A_127 = tpu.memref_slice %arg4[%dma_start3A_125, %dma_start3A_126] : memref<10000x128xf32, #tpu.memory_space<hbm>> -> memref<10000x128xf32, #tpu.memory_space<hbm>>
      tpu.enqueue_indirect_dma source(%dma_start3A_127 : memref<10000x128xf32, #tpu.memory_space<hbm>>) target(%arg10 : memref<80x128xf32, #tpu.memory_space<vmem>>) offsets(%dma_start3A_124 : memref<80xi32, #tpu.memory_space<vmem>>) semaphore(%arg15 : memref<!tpu.dma_semaphore, #tpu.memory_space<semaphore_mem>>)
      %add3A_128 = arith.constant 2 : i32
      %add3A_129 = arith.addi %mul3A_119, %add3A_128 : i32
      %dma_start3A_130 = arith.constant 0 : i32
      %dma_start3A_131 = tpu.memref_slice %arg7[%add3A_129, %dma_start3A_130] : memref<25x80xi32, #tpu.memory_space<vmem>> -> memref<1x80xi32, #tpu.memory_space<vmem>>
      %dma_start3A_132 = tpu.memref_squeeze %dma_start3A_131 : memref<1x80xi32, #tpu.memory_space<vmem>> -> memref<80xi32, #tpu.memory_space<vmem>>
      %dma_start3A_133 = arith.constant 0 : i32
      %dma_start3A_134 = arith.constant 0 : i32
      %dma_start3A_135 = tpu.memref_slice %arg4[%dma_start3A_133, %dma_start3A_134] : memref<10000x128xf32, #tpu.memory_space<hbm>> -> memref<10000x128xf32, #tpu.memory_space<hbm>>
      tpu.enqueue_indirect_dma source(%dma_start3A_135 : memref<10000x128xf32, #tpu.memory_space<hbm>>) target(%arg11 : memref<80x128xf32, #tpu.memory_space<vmem>>) offsets(%dma_start3A_132 : memref<80xi32, #tpu.memory_space<vmem>>) semaphore(%arg16 : memref<!tpu.dma_semaphore, #tpu.memory_space<semaphore_mem>>)
      %add3A_136 = arith.constant 3 : i32
      %add3A_137 = arith.addi %mul3A_119, %add3A_136 : i32
      %dma_start3A_138 = arith.constant 0 : i32
      %dma_start3A_139 = tpu.memref_slice %arg7[%add3A_137, %dma_start3A_138] : memref<25x80xi32, #tpu.memory_space<vmem>> -> memref<1x80xi32, #tpu.memory_space<vmem>>
      %dma_start3A_140 = tpu.memref_squeeze %dma_start3A_139 : memref<1x80xi32, #tpu.memory_space<vmem>> -> memref<80xi32, #tpu.memory_space<vmem>>
      %dma_start3A_141 = arith.constant 0 : i32
      %dma_start3A_142 = arith.constant 0 : i32
      %dma_start3A_143 = tpu.memref_slice %arg4[%dma_start3A_141, %dma_start3A_142] : memref<10000x128xf32, #tpu.memory_space<hbm>> -> memref<10000x128xf32, #tpu.memory_space<hbm>>
      tpu.enqueue_indirect_dma source(%dma_start3A_143 : memref<10000x128xf32, #tpu.memory_space<hbm>>) target(%arg12 : memref<80x128xf32, #tpu.memory_space<vmem>>) offsets(%dma_start3A_140 : memref<80xi32, #tpu.memory_space<vmem>>) semaphore(%arg17 : memref<!tpu.dma_semaphore, #tpu.memory_space<semaphore_mem>>)
      %dma_start3A_144 = arith.constant 0 : i32
      %dma_start3A_145 = tpu.memref_slice %arg8[%mul3A_119, %dma_start3A_144] : memref<25x80xi32, #tpu.memory_space<vmem>> -> memref<1x80xi32, #tpu.memory_space<vmem>>
      %dma_start3A_146 = tpu.memref_squeeze %dma_start3A_145 : memref<1x80xi32, #tpu.memory_space<vmem>> -> memref<80xi32, #tpu.memory_space<vmem>>
      %dma_start3A_147 = arith.constant 0 : i32
      %dma_start3A_148 = arith.constant 0 : i32
      %dma_start3A_149 = tpu.memref_slice %arg13[%dma_start3A_147, %dma_start3A_148] : memref<10240x128xf32, #tpu.memory_space<vmem_shared>> -> memref<10240x128xf32, #tpu.memory_space<vmem_shared>>
      tpu.enqueue_indirect_dma source(%arg9 : memref<80x128xf32, #tpu.memory_space<vmem>>) target(%dma_start3A_149 : memref<10240x128xf32, #tpu.memory_space<vmem_shared>>) offsets(%dma_start3A_146 : memref<80xi32, #tpu.memory_space<vmem>>) semaphore(%arg18 : memref<!tpu.dma_semaphore, #tpu.memory_space<semaphore_mem>>) {add = true}
      %dma_wait3A_150 = arith.constant 0 : i32
      %dma_wait3A_151 = tpu.memref_slice %arg7[%add3A_121, %dma_wait3A_150] : memref<25x80xi32, #tpu.memory_space<vmem>> -> memref<1x80xi32, #tpu.memory_space<vmem>>
      %dma_wait3A_152 = tpu.memref_squeeze %dma_wait3A_151 : memref<1x80xi32, #tpu.memory_space<vmem>> -> memref<80xi32, #tpu.memory_space<vmem>>
      %dma_wait3A_153 = arith.constant 0 : i32
      %dma_wait3A_154 = arith.constant 0 : i32
      %dma_wait3A_155 = tpu.memref_slice %arg4[%dma_wait3A_153, %dma_wait3A_154] : memref<10000x128xf32, #tpu.memory_space<hbm>> -> memref<10000x128xf32, #tpu.memory_space<hbm>>
      tpu.wait_indirect_dma semaphore(%arg15 : memref<!tpu.dma_semaphore, #tpu.memory_space<semaphore_mem>>) src(%dma_wait3A_155 : memref<10000x128xf32, #tpu.memory_space<hbm>>) dst(%arg10 : memref<80x128xf32, #tpu.memory_space<vmem>>)
      %add3A_156 = arith.constant 1 : i32
      %add3A_157 = arith.addi %mul3A_119, %add3A_156 : i32
      %dma_start3A_158 = arith.constant 0 : i32
      %dma_start3A_159 = tpu.memref_slice %arg8[%add3A_157, %dma_start3A_158] : memref<25x80xi32, #tpu.memory_space<vmem>> -> memref<1x80xi32, #tpu.memory_space<vmem>>
      %dma_start3A_160 = tpu.memref_squeeze %dma_start3A_159 : memref<1x80xi32, #tpu.memory_space<vmem>> -> memref<80xi32, #tpu.memory_space<vmem>>
      %dma_start3A_161 = arith.constant 0 : i32
      %dma_start3A_162 = arith.constant 0 : i32
      %dma_start3A_163 = tpu.memref_slice %arg13[%dma_start3A_161, %dma_start3A_162] : memref<10240x128xf32, #tpu.memory_space<vmem_shared>> -> memref<10240x128xf32, #tpu.memory_space<vmem_shared>>
      tpu.enqueue_indirect_dma source(%arg10 : memref<80x128xf32, #tpu.memory_space<vmem>>) target(%dma_start3A_163 : memref<10240x128xf32, #tpu.memory_space<vmem_shared>>) offsets(%dma_start3A_160 : memref<80xi32, #tpu.memory_space<vmem>>) semaphore(%arg19 : memref<!tpu.dma_semaphore, #tpu.memory_space<semaphore_mem>>) {add = true}
      %dma_wait3A_164 = arith.constant 0 : i32
      %dma_wait3A_165 = tpu.memref_slice %arg8[%mul3A_119, %dma_wait3A_164] : memref<25x80xi32, #tpu.memory_space<vmem>> -> memref<1x80xi32, #tpu.memory_space<vmem>>
      %dma_wait3A_166 = tpu.memref_squeeze %dma_wait3A_165 : memref<1x80xi32, #tpu.memory_space<vmem>> -> memref<80xi32, #tpu.memory_space<vmem>>
      %dma_wait3A_167 = arith.constant 0 : i32
      %dma_wait3A_168 = arith.constant 0 : i32
      %dma_wait3A_169 = tpu.memref_slice %arg13[%dma_wait3A_167, %dma_wait3A_168] : memref<10240x128xf32, #tpu.memory_space<vmem_shared>> -> memref<10240x128xf32, #tpu.memory_space<vmem_shared>>
      tpu.wait_indirect_dma semaphore(%arg18 : memref<!tpu.dma_semaphore, #tpu.memory_space<semaphore_mem>>) src(%arg9 : memref<80x128xf32, #tpu.memory_space<vmem>>) dst(%dma_wait3A_169 : memref<10240x128xf32, #tpu.memory_space<vmem_shared>>)
      %add3A_170 = arith.constant 4 : i32
      %add3A_171 = arith.addi %mul3A_119, %add3A_170 : i32
      %dma_start3A_172 = arith.constant 0 : i32
      %dma_start3A_173 = tpu.memref_slice %arg7[%add3A_171, %dma_start3A_172] : memref<25x80xi32, #tpu.memory_space<vmem>> -> memref<1x80xi32, #tpu.memory_space<vmem>>
      %dma_start3A_174 = tpu.memref_squeeze %dma_start3A_173 : memref<1x80xi32, #tpu.memory_space<vmem>> -> memref<80xi32, #tpu.memory_space<vmem>>
      %dma_start3A_175 = arith.constant 0 : i32
      %dma_start3A_176 = arith.constant 0 : i32
      %dma_start3A_177 = tpu.memref_slice %arg4[%dma_start3A_175, %dma_start3A_176] : memref<10000x128xf32, #tpu.memory_space<hbm>> -> memref<10000x128xf32, #tpu.memory_space<hbm>>
      tpu.enqueue_indirect_dma source(%dma_start3A_177 : memref<10000x128xf32, #tpu.memory_space<hbm>>) target(%arg9 : memref<80x128xf32, #tpu.memory_space<vmem>>) offsets(%dma_start3A_174 : memref<80xi32, #tpu.memory_space<vmem>>) semaphore(%arg14 : memref<!tpu.dma_semaphore, #tpu.memory_space<semaphore_mem>>)
      %dma_wait3A_178 = arith.constant 0 : i32
      %dma_wait3A_179 = tpu.memref_slice %arg7[%add3A_129, %dma_wait3A_178] : memref<25x80xi32, #tpu.memory_space<vmem>> -> memref<1x80xi32, #tpu.memory_space<vmem>>
      %dma_wait3A_180 = tpu.memref_squeeze %dma_wait3A_179 : memref<1x80xi32, #tpu.memory_space<vmem>> -> memref<80xi32, #tpu.memory_space<vmem>>
      %dma_wait3A_181 = arith.constant 0 : i32
      %dma_wait3A_182 = arith.constant 0 : i32
      %dma_wait3A_183 = tpu.memref_slice %arg4[%dma_wait3A_181, %dma_wait3A_182] : memref<10000x128xf32, #tpu.memory_space<hbm>> -> memref<10000x128xf32, #tpu.memory_space<hbm>>
      tpu.wait_indirect_dma semaphore(%arg16 : memref<!tpu.dma_semaphore, #tpu.memory_space<semaphore_mem>>) src(%dma_wait3A_183 : memref<10000x128xf32, #tpu.memory_space<hbm>>) dst(%arg11 : memref<80x128xf32, #tpu.memory_space<vmem>>)
      %add3A_184 = arith.constant 2 : i32
      %add3A_185 = arith.addi %mul3A_119, %add3A_184 : i32
      %dma_start3A_186 = arith.constant 0 : i32
      %dma_start3A_187 = tpu.memref_slice %arg8[%add3A_185, %dma_start3A_186] : memref<25x80xi32, #tpu.memory_space<vmem>> -> memref<1x80xi32, #tpu.memory_space<vmem>>
      %dma_start3A_188 = tpu.memref_squeeze %dma_start3A_187 : memref<1x80xi32, #tpu.memory_space<vmem>> -> memref<80xi32, #tpu.memory_space<vmem>>
      %dma_start3A_189 = arith.constant 0 : i32
      %dma_start3A_190 = arith.constant 0 : i32
      %dma_start3A_191 = tpu.memref_slice %arg13[%dma_start3A_189, %dma_start3A_190] : memref<10240x128xf32, #tpu.memory_space<vmem_shared>> -> memref<10240x128xf32, #tpu.memory_space<vmem_shared>>
      tpu.enqueue_indirect_dma source(%arg11 : memref<80x128xf32, #tpu.memory_space<vmem>>) target(%dma_start3A_191 : memref<10240x128xf32, #tpu.memory_space<vmem_shared>>) offsets(%dma_start3A_188 : memref<80xi32, #tpu.memory_space<vmem>>) semaphore(%arg18 : memref<!tpu.dma_semaphore, #tpu.memory_space<semaphore_mem>>) {add = true}
      %dma_wait3A_192 = arith.constant 0 : i32
      %dma_wait3A_193 = tpu.memref_slice %arg8[%add3A_157, %dma_wait3A_192] : memref<25x80xi32, #tpu.memory_space<vmem>> -> memref<1x80xi32, #tpu.memory_space<vmem>>
      %dma_wait3A_194 = tpu.memref_squeeze %dma_wait3A_193 : memref<1x80xi32, #tpu.memory_space<vmem>> -> memref<80xi32, #tpu.memory_space<vmem>>
      %dma_wait3A_195 = arith.constant 0 : i32
      %dma_wait3A_196 = arith.constant 0 : i32
      %dma_wait3A_197 = tpu.memref_slice %arg13[%dma_wait3A_195, %dma_wait3A_196] : memref<10240x128xf32, #tpu.memory_space<vmem_shared>> -> memref<10240x128xf32, #tpu.memory_space<vmem_shared>>
      tpu.wait_indirect_dma semaphore(%arg19 : memref<!tpu.dma_semaphore, #tpu.memory_space<semaphore_mem>>) src(%arg10 : memref<80x128xf32, #tpu.memory_space<vmem>>) dst(%dma_wait3A_197 : memref<10240x128xf32, #tpu.memory_space<vmem_shared>>)
      %dma_wait3A_198 = arith.constant 0 : i32
      %dma_wait3A_199 = tpu.memref_slice %arg7[%add3A_137, %dma_wait3A_198] : memref<25x80xi32, #tpu.memory_space<vmem>> -> memref<1x80xi32, #tpu.memory_space<vmem>>
      %dma_wait3A_200 = tpu.memref_squeeze %dma_wait3A_199 : memref<1x80xi32, #tpu.memory_space<vmem>> -> memref<80xi32, #tpu.memory_space<vmem>>
      %dma_wait3A_201 = arith.constant 0 : i32
      %dma_wait3A_202 = arith.constant 0 : i32
      %dma_wait3A_203 = tpu.memref_slice %arg4[%dma_wait3A_201, %dma_wait3A_202] : memref<10000x128xf32, #tpu.memory_space<hbm>> -> memref<10000x128xf32, #tpu.memory_space<hbm>>
      tpu.wait_indirect_dma semaphore(%arg17 : memref<!tpu.dma_semaphore, #tpu.memory_space<semaphore_mem>>) src(%dma_wait3A_203 : memref<10000x128xf32, #tpu.memory_space<hbm>>) dst(%arg12 : memref<80x128xf32, #tpu.memory_space<vmem>>)
      %add3A_204 = arith.constant 3 : i32
      %add3A_205 = arith.addi %mul3A_119, %add3A_204 : i32
      %dma_start3A_206 = arith.constant 0 : i32
      %dma_start3A_207 = tpu.memref_slice %arg8[%add3A_205, %dma_start3A_206] : memref<25x80xi32, #tpu.memory_space<vmem>> -> memref<1x80xi32, #tpu.memory_space<vmem>>
      %dma_start3A_208 = tpu.memref_squeeze %dma_start3A_207 : memref<1x80xi32, #tpu.memory_space<vmem>> -> memref<80xi32, #tpu.memory_space<vmem>>
      %dma_start3A_209 = arith.constant 0 : i32
      %dma_start3A_210 = arith.constant 0 : i32
      %dma_start3A_211 = tpu.memref_slice %arg13[%dma_start3A_209, %dma_start3A_210] : memref<10240x128xf32, #tpu.memory_space<vmem_shared>> -> memref<10240x128xf32, #tpu.memory_space<vmem_shared>>
      tpu.enqueue_indirect_dma source(%arg12 : memref<80x128xf32, #tpu.memory_space<vmem>>) target(%dma_start3A_211 : memref<10240x128xf32, #tpu.memory_space<vmem_shared>>) offsets(%dma_start3A_208 : memref<80xi32, #tpu.memory_space<vmem>>) semaphore(%arg19 : memref<!tpu.dma_semaphore, #tpu.memory_space<semaphore_mem>>) {add = true}
      %dma_wait3A_212 = arith.constant 0 : i32
      %dma_wait3A_213 = tpu.memref_slice %arg8[%add3A_185, %dma_wait3A_212] : memref<25x80xi32, #tpu.memory_space<vmem>> -> memref<1x80xi32, #tpu.memory_space<vmem>>
      %dma_wait3A_214 = tpu.memref_squeeze %dma_wait3A_213 : memref<1x80xi32, #tpu.memory_space<vmem>> -> memref<80xi32, #tpu.memory_space<vmem>>
      %dma_wait3A_215 = arith.constant 0 : i32
      %dma_wait3A_216 = arith.constant 0 : i32
      %dma_wait3A_217 = tpu.memref_slice %arg13[%dma_wait3A_215, %dma_wait3A_216] : memref<10240x128xf32, #tpu.memory_space<vmem_shared>> -> memref<10240x128xf32, #tpu.memory_space<vmem_shared>>
      tpu.wait_indirect_dma semaphore(%arg18 : memref<!tpu.dma_semaphore, #tpu.memory_space<semaphore_mem>>) src(%arg11 : memref<80x128xf32, #tpu.memory_space<vmem>>) dst(%dma_wait3A_217 : memref<10240x128xf32, #tpu.memory_space<vmem_shared>>)
      %dma_wait3A_218 = arith.constant 0 : i32
      %dma_wait3A_219 = tpu.memref_slice %arg8[%add3A_205, %dma_wait3A_218] : memref<25x80xi32, #tpu.memory_space<vmem>> -> memref<1x80xi32, #tpu.memory_space<vmem>>
      %dma_wait3A_220 = tpu.memref_squeeze %dma_wait3A_219 : memref<1x80xi32, #tpu.memory_space<vmem>> -> memref<80xi32, #tpu.memory_space<vmem>>
      %dma_wait3A_221 = arith.constant 0 : i32
      %dma_wait3A_222 = arith.constant 0 : i32
      %dma_wait3A_223 = tpu.memref_slice %arg13[%dma_wait3A_221, %dma_wait3A_222] : memref<10240x128xf32, #tpu.memory_space<vmem_shared>> -> memref<10240x128xf32, #tpu.memory_space<vmem_shared>>
      tpu.wait_indirect_dma semaphore(%arg19 : memref<!tpu.dma_semaphore, #tpu.memory_space<semaphore_mem>>) src(%arg12 : memref<80x128xf32, #tpu.memory_space<vmem>>) dst(%dma_wait3A_223 : memref<10240x128xf32, #tpu.memory_space<vmem_shared>>)
      %dma_wait3A_224 = arith.constant 0 : i32
      %dma_wait3A_225 = tpu.memref_slice %arg7[%add3A_171, %dma_wait3A_224] : memref<25x80xi32, #tpu.memory_space<vmem>> -> memref<1x80xi32, #tpu.memory_space<vmem>>
      %dma_wait3A_226 = tpu.memref_squeeze %dma_wait3A_225 : memref<1x80xi32, #tpu.memory_space<vmem>> -> memref<80xi32, #tpu.memory_space<vmem>>
      %dma_wait3A_227 = arith.constant 0 : i32
      %dma_wait3A_228 = arith.constant 0 : i32
      %dma_wait3A_229 = tpu.memref_slice %arg4[%dma_wait3A_227, %dma_wait3A_228] : memref<10000x128xf32, #tpu.memory_space<hbm>> -> memref<10000x128xf32, #tpu.memory_space<hbm>>
      tpu.wait_indirect_dma semaphore(%arg14 : memref<!tpu.dma_semaphore, #tpu.memory_space<semaphore_mem>>) src(%dma_wait3A_229 : memref<10000x128xf32, #tpu.memory_space<hbm>>) dst(%arg9 : memref<80x128xf32, #tpu.memory_space<vmem>>)
    }
    %scan3A_66 = arith.constant 6 : i32
    %run_scoped3A_67 = arith.constant 24 : i32
    "tpu.region"() ({
      %run_scoped3A_117 = tpu.sem_alloc : memref<!tpu.dma_semaphore, #tpu.memory_space<semaphore_mem>>
      %dma_start3A_118 = arith.constant 0 : i32
      %dma_start3A_119 = tpu.memref_slice %arg8[%run_scoped3A_67, %dma_start3A_118] : memref<25x80xi32, #tpu.memory_space<vmem>> -> memref<1x80xi32, #tpu.memory_space<vmem>>
      %dma_start3A_120 = tpu.memref_squeeze %dma_start3A_119 : memref<1x80xi32, #tpu.memory_space<vmem>> -> memref<80xi32, #tpu.memory_space<vmem>>
      %dma_start3A_121 = arith.constant 0 : i32
      %dma_start3A_122 = arith.constant 0 : i32
      %dma_start3A_123 = tpu.memref_slice %arg13[%dma_start3A_121, %dma_start3A_122] : memref<10240x128xf32, #tpu.memory_space<vmem_shared>> -> memref<10240x128xf32, #tpu.memory_space<vmem_shared>>
      tpu.enqueue_indirect_dma source(%arg9 : memref<80x128xf32, #tpu.memory_space<vmem>>) target(%dma_start3A_123 : memref<10240x128xf32, #tpu.memory_space<vmem_shared>>) offsets(%dma_start3A_120 : memref<80xi32, #tpu.memory_space<vmem>>) semaphore(%run_scoped3A_117 : memref<!tpu.dma_semaphore, #tpu.memory_space<semaphore_mem>>) {add = true}
      %dma_wait3A_124 = arith.constant 0 : i32
      %dma_wait3A_125 = tpu.memref_slice %arg8[%run_scoped3A_67, %dma_wait3A_124] : memref<25x80xi32, #tpu.memory_space<vmem>> -> memref<1x80xi32, #tpu.memory_space<vmem>>
      %dma_wait3A_126 = tpu.memref_squeeze %dma_wait3A_125 : memref<1x80xi32, #tpu.memory_space<vmem>> -> memref<80xi32, #tpu.memory_space<vmem>>
      %dma_wait3A_127 = arith.constant 0 : i32
      %dma_wait3A_128 = arith.constant 0 : i32
      %dma_wait3A_129 = tpu.memref_slice %arg13[%dma_wait3A_127, %dma_wait3A_128] : memref<10240x128xf32, #tpu.memory_space<vmem_shared>> -> memref<10240x128xf32, #tpu.memory_space<vmem_shared>>
      tpu.wait_indirect_dma semaphore(%run_scoped3A_117 : memref<!tpu.dma_semaphore, #tpu.memory_space<semaphore_mem>>) src(%arg9 : memref<80x128xf32, #tpu.memory_space<vmem>>) dst(%dma_wait3A_129 : memref<10240x128xf32, #tpu.memory_space<vmem_shared>>)
      tpu.yield
    }) : () -> ()
    %run_scoped3A_68 = arith.constant 3 : i32
    "tpu.region"() ({
      %run_scoped3A_117 = tpu.sem_alloc : memref<!tpu.dma_semaphore, #tpu.memory_space<semaphore_mem>>
      %dma_start3A_118 = arith.constant 0 : i32
      %dma_start3A_119 = arith.constant 0 : i32
      %dma_start3A_120 = tpu.memref_slice %arg2[%add3A, %run_scoped3A_68, %dma_start3A_118, %dma_start3A_119] : memref<32x5x25x80xi32, #tpu.memory_space<hbm>> -> memref<1x1x25x80xi32, #tpu.memory_space<hbm>>
      %dma_start3A_121 = tpu.memref_squeeze %dma_start3A_120 : memref<1x1x25x80xi32, #tpu.memory_space<hbm>> -> memref<25x80xi32, #tpu.memory_space<hbm>>
      %dma_start3A_122 = arith.constant 0 : i32
      %dma_start3A_123 = arith.constant 0 : i32
      %dma_start3A_124 = tpu.memref_slice %arg2[%add3A, %run_scoped3A_68, %dma_start3A_122, %dma_start3A_123] : memref<32x5x25x80xi32, #tpu.memory_space<hbm>> -> memref<1x1x25x80xi32, #tpu.memory_space<hbm>>
      %dma_start3A_125 = tpu.memref_squeeze %dma_start3A_124 : memref<1x1x25x80xi32, #tpu.memory_space<hbm>> -> memref<25x80xi32, #tpu.memory_space<hbm>>
      tpu.enqueue_dma source(%dma_start3A_125 : memref<25x80xi32, #tpu.memory_space<hbm>>) target(%arg7 : memref<25x80xi32, #tpu.memory_space<vmem>>) target_semaphore(%run_scoped3A_117 : memref<!tpu.dma_semaphore, #tpu.memory_space<semaphore_mem>>)
      %dma_wait3A_126 = arith.constant 0 : i32
      %dma_wait3A_127 = arith.constant 0 : i32
      %dma_wait3A_128 = tpu.memref_slice %arg2[%add3A, %run_scoped3A_68, %dma_wait3A_126, %dma_wait3A_127] : memref<32x5x25x80xi32, #tpu.memory_space<hbm>> -> memref<1x1x25x80xi32, #tpu.memory_space<hbm>>
      %dma_wait3A_129 = tpu.memref_squeeze %dma_wait3A_128 : memref<1x1x25x80xi32, #tpu.memory_space<hbm>> -> memref<25x80xi32, #tpu.memory_space<hbm>>
      %dma_wait3A_130 = arith.constant 0 : i32
      %dma_wait3A_131 = arith.constant 0 : i32
      %dma_wait3A_132 = tpu.memref_slice %arg2[%add3A, %run_scoped3A_68, %dma_wait3A_130, %dma_wait3A_131] : memref<32x5x25x80xi32, #tpu.memory_space<hbm>> -> memref<1x1x25x80xi32, #tpu.memory_space<hbm>>
      %dma_wait3A_133 = tpu.memref_squeeze %dma_wait3A_132 : memref<1x1x25x80xi32, #tpu.memory_space<hbm>> -> memref<25x80xi32, #tpu.memory_space<hbm>>
      tpu.wait_dma2 semaphore(%run_scoped3A_117 : memref<!tpu.dma_semaphore, #tpu.memory_space<semaphore_mem>>) src(%dma_wait3A_133 : memref<25x80xi32, #tpu.memory_space<hbm>>) dst(%arg7 : memref<25x80xi32, #tpu.memory_space<vmem>>)
      tpu.yield
    }) : () -> ()
    %run_scoped3A_69 = arith.constant 3 : i32
    "tpu.region"() ({
      %run_scoped3A_117 = tpu.sem_alloc : memref<!tpu.dma_semaphore, #tpu.memory_space<semaphore_mem>>
      %dma_start3A_118 = arith.constant 0 : i32
      %dma_start3A_119 = arith.constant 0 : i32
      %dma_start3A_120 = tpu.memref_slice %arg3[%add3A, %run_scoped3A_69, %dma_start3A_118, %dma_start3A_119] : memref<32x5x25x80xi32, #tpu.memory_space<hbm>> -> memref<1x1x25x80xi32, #tpu.memory_space<hbm>>
      %dma_start3A_121 = tpu.memref_squeeze %dma_start3A_120 : memref<1x1x25x80xi32, #tpu.memory_space<hbm>> -> memref<25x80xi32, #tpu.memory_space<hbm>>
      %dma_start3A_122 = arith.constant 0 : i32
      %dma_start3A_123 = arith.constant 0 : i32
      %dma_start3A_124 = tpu.memref_slice %arg3[%add3A, %run_scoped3A_69, %dma_start3A_122, %dma_start3A_123] : memref<32x5x25x80xi32, #tpu.memory_space<hbm>> -> memref<1x1x25x80xi32, #tpu.memory_space<hbm>>
      %dma_start3A_125 = tpu.memref_squeeze %dma_start3A_124 : memref<1x1x25x80xi32, #tpu.memory_space<hbm>> -> memref<25x80xi32, #tpu.memory_space<hbm>>
      tpu.enqueue_dma source(%dma_start3A_125 : memref<25x80xi32, #tpu.memory_space<hbm>>) target(%arg8 : memref<25x80xi32, #tpu.memory_space<vmem>>) target_semaphore(%run_scoped3A_117 : memref<!tpu.dma_semaphore, #tpu.memory_space<semaphore_mem>>)
      %dma_wait3A_126 = arith.constant 0 : i32
      %dma_wait3A_127 = arith.constant 0 : i32
      %dma_wait3A_128 = tpu.memref_slice %arg3[%add3A, %run_scoped3A_69, %dma_wait3A_126, %dma_wait3A_127] : memref<32x5x25x80xi32, #tpu.memory_space<hbm>> -> memref<1x1x25x80xi32, #tpu.memory_space<hbm>>
      %dma_wait3A_129 = tpu.memref_squeeze %dma_wait3A_128 : memref<1x1x25x80xi32, #tpu.memory_space<hbm>> -> memref<25x80xi32, #tpu.memory_space<hbm>>
      %dma_wait3A_130 = arith.constant 0 : i32
      %dma_wait3A_131 = arith.constant 0 : i32
      %dma_wait3A_132 = tpu.memref_slice %arg3[%add3A, %run_scoped3A_69, %dma_wait3A_130, %dma_wait3A_131] : memref<32x5x25x80xi32, #tpu.memory_space<hbm>> -> memref<1x1x25x80xi32, #tpu.memory_space<hbm>>
      %dma_wait3A_133 = tpu.memref_squeeze %dma_wait3A_132 : memref<1x1x25x80xi32, #tpu.memory_space<hbm>> -> memref<25x80xi32, #tpu.memory_space<hbm>>
      tpu.wait_dma2 semaphore(%run_scoped3A_117 : memref<!tpu.dma_semaphore, #tpu.memory_space<semaphore_mem>>) src(%dma_wait3A_133 : memref<25x80xi32, #tpu.memory_space<hbm>>) dst(%arg8 : memref<25x80xi32, #tpu.memory_space<vmem>>)
      tpu.yield
    }) : () -> ()
    %dma_start3A_70 = arith.constant 0 : i32
    %dma_start3A_71 = arith.constant 0 : i32
    %dma_start3A_72 = tpu.memref_slice %arg7[%dma_start3A_70, %dma_start3A_71] : memref<25x80xi32, #tpu.memory_space<vmem>> -> memref<1x80xi32, #tpu.memory_space<vmem>>
    %dma_start3A_73 = tpu.memref_squeeze %dma_start3A_72 : memref<1x80xi32, #tpu.memory_space<vmem>> -> memref<80xi32, #tpu.memory_space<vmem>>
    %dma_start3A_74 = arith.constant 0 : i32
    %dma_start3A_75 = arith.constant 0 : i32
    %dma_start3A_76 = tpu.memref_slice %arg4[%dma_start3A_74, %dma_start3A_75] : memref<10000x128xf32, #tpu.memory_space<hbm>> -> memref<10000x128xf32, #tpu.memory_space<hbm>>
    tpu.enqueue_indirect_dma source(%dma_start3A_76 : memref<10000x128xf32, #tpu.memory_space<hbm>>) target(%arg9 : memref<80x128xf32, #tpu.memory_space<vmem>>) offsets(%dma_start3A_73 : memref<80xi32, #tpu.memory_space<vmem>>) semaphore(%arg14 : memref<!tpu.dma_semaphore, #tpu.memory_space<semaphore_mem>>)
    %dma_wait3A_77 = arith.constant 0 : i32
    %dma_wait3A_78 = arith.constant 0 : i32
    %dma_wait3A_79 = tpu.memref_slice %arg7[%dma_wait3A_77, %dma_wait3A_78] : memref<25x80xi32, #tpu.memory_space<vmem>> -> memref<1x80xi32, #tpu.memory_space<vmem>>
    %dma_wait3A_80 = tpu.memref_squeeze %dma_wait3A_79 : memref<1x80xi32, #tpu.memory_space<vmem>> -> memref<80xi32, #tpu.memory_space<vmem>>
    %dma_wait3A_81 = arith.constant 0 : i32
    %dma_wait3A_82 = arith.constant 0 : i32
    %dma_wait3A_83 = tpu.memref_slice %arg4[%dma_wait3A_81, %dma_wait3A_82] : memref<10000x128xf32, #tpu.memory_space<hbm>> -> memref<10000x128xf32, #tpu.memory_space<hbm>>
    tpu.wait_indirect_dma semaphore(%arg14 : memref<!tpu.dma_semaphore, #tpu.memory_space<semaphore_mem>>) src(%dma_wait3A_83 : memref<10000x128xf32, #tpu.memory_space<hbm>>) dst(%arg9 : memref<80x128xf32, #tpu.memory_space<vmem>>)
    %scan3A_84 = arith.constant 0 : i32
    %scan3A_85 = arith.constant 0 : i32
    %scan3A_86 = arith.constant 6 : i32
    %scan3A_87 = arith.addi %scan3A_85, %scan3A_86 : i32
    %scan3A_88 = arith.constant 1 : i32
    scf.for %scan3A_117 = %scan3A_85 to %scan3A_87 step %scan3A_88  : i32 {
      %mul3A_118 = arith.constant 4 : i32
      %mul3A_119 = arith.muli %mul3A_118, %scan3A_117 : i32
      %add3A_120 = arith.constant 1 : i32
      %add3A_121 = arith.addi %mul3A_119, %add3A_120 : i32
      %dma_start3A_122 = arith.constant 0 : i32
      %dma_start3A_123 = tpu.memref_slice %arg7[%add3A_121, %dma_start3A_122] : memref<25x80xi32, #tpu.memory_space<vmem>> -> memref<1x80xi32, #tpu.memory_space<vmem>>
      %dma_start3A_124 = tpu.memref_squeeze %dma_start3A_123 : memref<1x80xi32, #tpu.memory_space<vmem>> -> memref<80xi32, #tpu.memory_space<vmem>>
      %dma_start3A_125 = arith.constant 0 : i32
      %dma_start3A_126 = arith.constant 0 : i32
      %dma_start3A_127 = tpu.memref_slice %arg4[%dma_start3A_125, %dma_start3A_126] : memref<10000x128xf32, #tpu.memory_space<hbm>> -> memref<10000x128xf32, #tpu.memory_space<hbm>>
      tpu.enqueue_indirect_dma source(%dma_start3A_127 : memref<10000x128xf32, #tpu.memory_space<hbm>>) target(%arg10 : memref<80x128xf32, #tpu.memory_space<vmem>>) offsets(%dma_start3A_124 : memref<80xi32, #tpu.memory_space<vmem>>) semaphore(%arg15 : memref<!tpu.dma_semaphore, #tpu.memory_space<semaphore_mem>>)
      %add3A_128 = arith.constant 2 : i32
      %add3A_129 = arith.addi %mul3A_119, %add3A_128 : i32
      %dma_start3A_130 = arith.constant 0 : i32
      %dma_start3A_131 = tpu.memref_slice %arg7[%add3A_129, %dma_start3A_130] : memref<25x80xi32, #tpu.memory_space<vmem>> -> memref<1x80xi32, #tpu.memory_space<vmem>>
      %dma_start3A_132 = tpu.memref_squeeze %dma_start3A_131 : memref<1x80xi32, #tpu.memory_space<vmem>> -> memref<80xi32, #tpu.memory_space<vmem>>
      %dma_start3A_133 = arith.constant 0 : i32
      %dma_start3A_134 = arith.constant 0 : i32
      %dma_start3A_135 = tpu.memref_slice %arg4[%dma_start3A_133, %dma_start3A_134] : memref<10000x128xf32, #tpu.memory_space<hbm>> -> memref<10000x128xf32, #tpu.memory_space<hbm>>
      tpu.enqueue_indirect_dma source(%dma_start3A_135 : memref<10000x128xf32, #tpu.memory_space<hbm>>) target(%arg11 : memref<80x128xf32, #tpu.memory_space<vmem>>) offsets(%dma_start3A_132 : memref<80xi32, #tpu.memory_space<vmem>>) semaphore(%arg16 : memref<!tpu.dma_semaphore, #tpu.memory_space<semaphore_mem>>)
      %add3A_136 = arith.constant 3 : i32
      %add3A_137 = arith.addi %mul3A_119, %add3A_136 : i32
      %dma_start3A_138 = arith.constant 0 : i32
      %dma_start3A_139 = tpu.memref_slice %arg7[%add3A_137, %dma_start3A_138] : memref<25x80xi32, #tpu.memory_space<vmem>> -> memref<1x80xi32, #tpu.memory_space<vmem>>
      %dma_start3A_140 = tpu.memref_squeeze %dma_start3A_139 : memref<1x80xi32, #tpu.memory_space<vmem>> -> memref<80xi32, #tpu.memory_space<vmem>>
      %dma_start3A_141 = arith.constant 0 : i32
      %dma_start3A_142 = arith.constant 0 : i32
      %dma_start3A_143 = tpu.memref_slice %arg4[%dma_start3A_141, %dma_start3A_142] : memref<10000x128xf32, #tpu.memory_space<hbm>> -> memref<10000x128xf32, #tpu.memory_space<hbm>>
      tpu.enqueue_indirect_dma source(%dma_start3A_143 : memref<10000x128xf32, #tpu.memory_space<hbm>>) target(%arg12 : memref<80x128xf32, #tpu.memory_space<vmem>>) offsets(%dma_start3A_140 : memref<80xi32, #tpu.memory_space<vmem>>) semaphore(%arg17 : memref<!tpu.dma_semaphore, #tpu.memory_space<semaphore_mem>>)
      %dma_start3A_144 = arith.constant 0 : i32
      %dma_start3A_145 = tpu.memref_slice %arg8[%mul3A_119, %dma_start3A_144] : memref<25x80xi32, #tpu.memory_space<vmem>> -> memref<1x80xi32, #tpu.memory_space<vmem>>
      %dma_start3A_146 = tpu.memref_squeeze %dma_start3A_145 : memref<1x80xi32, #tpu.memory_space<vmem>> -> memref<80xi32, #tpu.memory_space<vmem>>
      %dma_start3A_147 = arith.constant 0 : i32
      %dma_start3A_148 = arith.constant 0 : i32
      %dma_start3A_149 = tpu.memref_slice %arg13[%dma_start3A_147, %dma_start3A_148] : memref<10240x128xf32, #tpu.memory_space<vmem_shared>> -> memref<10240x128xf32, #tpu.memory_space<vmem_shared>>
      tpu.enqueue_indirect_dma source(%arg9 : memref<80x128xf32, #tpu.memory_space<vmem>>) target(%dma_start3A_149 : memref<10240x128xf32, #tpu.memory_space<vmem_shared>>) offsets(%dma_start3A_146 : memref<80xi32, #tpu.memory_space<vmem>>) semaphore(%arg18 : memref<!tpu.dma_semaphore, #tpu.memory_space<semaphore_mem>>) {add = true}
      %dma_wait3A_150 = arith.constant 0 : i32
      %dma_wait3A_151 = tpu.memref_slice %arg7[%add3A_121, %dma_wait3A_150] : memref<25x80xi32, #tpu.memory_space<vmem>> -> memref<1x80xi32, #tpu.memory_space<vmem>>
      %dma_wait3A_152 = tpu.memref_squeeze %dma_wait3A_151 : memref<1x80xi32, #tpu.memory_space<vmem>> -> memref<80xi32, #tpu.memory_space<vmem>>
      %dma_wait3A_153 = arith.constant 0 : i32
      %dma_wait3A_154 = arith.constant 0 : i32
      %dma_wait3A_155 = tpu.memref_slice %arg4[%dma_wait3A_153, %dma_wait3A_154] : memref<10000x128xf32, #tpu.memory_space<hbm>> -> memref<10000x128xf32, #tpu.memory_space<hbm>>
      tpu.wait_indirect_dma semaphore(%arg15 : memref<!tpu.dma_semaphore, #tpu.memory_space<semaphore_mem>>) src(%dma_wait3A_155 : memref<10000x128xf32, #tpu.memory_space<hbm>>) dst(%arg10 : memref<80x128xf32, #tpu.memory_space<vmem>>)
      %add3A_156 = arith.constant 1 : i32
      %add3A_157 = arith.addi %mul3A_119, %add3A_156 : i32
      %dma_start3A_158 = arith.constant 0 : i32
      %dma_start3A_159 = tpu.memref_slice %arg8[%add3A_157, %dma_start3A_158] : memref<25x80xi32, #tpu.memory_space<vmem>> -> memref<1x80xi32, #tpu.memory_space<vmem>>
      %dma_start3A_160 = tpu.memref_squeeze %dma_start3A_159 : memref<1x80xi32, #tpu.memory_space<vmem>> -> memref<80xi32, #tpu.memory_space<vmem>>
      %dma_start3A_161 = arith.constant 0 : i32
      %dma_start3A_162 = arith.constant 0 : i32
      %dma_start3A_163 = tpu.memref_slice %arg13[%dma_start3A_161, %dma_start3A_162] : memref<10240x128xf32, #tpu.memory_space<vmem_shared>> -> memref<10240x128xf32, #tpu.memory_space<vmem_shared>>
      tpu.enqueue_indirect_dma source(%arg10 : memref<80x128xf32, #tpu.memory_space<vmem>>) target(%dma_start3A_163 : memref<10240x128xf32, #tpu.memory_space<vmem_shared>>) offsets(%dma_start3A_160 : memref<80xi32, #tpu.memory_space<vmem>>) semaphore(%arg19 : memref<!tpu.dma_semaphore, #tpu.memory_space<semaphore_mem>>) {add = true}
      %dma_wait3A_164 = arith.constant 0 : i32
      %dma_wait3A_165 = tpu.memref_slice %arg8[%mul3A_119, %dma_wait3A_164] : memref<25x80xi32, #tpu.memory_space<vmem>> -> memref<1x80xi32, #tpu.memory_space<vmem>>
      %dma_wait3A_166 = tpu.memref_squeeze %dma_wait3A_165 : memref<1x80xi32, #tpu.memory_space<vmem>> -> memref<80xi32, #tpu.memory_space<vmem>>
      %dma_wait3A_167 = arith.constant 0 : i32
      %dma_wait3A_168 = arith.constant 0 : i32
      %dma_wait3A_169 = tpu.memref_slice %arg13[%dma_wait3A_167, %dma_wait3A_168] : memref<10240x128xf32, #tpu.memory_space<vmem_shared>> -> memref<10240x128xf32, #tpu.memory_space<vmem_shared>>
      tpu.wait_indirect_dma semaphore(%arg18 : memref<!tpu.dma_semaphore, #tpu.memory_space<semaphore_mem>>) src(%arg9 : memref<80x128xf32, #tpu.memory_space<vmem>>) dst(%dma_wait3A_169 : memref<10240x128xf32, #tpu.memory_space<vmem_shared>>)
      %add3A_170 = arith.constant 4 : i32
      %add3A_171 = arith.addi %mul3A_119, %add3A_170 : i32
      %dma_start3A_172 = arith.constant 0 : i32
      %dma_start3A_173 = tpu.memref_slice %arg7[%add3A_171, %dma_start3A_172] : memref<25x80xi32, #tpu.memory_space<vmem>> -> memref<1x80xi32, #tpu.memory_space<vmem>>
      %dma_start3A_174 = tpu.memref_squeeze %dma_start3A_173 : memref<1x80xi32, #tpu.memory_space<vmem>> -> memref<80xi32, #tpu.memory_space<vmem>>
      %dma_start3A_175 = arith.constant 0 : i32
      %dma_start3A_176 = arith.constant 0 : i32
      %dma_start3A_177 = tpu.memref_slice %arg4[%dma_start3A_175, %dma_start3A_176] : memref<10000x128xf32, #tpu.memory_space<hbm>> -> memref<10000x128xf32, #tpu.memory_space<hbm>>
      tpu.enqueue_indirect_dma source(%dma_start3A_177 : memref<10000x128xf32, #tpu.memory_space<hbm>>) target(%arg9 : memref<80x128xf32, #tpu.memory_space<vmem>>) offsets(%dma_start3A_174 : memref<80xi32, #tpu.memory_space<vmem>>) semaphore(%arg14 : memref<!tpu.dma_semaphore, #tpu.memory_space<semaphore_mem>>)
      %dma_wait3A_178 = arith.constant 0 : i32
      %dma_wait3A_179 = tpu.memref_slice %arg7[%add3A_129, %dma_wait3A_178] : memref<25x80xi32, #tpu.memory_space<vmem>> -> memref<1x80xi32, #tpu.memory_space<vmem>>
      %dma_wait3A_180 = tpu.memref_squeeze %dma_wait3A_179 : memref<1x80xi32, #tpu.memory_space<vmem>> -> memref<80xi32, #tpu.memory_space<vmem>>
      %dma_wait3A_181 = arith.constant 0 : i32
      %dma_wait3A_182 = arith.constant 0 : i32
      %dma_wait3A_183 = tpu.memref_slice %arg4[%dma_wait3A_181, %dma_wait3A_182] : memref<10000x128xf32, #tpu.memory_space<hbm>> -> memref<10000x128xf32, #tpu.memory_space<hbm>>
      tpu.wait_indirect_dma semaphore(%arg16 : memref<!tpu.dma_semaphore, #tpu.memory_space<semaphore_mem>>) src(%dma_wait3A_183 : memref<10000x128xf32, #tpu.memory_space<hbm>>) dst(%arg11 : memref<80x128xf32, #tpu.memory_space<vmem>>)
      %add3A_184 = arith.constant 2 : i32
      %add3A_185 = arith.addi %mul3A_119, %add3A_184 : i32
      %dma_start3A_186 = arith.constant 0 : i32
      %dma_start3A_187 = tpu.memref_slice %arg8[%add3A_185, %dma_start3A_186] : memref<25x80xi32, #tpu.memory_space<vmem>> -> memref<1x80xi32, #tpu.memory_space<vmem>>
      %dma_start3A_188 = tpu.memref_squeeze %dma_start3A_187 : memref<1x80xi32, #tpu.memory_space<vmem>> -> memref<80xi32, #tpu.memory_space<vmem>>
      %dma_start3A_189 = arith.constant 0 : i32
      %dma_start3A_190 = arith.constant 0 : i32
      %dma_start3A_191 = tpu.memref_slice %arg13[%dma_start3A_189, %dma_start3A_190] : memref<10240x128xf32, #tpu.memory_space<vmem_shared>> -> memref<10240x128xf32, #tpu.memory_space<vmem_shared>>
      tpu.enqueue_indirect_dma source(%arg11 : memref<80x128xf32, #tpu.memory_space<vmem>>) target(%dma_start3A_191 : memref<10240x128xf32, #tpu.memory_space<vmem_shared>>) offsets(%dma_start3A_188 : memref<80xi32, #tpu.memory_space<vmem>>) semaphore(%arg18 : memref<!tpu.dma_semaphore, #tpu.memory_space<semaphore_mem>>) {add = true}
      %dma_wait3A_192 = arith.constant 0 : i32
      %dma_wait3A_193 = tpu.memref_slice %arg8[%add3A_157, %dma_wait3A_192] : memref<25x80xi32, #tpu.memory_space<vmem>> -> memref<1x80xi32, #tpu.memory_space<vmem>>
      %dma_wait3A_194 = tpu.memref_squeeze %dma_wait3A_193 : memref<1x80xi32, #tpu.memory_space<vmem>> -> memref<80xi32, #tpu.memory_space<vmem>>
      %dma_wait3A_195 = arith.constant 0 : i32
      %dma_wait3A_196 = arith.constant 0 : i32
      %dma_wait3A_197 = tpu.memref_slice %arg13[%dma_wait3A_195, %dma_wait3A_196] : memref<10240x128xf32, #tpu.memory_space<vmem_shared>> -> memref<10240x128xf32, #tpu.memory_space<vmem_shared>>
      tpu.wait_indirect_dma semaphore(%arg19 : memref<!tpu.dma_semaphore, #tpu.memory_space<semaphore_mem>>) src(%arg10 : memref<80x128xf32, #tpu.memory_space<vmem>>) dst(%dma_wait3A_197 : memref<10240x128xf32, #tpu.memory_space<vmem_shared>>)
      %dma_wait3A_198 = arith.constant 0 : i32
      %dma_wait3A_199 = tpu.memref_slice %arg7[%add3A_137, %dma_wait3A_198] : memref<25x80xi32, #tpu.memory_space<vmem>> -> memref<1x80xi32, #tpu.memory_space<vmem>>
      %dma_wait3A_200 = tpu.memref_squeeze %dma_wait3A_199 : memref<1x80xi32, #tpu.memory_space<vmem>> -> memref<80xi32, #tpu.memory_space<vmem>>
      %dma_wait3A_201 = arith.constant 0 : i32
      %dma_wait3A_202 = arith.constant 0 : i32
      %dma_wait3A_203 = tpu.memref_slice %arg4[%dma_wait3A_201, %dma_wait3A_202] : memref<10000x128xf32, #tpu.memory_space<hbm>> -> memref<10000x128xf32, #tpu.memory_space<hbm>>
      tpu.wait_indirect_dma semaphore(%arg17 : memref<!tpu.dma_semaphore, #tpu.memory_space<semaphore_mem>>) src(%dma_wait3A_203 : memref<10000x128xf32, #tpu.memory_space<hbm>>) dst(%arg12 : memref<80x128xf32, #tpu.memory_space<vmem>>)
      %add3A_204 = arith.constant 3 : i32
      %add3A_205 = arith.addi %mul3A_119, %add3A_204 : i32
      %dma_start3A_206 = arith.constant 0 : i32
      %dma_start3A_207 = tpu.memref_slice %arg8[%add3A_205, %dma_start3A_206] : memref<25x80xi32, #tpu.memory_space<vmem>> -> memref<1x80xi32, #tpu.memory_space<vmem>>
      %dma_start3A_208 = tpu.memref_squeeze %dma_start3A_207 : memref<1x80xi32, #tpu.memory_space<vmem>> -> memref<80xi32, #tpu.memory_space<vmem>>
      %dma_start3A_209 = arith.constant 0 : i32
      %dma_start3A_210 = arith.constant 0 : i32
      %dma_start3A_211 = tpu.memref_slice %arg13[%dma_start3A_209, %dma_start3A_210] : memref<10240x128xf32, #tpu.memory_space<vmem_shared>> -> memref<10240x128xf32, #tpu.memory_space<vmem_shared>>
      tpu.enqueue_indirect_dma source(%arg12 : memref<80x128xf32, #tpu.memory_space<vmem>>) target(%dma_start3A_211 : memref<10240x128xf32, #tpu.memory_space<vmem_shared>>) offsets(%dma_start3A_208 : memref<80xi32, #tpu.memory_space<vmem>>) semaphore(%arg19 : memref<!tpu.dma_semaphore, #tpu.memory_space<semaphore_mem>>) {add = true}
      %dma_wait3A_212 = arith.constant 0 : i32
      %dma_wait3A_213 = tpu.memref_slice %arg8[%add3A_185, %dma_wait3A_212] : memref<25x80xi32, #tpu.memory_space<vmem>> -> memref<1x80xi32, #tpu.memory_space<vmem>>
      %dma_wait3A_214 = tpu.memref_squeeze %dma_wait3A_213 : memref<1x80xi32, #tpu.memory_space<vmem>> -> memref<80xi32, #tpu.memory_space<vmem>>
      %dma_wait3A_215 = arith.constant 0 : i32
      %dma_wait3A_216 = arith.constant 0 : i32
      %dma_wait3A_217 = tpu.memref_slice %arg13[%dma_wait3A_215, %dma_wait3A_216] : memref<10240x128xf32, #tpu.memory_space<vmem_shared>> -> memref<10240x128xf32, #tpu.memory_space<vmem_shared>>
      tpu.wait_indirect_dma semaphore(%arg18 : memref<!tpu.dma_semaphore, #tpu.memory_space<semaphore_mem>>) src(%arg11 : memref<80x128xf32, #tpu.memory_space<vmem>>) dst(%dma_wait3A_217 : memref<10240x128xf32, #tpu.memory_space<vmem_shared>>)
      %dma_wait3A_218 = arith.constant 0 : i32
      %dma_wait3A_219 = tpu.memref_slice %arg8[%add3A_205, %dma_wait3A_218] : memref<25x80xi32, #tpu.memory_space<vmem>> -> memref<1x80xi32, #tpu.memory_space<vmem>>
      %dma_wait3A_220 = tpu.memref_squeeze %dma_wait3A_219 : memref<1x80xi32, #tpu.memory_space<vmem>> -> memref<80xi32, #tpu.memory_space<vmem>>
      %dma_wait3A_221 = arith.constant 0 : i32
      %dma_wait3A_222 = arith.constant 0 : i32
      %dma_wait3A_223 = tpu.memref_slice %arg13[%dma_wait3A_221, %dma_wait3A_222] : memref<10240x128xf32, #tpu.memory_space<vmem_shared>> -> memref<10240x128xf32, #tpu.memory_space<vmem_shared>>
      tpu.wait_indirect_dma semaphore(%arg19 : memref<!tpu.dma_semaphore, #tpu.memory_space<semaphore_mem>>) src(%arg12 : memref<80x128xf32, #tpu.memory_space<vmem>>) dst(%dma_wait3A_223 : memref<10240x128xf32, #tpu.memory_space<vmem_shared>>)
      %dma_wait3A_224 = arith.constant 0 : i32
      %dma_wait3A_225 = tpu.memref_slice %arg7[%add3A_171, %dma_wait3A_224] : memref<25x80xi32, #tpu.memory_space<vmem>> -> memref<1x80xi32, #tpu.memory_space<vmem>>
      %dma_wait3A_226 = tpu.memref_squeeze %dma_wait3A_225 : memref<1x80xi32, #tpu.memory_space<vmem>> -> memref<80xi32, #tpu.memory_space<vmem>>
      %dma_wait3A_227 = arith.constant 0 : i32
      %dma_wait3A_228 = arith.constant 0 : i32
      %dma_wait3A_229 = tpu.memref_slice %arg4[%dma_wait3A_227, %dma_wait3A_228] : memref<10000x128xf32, #tpu.memory_space<hbm>> -> memref<10000x128xf32, #tpu.memory_space<hbm>>
      tpu.wait_indirect_dma semaphore(%arg14 : memref<!tpu.dma_semaphore, #tpu.memory_space<semaphore_mem>>) src(%dma_wait3A_229 : memref<10000x128xf32, #tpu.memory_space<hbm>>) dst(%arg9 : memref<80x128xf32, #tpu.memory_space<vmem>>)
    }
    %scan3A_89 = arith.constant 6 : i32
    %run_scoped3A_90 = arith.constant 24 : i32
    "tpu.region"() ({
      %run_scoped3A_117 = tpu.sem_alloc : memref<!tpu.dma_semaphore, #tpu.memory_space<semaphore_mem>>
      %dma_start3A_118 = arith.constant 0 : i32
      %dma_start3A_119 = tpu.memref_slice %arg8[%run_scoped3A_90, %dma_start3A_118] : memref<25x80xi32, #tpu.memory_space<vmem>> -> memref<1x80xi32, #tpu.memory_space<vmem>>
      %dma_start3A_120 = tpu.memref_squeeze %dma_start3A_119 : memref<1x80xi32, #tpu.memory_space<vmem>> -> memref<80xi32, #tpu.memory_space<vmem>>
      %dma_start3A_121 = arith.constant 0 : i32
      %dma_start3A_122 = arith.constant 0 : i32
      %dma_start3A_123 = tpu.memref_slice %arg13[%dma_start3A_121, %dma_start3A_122] : memref<10240x128xf32, #tpu.memory_space<vmem_shared>> -> memref<10240x128xf32, #tpu.memory_space<vmem_shared>>
      tpu.enqueue_indirect_dma source(%arg9 : memref<80x128xf32, #tpu.memory_space<vmem>>) target(%dma_start3A_123 : memref<10240x128xf32, #tpu.memory_space<vmem_shared>>) offsets(%dma_start3A_120 : memref<80xi32, #tpu.memory_space<vmem>>) semaphore(%run_scoped3A_117 : memref<!tpu.dma_semaphore, #tpu.memory_space<semaphore_mem>>) {add = true}
      %dma_wait3A_124 = arith.constant 0 : i32
      %dma_wait3A_125 = tpu.memref_slice %arg8[%run_scoped3A_90, %dma_wait3A_124] : memref<25x80xi32, #tpu.memory_space<vmem>> -> memref<1x80xi32, #tpu.memory_space<vmem>>
      %dma_wait3A_126 = tpu.memref_squeeze %dma_wait3A_125 : memref<1x80xi32, #tpu.memory_space<vmem>> -> memref<80xi32, #tpu.memory_space<vmem>>
      %dma_wait3A_127 = arith.constant 0 : i32
      %dma_wait3A_128 = arith.constant 0 : i32
      %dma_wait3A_129 = tpu.memref_slice %arg13[%dma_wait3A_127, %dma_wait3A_128] : memref<10240x128xf32, #tpu.memory_space<vmem_shared>> -> memref<10240x128xf32, #tpu.memory_space<vmem_shared>>
      tpu.wait_indirect_dma semaphore(%run_scoped3A_117 : memref<!tpu.dma_semaphore, #tpu.memory_space<semaphore_mem>>) src(%arg9 : memref<80x128xf32, #tpu.memory_space<vmem>>) dst(%dma_wait3A_129 : memref<10240x128xf32, #tpu.memory_space<vmem_shared>>)
      tpu.yield
    }) : () -> ()
    %run_scoped3A_91 = arith.constant 4 : i32
    "tpu.region"() ({
      %run_scoped3A_117 = tpu.sem_alloc : memref<!tpu.dma_semaphore, #tpu.memory_space<semaphore_mem>>
      %dma_start3A_118 = arith.constant 0 : i32
      %dma_start3A_119 = arith.constant 0 : i32
      %dma_start3A_120 = tpu.memref_slice %arg2[%add3A, %run_scoped3A_91, %dma_start3A_118, %dma_start3A_119] : memref<32x5x25x80xi32, #tpu.memory_space<hbm>> -> memref<1x1x25x80xi32, #tpu.memory_space<hbm>>
      %dma_start3A_121 = tpu.memref_squeeze %dma_start3A_120 : memref<1x1x25x80xi32, #tpu.memory_space<hbm>> -> memref<25x80xi32, #tpu.memory_space<hbm>>
      %dma_start3A_122 = arith.constant 0 : i32
      %dma_start3A_123 = arith.constant 0 : i32
      %dma_start3A_124 = tpu.memref_slice %arg2[%add3A, %run_scoped3A_91, %dma_start3A_122, %dma_start3A_123] : memref<32x5x25x80xi32, #tpu.memory_space<hbm>> -> memref<1x1x25x80xi32, #tpu.memory_space<hbm>>
      %dma_start3A_125 = tpu.memref_squeeze %dma_start3A_124 : memref<1x1x25x80xi32, #tpu.memory_space<hbm>> -> memref<25x80xi32, #tpu.memory_space<hbm>>
      tpu.enqueue_dma source(%dma_start3A_125 : memref<25x80xi32, #tpu.memory_space<hbm>>) target(%arg7 : memref<25x80xi32, #tpu.memory_space<vmem>>) target_semaphore(%run_scoped3A_117 : memref<!tpu.dma_semaphore, #tpu.memory_space<semaphore_mem>>)
      %dma_wait3A_126 = arith.constant 0 : i32
      %dma_wait3A_127 = arith.constant 0 : i32
      %dma_wait3A_128 = tpu.memref_slice %arg2[%add3A, %run_scoped3A_91, %dma_wait3A_126, %dma_wait3A_127] : memref<32x5x25x80xi32, #tpu.memory_space<hbm>> -> memref<1x1x25x80xi32, #tpu.memory_space<hbm>>
      %dma_wait3A_129 = tpu.memref_squeeze %dma_wait3A_128 : memref<1x1x25x80xi32, #tpu.memory_space<hbm>> -> memref<25x80xi32, #tpu.memory_space<hbm>>
      %dma_wait3A_130 = arith.constant 0 : i32
      %dma_wait3A_131 = arith.constant 0 : i32
      %dma_wait3A_132 = tpu.memref_slice %arg2[%add3A, %run_scoped3A_91, %dma_wait3A_130, %dma_wait3A_131] : memref<32x5x25x80xi32, #tpu.memory_space<hbm>> -> memref<1x1x25x80xi32, #tpu.memory_space<hbm>>
      %dma_wait3A_133 = tpu.memref_squeeze %dma_wait3A_132 : memref<1x1x25x80xi32, #tpu.memory_space<hbm>> -> memref<25x80xi32, #tpu.memory_space<hbm>>
      tpu.wait_dma2 semaphore(%run_scoped3A_117 : memref<!tpu.dma_semaphore, #tpu.memory_space<semaphore_mem>>) src(%dma_wait3A_133 : memref<25x80xi32, #tpu.memory_space<hbm>>) dst(%arg7 : memref<25x80xi32, #tpu.memory_space<vmem>>)
      tpu.yield
    }) : () -> ()
    %run_scoped3A_92 = arith.constant 4 : i32
    "tpu.region"() ({
      %run_scoped3A_117 = tpu.sem_alloc : memref<!tpu.dma_semaphore, #tpu.memory_space<semaphore_mem>>
      %dma_start3A_118 = arith.constant 0 : i32
      %dma_start3A_119 = arith.constant 0 : i32
      %dma_start3A_120 = tpu.memref_slice %arg3[%add3A, %run_scoped3A_92, %dma_start3A_118, %dma_start3A_119] : memref<32x5x25x80xi32, #tpu.memory_space<hbm>> -> memref<1x1x25x80xi32, #tpu.memory_space<hbm>>
      %dma_start3A_121 = tpu.memref_squeeze %dma_start3A_120 : memref<1x1x25x80xi32, #tpu.memory_space<hbm>> -> memref<25x80xi32, #tpu.memory_space<hbm>>
      %dma_start3A_122 = arith.constant 0 : i32
      %dma_start3A_123 = arith.constant 0 : i32
      %dma_start3A_124 = tpu.memref_slice %arg3[%add3A, %run_scoped3A_92, %dma_start3A_122, %dma_start3A_123] : memref<32x5x25x80xi32, #tpu.memory_space<hbm>> -> memref<1x1x25x80xi32, #tpu.memory_space<hbm>>
      %dma_start3A_125 = tpu.memref_squeeze %dma_start3A_124 : memref<1x1x25x80xi32, #tpu.memory_space<hbm>> -> memref<25x80xi32, #tpu.memory_space<hbm>>
      tpu.enqueue_dma source(%dma_start3A_125 : memref<25x80xi32, #tpu.memory_space<hbm>>) target(%arg8 : memref<25x80xi32, #tpu.memory_space<vmem>>) target_semaphore(%run_scoped3A_117 : memref<!tpu.dma_semaphore, #tpu.memory_space<semaphore_mem>>)
      %dma_wait3A_126 = arith.constant 0 : i32
      %dma_wait3A_127 = arith.constant 0 : i32
      %dma_wait3A_128 = tpu.memref_slice %arg3[%add3A, %run_scoped3A_92, %dma_wait3A_126, %dma_wait3A_127] : memref<32x5x25x80xi32, #tpu.memory_space<hbm>> -> memref<1x1x25x80xi32, #tpu.memory_space<hbm>>
      %dma_wait3A_129 = tpu.memref_squeeze %dma_wait3A_128 : memref<1x1x25x80xi32, #tpu.memory_space<hbm>> -> memref<25x80xi32, #tpu.memory_space<hbm>>
      %dma_wait3A_130 = arith.constant 0 : i32
      %dma_wait3A_131 = arith.constant 0 : i32
      %dma_wait3A_132 = tpu.memref_slice %arg3[%add3A, %run_scoped3A_92, %dma_wait3A_130, %dma_wait3A_131] : memref<32x5x25x80xi32, #tpu.memory_space<hbm>> -> memref<1x1x25x80xi32, #tpu.memory_space<hbm>>
      %dma_wait3A_133 = tpu.memref_squeeze %dma_wait3A_132 : memref<1x1x25x80xi32, #tpu.memory_space<hbm>> -> memref<25x80xi32, #tpu.memory_space<hbm>>
      tpu.wait_dma2 semaphore(%run_scoped3A_117 : memref<!tpu.dma_semaphore, #tpu.memory_space<semaphore_mem>>) src(%dma_wait3A_133 : memref<25x80xi32, #tpu.memory_space<hbm>>) dst(%arg8 : memref<25x80xi32, #tpu.memory_space<vmem>>)
      tpu.yield
    }) : () -> ()
    %dma_start3A_93 = arith.constant 0 : i32
    %dma_start3A_94 = arith.constant 0 : i32
    %dma_start3A_95 = tpu.memref_slice %arg7[%dma_start3A_93, %dma_start3A_94] : memref<25x80xi32, #tpu.memory_space<vmem>> -> memref<1x80xi32, #tpu.memory_space<vmem>>
    %dma_start3A_96 = tpu.memref_squeeze %dma_start3A_95 : memref<1x80xi32, #tpu.memory_space<vmem>> -> memref<80xi32, #tpu.memory_space<vmem>>
    %dma_start3A_97 = arith.constant 0 : i32
    %dma_start3A_98 = arith.constant 0 : i32
    %dma_start3A_99 = tpu.memref_slice %arg4[%dma_start3A_97, %dma_start3A_98] : memref<10000x128xf32, #tpu.memory_space<hbm>> -> memref<10000x128xf32, #tpu.memory_space<hbm>>
    tpu.enqueue_indirect_dma source(%dma_start3A_99 : memref<10000x128xf32, #tpu.memory_space<hbm>>) target(%arg9 : memref<80x128xf32, #tpu.memory_space<vmem>>) offsets(%dma_start3A_96 : memref<80xi32, #tpu.memory_space<vmem>>) semaphore(%arg14 : memref<!tpu.dma_semaphore, #tpu.memory_space<semaphore_mem>>)
    %dma_wait3A_100 = arith.constant 0 : i32
    %dma_wait3A_101 = arith.constant 0 : i32
    %dma_wait3A_102 = tpu.memref_slice %arg7[%dma_wait3A_100, %dma_wait3A_101] : memref<25x80xi32, #tpu.memory_space<vmem>> -> memref<1x80xi32, #tpu.memory_space<vmem>>
    %dma_wait3A_103 = tpu.memref_squeeze %dma_wait3A_102 : memref<1x80xi32, #tpu.memory_space<vmem>> -> memref<80xi32, #tpu.memory_space<vmem>>
    %dma_wait3A_104 = arith.constant 0 : i32
    %dma_wait3A_105 = arith.constant 0 : i32
    %dma_wait3A_106 = tpu.memref_slice %arg4[%dma_wait3A_104, %dma_wait3A_105] : memref<10000x128xf32, #tpu.memory_space<hbm>> -> memref<10000x128xf32, #tpu.memory_space<hbm>>
    tpu.wait_indirect_dma semaphore(%arg14 : memref<!tpu.dma_semaphore, #tpu.memory_space<semaphore_mem>>) src(%dma_wait3A_106 : memref<10000x128xf32, #tpu.memory_space<hbm>>) dst(%arg9 : memref<80x128xf32, #tpu.memory_space<vmem>>)
    %scan3A_107 = arith.constant 0 : i32
    %scan3A_108 = arith.constant 0 : i32
    %scan3A_109 = arith.constant 6 : i32
    %scan3A_110 = arith.addi %scan3A_108, %scan3A_109 : i32
    %scan3A_111 = arith.constant 1 : i32
    scf.for %scan3A_117 = %scan3A_108 to %scan3A_110 step %scan3A_111  : i32 {
      %mul3A_118 = arith.constant 4 : i32
      %mul3A_119 = arith.muli %mul3A_118, %scan3A_117 : i32
      %add3A_120 = arith.constant 1 : i32
      %add3A_121 = arith.addi %mul3A_119, %add3A_120 : i32
      %dma_start3A_122 = arith.constant 0 : i32
      %dma_start3A_123 = tpu.memref_slice %arg7[%add3A_121, %dma_start3A_122] : memref<25x80xi32, #tpu.memory_space<vmem>> -> memref<1x80xi32, #tpu.memory_space<vmem>>
      %dma_start3A_124 = tpu.memref_squeeze %dma_start3A_123 : memref<1x80xi32, #tpu.memory_space<vmem>> -> memref<80xi32, #tpu.memory_space<vmem>>
      %dma_start3A_125 = arith.constant 0 : i32
      %dma_start3A_126 = arith.constant 0 : i32
      %dma_start3A_127 = tpu.memref_slice %arg4[%dma_start3A_125, %dma_start3A_126] : memref<10000x128xf32, #tpu.memory_space<hbm>> -> memref<10000x128xf32, #tpu.memory_space<hbm>>
      tpu.enqueue_indirect_dma source(%dma_start3A_127 : memref<10000x128xf32, #tpu.memory_space<hbm>>) target(%arg10 : memref<80x128xf32, #tpu.memory_space<vmem>>) offsets(%dma_start3A_124 : memref<80xi32, #tpu.memory_space<vmem>>) semaphore(%arg15 : memref<!tpu.dma_semaphore, #tpu.memory_space<semaphore_mem>>)
      %add3A_128 = arith.constant 2 : i32
      %add3A_129 = arith.addi %mul3A_119, %add3A_128 : i32
      %dma_start3A_130 = arith.constant 0 : i32
      %dma_start3A_131 = tpu.memref_slice %arg7[%add3A_129, %dma_start3A_130] : memref<25x80xi32, #tpu.memory_space<vmem>> -> memref<1x80xi32, #tpu.memory_space<vmem>>
      %dma_start3A_132 = tpu.memref_squeeze %dma_start3A_131 : memref<1x80xi32, #tpu.memory_space<vmem>> -> memref<80xi32, #tpu.memory_space<vmem>>
      %dma_start3A_133 = arith.constant 0 : i32
      %dma_start3A_134 = arith.constant 0 : i32
      %dma_start3A_135 = tpu.memref_slice %arg4[%dma_start3A_133, %dma_start3A_134] : memref<10000x128xf32, #tpu.memory_space<hbm>> -> memref<10000x128xf32, #tpu.memory_space<hbm>>
      tpu.enqueue_indirect_dma source(%dma_start3A_135 : memref<10000x128xf32, #tpu.memory_space<hbm>>) target(%arg11 : memref<80x128xf32, #tpu.memory_space<vmem>>) offsets(%dma_start3A_132 : memref<80xi32, #tpu.memory_space<vmem>>) semaphore(%arg16 : memref<!tpu.dma_semaphore, #tpu.memory_space<semaphore_mem>>)
      %add3A_136 = arith.constant 3 : i32
      %add3A_137 = arith.addi %mul3A_119, %add3A_136 : i32
      %dma_start3A_138 = arith.constant 0 : i32
      %dma_start3A_139 = tpu.memref_slice %arg7[%add3A_137, %dma_start3A_138] : memref<25x80xi32, #tpu.memory_space<vmem>> -> memref<1x80xi32, #tpu.memory_space<vmem>>
      %dma_start3A_140 = tpu.memref_squeeze %dma_start3A_139 : memref<1x80xi32, #tpu.memory_space<vmem>> -> memref<80xi32, #tpu.memory_space<vmem>>
      %dma_start3A_141 = arith.constant 0 : i32
      %dma_start3A_142 = arith.constant 0 : i32
      %dma_start3A_143 = tpu.memref_slice %arg4[%dma_start3A_141, %dma_start3A_142] : memref<10000x128xf32, #tpu.memory_space<hbm>> -> memref<10000x128xf32, #tpu.memory_space<hbm>>
      tpu.enqueue_indirect_dma source(%dma_start3A_143 : memref<10000x128xf32, #tpu.memory_space<hbm>>) target(%arg12 : memref<80x128xf32, #tpu.memory_space<vmem>>) offsets(%dma_start3A_140 : memref<80xi32, #tpu.memory_space<vmem>>) semaphore(%arg17 : memref<!tpu.dma_semaphore, #tpu.memory_space<semaphore_mem>>)
      %dma_start3A_144 = arith.constant 0 : i32
      %dma_start3A_145 = tpu.memref_slice %arg8[%mul3A_119, %dma_start3A_144] : memref<25x80xi32, #tpu.memory_space<vmem>> -> memref<1x80xi32, #tpu.memory_space<vmem>>
      %dma_start3A_146 = tpu.memref_squeeze %dma_start3A_145 : memref<1x80xi32, #tpu.memory_space<vmem>> -> memref<80xi32, #tpu.memory_space<vmem>>
      %dma_start3A_147 = arith.constant 0 : i32
      %dma_start3A_148 = arith.constant 0 : i32
      %dma_start3A_149 = tpu.memref_slice %arg13[%dma_start3A_147, %dma_start3A_148] : memref<10240x128xf32, #tpu.memory_space<vmem_shared>> -> memref<10240x128xf32, #tpu.memory_space<vmem_shared>>
      tpu.enqueue_indirect_dma source(%arg9 : memref<80x128xf32, #tpu.memory_space<vmem>>) target(%dma_start3A_149 : memref<10240x128xf32, #tpu.memory_space<vmem_shared>>) offsets(%dma_start3A_146 : memref<80xi32, #tpu.memory_space<vmem>>) semaphore(%arg18 : memref<!tpu.dma_semaphore, #tpu.memory_space<semaphore_mem>>) {add = true}
      %dma_wait3A_150 = arith.constant 0 : i32
      %dma_wait3A_151 = tpu.memref_slice %arg7[%add3A_121, %dma_wait3A_150] : memref<25x80xi32, #tpu.memory_space<vmem>> -> memref<1x80xi32, #tpu.memory_space<vmem>>
      %dma_wait3A_152 = tpu.memref_squeeze %dma_wait3A_151 : memref<1x80xi32, #tpu.memory_space<vmem>> -> memref<80xi32, #tpu.memory_space<vmem>>
      %dma_wait3A_153 = arith.constant 0 : i32
      %dma_wait3A_154 = arith.constant 0 : i32
      %dma_wait3A_155 = tpu.memref_slice %arg4[%dma_wait3A_153, %dma_wait3A_154] : memref<10000x128xf32, #tpu.memory_space<hbm>> -> memref<10000x128xf32, #tpu.memory_space<hbm>>
      tpu.wait_indirect_dma semaphore(%arg15 : memref<!tpu.dma_semaphore, #tpu.memory_space<semaphore_mem>>) src(%dma_wait3A_155 : memref<10000x128xf32, #tpu.memory_space<hbm>>) dst(%arg10 : memref<80x128xf32, #tpu.memory_space<vmem>>)
      %add3A_156 = arith.constant 1 : i32
      %add3A_157 = arith.addi %mul3A_119, %add3A_156 : i32
      %dma_start3A_158 = arith.constant 0 : i32
      %dma_start3A_159 = tpu.memref_slice %arg8[%add3A_157, %dma_start3A_158] : memref<25x80xi32, #tpu.memory_space<vmem>> -> memref<1x80xi32, #tpu.memory_space<vmem>>
      %dma_start3A_160 = tpu.memref_squeeze %dma_start3A_159 : memref<1x80xi32, #tpu.memory_space<vmem>> -> memref<80xi32, #tpu.memory_space<vmem>>
      %dma_start3A_161 = arith.constant 0 : i32
      %dma_start3A_162 = arith.constant 0 : i32
      %dma_start3A_163 = tpu.memref_slice %arg13[%dma_start3A_161, %dma_start3A_162] : memref<10240x128xf32, #tpu.memory_space<vmem_shared>> -> memref<10240x128xf32, #tpu.memory_space<vmem_shared>>
      tpu.enqueue_indirect_dma source(%arg10 : memref<80x128xf32, #tpu.memory_space<vmem>>) target(%dma_start3A_163 : memref<10240x128xf32, #tpu.memory_space<vmem_shared>>) offsets(%dma_start3A_160 : memref<80xi32, #tpu.memory_space<vmem>>) semaphore(%arg19 : memref<!tpu.dma_semaphore, #tpu.memory_space<semaphore_mem>>) {add = true}
      %dma_wait3A_164 = arith.constant 0 : i32
      %dma_wait3A_165 = tpu.memref_slice %arg8[%mul3A_119, %dma_wait3A_164] : memref<25x80xi32, #tpu.memory_space<vmem>> -> memref<1x80xi32, #tpu.memory_space<vmem>>
      %dma_wait3A_166 = tpu.memref_squeeze %dma_wait3A_165 : memref<1x80xi32, #tpu.memory_space<vmem>> -> memref<80xi32, #tpu.memory_space<vmem>>
      %dma_wait3A_167 = arith.constant 0 : i32
      %dma_wait3A_168 = arith.constant 0 : i32
      %dma_wait3A_169 = tpu.memref_slice %arg13[%dma_wait3A_167, %dma_wait3A_168] : memref<10240x128xf32, #tpu.memory_space<vmem_shared>> -> memref<10240x128xf32, #tpu.memory_space<vmem_shared>>
      tpu.wait_indirect_dma semaphore(%arg18 : memref<!tpu.dma_semaphore, #tpu.memory_space<semaphore_mem>>) src(%arg9 : memref<80x128xf32, #tpu.memory_space<vmem>>) dst(%dma_wait3A_169 : memref<10240x128xf32, #tpu.memory_space<vmem_shared>>)
      %add3A_170 = arith.constant 4 : i32
      %add3A_171 = arith.addi %mul3A_119, %add3A_170 : i32
      %dma_start3A_172 = arith.constant 0 : i32
      %dma_start3A_173 = tpu.memref_slice %arg7[%add3A_171, %dma_start3A_172] : memref<25x80xi32, #tpu.memory_space<vmem>> -> memref<1x80xi32, #tpu.memory_space<vmem>>
      %dma_start3A_174 = tpu.memref_squeeze %dma_start3A_173 : memref<1x80xi32, #tpu.memory_space<vmem>> -> memref<80xi32, #tpu.memory_space<vmem>>
      %dma_start3A_175 = arith.constant 0 : i32
      %dma_start3A_176 = arith.constant 0 : i32
      %dma_start3A_177 = tpu.memref_slice %arg4[%dma_start3A_175, %dma_start3A_176] : memref<10000x128xf32, #tpu.memory_space<hbm>> -> memref<10000x128xf32, #tpu.memory_space<hbm>>
      tpu.enqueue_indirect_dma source(%dma_start3A_177 : memref<10000x128xf32, #tpu.memory_space<hbm>>) target(%arg9 : memref<80x128xf32, #tpu.memory_space<vmem>>) offsets(%dma_start3A_174 : memref<80xi32, #tpu.memory_space<vmem>>) semaphore(%arg14 : memref<!tpu.dma_semaphore, #tpu.memory_space<semaphore_mem>>)
      %dma_wait3A_178 = arith.constant 0 : i32
      %dma_wait3A_179 = tpu.memref_slice %arg7[%add3A_129, %dma_wait3A_178] : memref<25x80xi32, #tpu.memory_space<vmem>> -> memref<1x80xi32, #tpu.memory_space<vmem>>
      %dma_wait3A_180 = tpu.memref_squeeze %dma_wait3A_179 : memref<1x80xi32, #tpu.memory_space<vmem>> -> memref<80xi32, #tpu.memory_space<vmem>>
      %dma_wait3A_181 = arith.constant 0 : i32
      %dma_wait3A_182 = arith.constant 0 : i32
      %dma_wait3A_183 = tpu.memref_slice %arg4[%dma_wait3A_181, %dma_wait3A_182] : memref<10000x128xf32, #tpu.memory_space<hbm>> -> memref<10000x128xf32, #tpu.memory_space<hbm>>
      tpu.wait_indirect_dma semaphore(%arg16 : memref<!tpu.dma_semaphore, #tpu.memory_space<semaphore_mem>>) src(%dma_wait3A_183 : memref<10000x128xf32, #tpu.memory_space<hbm>>) dst(%arg11 : memref<80x128xf32, #tpu.memory_space<vmem>>)
      %add3A_184 = arith.constant 2 : i32
      %add3A_185 = arith.addi %mul3A_119, %add3A_184 : i32
      %dma_start3A_186 = arith.constant 0 : i32
      %dma_start3A_187 = tpu.memref_slice %arg8[%add3A_185, %dma_start3A_186] : memref<25x80xi32, #tpu.memory_space<vmem>> -> memref<1x80xi32, #tpu.memory_space<vmem>>
      %dma_start3A_188 = tpu.memref_squeeze %dma_start3A_187 : memref<1x80xi32, #tpu.memory_space<vmem>> -> memref<80xi32, #tpu.memory_space<vmem>>
      %dma_start3A_189 = arith.constant 0 : i32
      %dma_start3A_190 = arith.constant 0 : i32
      %dma_start3A_191 = tpu.memref_slice %arg13[%dma_start3A_189, %dma_start3A_190] : memref<10240x128xf32, #tpu.memory_space<vmem_shared>> -> memref<10240x128xf32, #tpu.memory_space<vmem_shared>>
      tpu.enqueue_indirect_dma source(%arg11 : memref<80x128xf32, #tpu.memory_space<vmem>>) target(%dma_start3A_191 : memref<10240x128xf32, #tpu.memory_space<vmem_shared>>) offsets(%dma_start3A_188 : memref<80xi32, #tpu.memory_space<vmem>>) semaphore(%arg18 : memref<!tpu.dma_semaphore, #tpu.memory_space<semaphore_mem>>) {add = true}
      %dma_wait3A_192 = arith.constant 0 : i32
      %dma_wait3A_193 = tpu.memref_slice %arg8[%add3A_157, %dma_wait3A_192] : memref<25x80xi32, #tpu.memory_space<vmem>> -> memref<1x80xi32, #tpu.memory_space<vmem>>
      %dma_wait3A_194 = tpu.memref_squeeze %dma_wait3A_193 : memref<1x80xi32, #tpu.memory_space<vmem>> -> memref<80xi32, #tpu.memory_space<vmem>>
      %dma_wait3A_195 = arith.constant 0 : i32
      %dma_wait3A_196 = arith.constant 0 : i32
      %dma_wait3A_197 = tpu.memref_slice %arg13[%dma_wait3A_195, %dma_wait3A_196] : memref<10240x128xf32, #tpu.memory_space<vmem_shared>> -> memref<10240x128xf32, #tpu.memory_space<vmem_shared>>
      tpu.wait_indirect_dma semaphore(%arg19 : memref<!tpu.dma_semaphore, #tpu.memory_space<semaphore_mem>>) src(%arg10 : memref<80x128xf32, #tpu.memory_space<vmem>>) dst(%dma_wait3A_197 : memref<10240x128xf32, #tpu.memory_space<vmem_shared>>)
      %dma_wait3A_198 = arith.constant 0 : i32
      %dma_wait3A_199 = tpu.memref_slice %arg7[%add3A_137, %dma_wait3A_198] : memref<25x80xi32, #tpu.memory_space<vmem>> -> memref<1x80xi32, #tpu.memory_space<vmem>>
      %dma_wait3A_200 = tpu.memref_squeeze %dma_wait3A_199 : memref<1x80xi32, #tpu.memory_space<vmem>> -> memref<80xi32, #tpu.memory_space<vmem>>
      %dma_wait3A_201 = arith.constant 0 : i32
      %dma_wait3A_202 = arith.constant 0 : i32
      %dma_wait3A_203 = tpu.memref_slice %arg4[%dma_wait3A_201, %dma_wait3A_202] : memref<10000x128xf32, #tpu.memory_space<hbm>> -> memref<10000x128xf32, #tpu.memory_space<hbm>>
      tpu.wait_indirect_dma semaphore(%arg17 : memref<!tpu.dma_semaphore, #tpu.memory_space<semaphore_mem>>) src(%dma_wait3A_203 : memref<10000x128xf32, #tpu.memory_space<hbm>>) dst(%arg12 : memref<80x128xf32, #tpu.memory_space<vmem>>)
      %add3A_204 = arith.constant 3 : i32
      %add3A_205 = arith.addi %mul3A_119, %add3A_204 : i32
      %dma_start3A_206 = arith.constant 0 : i32
      %dma_start3A_207 = tpu.memref_slice %arg8[%add3A_205, %dma_start3A_206] : memref<25x80xi32, #tpu.memory_space<vmem>> -> memref<1x80xi32, #tpu.memory_space<vmem>>
      %dma_start3A_208 = tpu.memref_squeeze %dma_start3A_207 : memref<1x80xi32, #tpu.memory_space<vmem>> -> memref<80xi32, #tpu.memory_space<vmem>>
      %dma_start3A_209 = arith.constant 0 : i32
      %dma_start3A_210 = arith.constant 0 : i32
      %dma_start3A_211 = tpu.memref_slice %arg13[%dma_start3A_209, %dma_start3A_210] : memref<10240x128xf32, #tpu.memory_space<vmem_shared>> -> memref<10240x128xf32, #tpu.memory_space<vmem_shared>>
      tpu.enqueue_indirect_dma source(%arg12 : memref<80x128xf32, #tpu.memory_space<vmem>>) target(%dma_start3A_211 : memref<10240x128xf32, #tpu.memory_space<vmem_shared>>) offsets(%dma_start3A_208 : memref<80xi32, #tpu.memory_space<vmem>>) semaphore(%arg19 : memref<!tpu.dma_semaphore, #tpu.memory_space<semaphore_mem>>) {add = true}
      %dma_wait3A_212 = arith.constant 0 : i32
      %dma_wait3A_213 = tpu.memref_slice %arg8[%add3A_185, %dma_wait3A_212] : memref<25x80xi32, #tpu.memory_space<vmem>> -> memref<1x80xi32, #tpu.memory_space<vmem>>
      %dma_wait3A_214 = tpu.memref_squeeze %dma_wait3A_213 : memref<1x80xi32, #tpu.memory_space<vmem>> -> memref<80xi32, #tpu.memory_space<vmem>>
      %dma_wait3A_215 = arith.constant 0 : i32
      %dma_wait3A_216 = arith.constant 0 : i32
      %dma_wait3A_217 = tpu.memref_slice %arg13[%dma_wait3A_215, %dma_wait3A_216] : memref<10240x128xf32, #tpu.memory_space<vmem_shared>> -> memref<10240x128xf32, #tpu.memory_space<vmem_shared>>
      tpu.wait_indirect_dma semaphore(%arg18 : memref<!tpu.dma_semaphore, #tpu.memory_space<semaphore_mem>>) src(%arg11 : memref<80x128xf32, #tpu.memory_space<vmem>>) dst(%dma_wait3A_217 : memref<10240x128xf32, #tpu.memory_space<vmem_shared>>)
      %dma_wait3A_218 = arith.constant 0 : i32
      %dma_wait3A_219 = tpu.memref_slice %arg8[%add3A_205, %dma_wait3A_218] : memref<25x80xi32, #tpu.memory_space<vmem>> -> memref<1x80xi32, #tpu.memory_space<vmem>>
      %dma_wait3A_220 = tpu.memref_squeeze %dma_wait3A_219 : memref<1x80xi32, #tpu.memory_space<vmem>> -> memref<80xi32, #tpu.memory_space<vmem>>
      %dma_wait3A_221 = arith.constant 0 : i32
      %dma_wait3A_222 = arith.constant 0 : i32
      %dma_wait3A_223 = tpu.memref_slice %arg13[%dma_wait3A_221, %dma_wait3A_222] : memref<10240x128xf32, #tpu.memory_space<vmem_shared>> -> memref<10240x128xf32, #tpu.memory_space<vmem_shared>>
      tpu.wait_indirect_dma semaphore(%arg19 : memref<!tpu.dma_semaphore, #tpu.memory_space<semaphore_mem>>) src(%arg12 : memref<80x128xf32, #tpu.memory_space<vmem>>) dst(%dma_wait3A_223 : memref<10240x128xf32, #tpu.memory_space<vmem_shared>>)
      %dma_wait3A_224 = arith.constant 0 : i32
      %dma_wait3A_225 = tpu.memref_slice %arg7[%add3A_171, %dma_wait3A_224] : memref<25x80xi32, #tpu.memory_space<vmem>> -> memref<1x80xi32, #tpu.memory_space<vmem>>
      %dma_wait3A_226 = tpu.memref_squeeze %dma_wait3A_225 : memref<1x80xi32, #tpu.memory_space<vmem>> -> memref<80xi32, #tpu.memory_space<vmem>>
      %dma_wait3A_227 = arith.constant 0 : i32
      %dma_wait3A_228 = arith.constant 0 : i32
      %dma_wait3A_229 = tpu.memref_slice %arg4[%dma_wait3A_227, %dma_wait3A_228] : memref<10000x128xf32, #tpu.memory_space<hbm>> -> memref<10000x128xf32, #tpu.memory_space<hbm>>
      tpu.wait_indirect_dma semaphore(%arg14 : memref<!tpu.dma_semaphore, #tpu.memory_space<semaphore_mem>>) src(%dma_wait3A_229 : memref<10000x128xf32, #tpu.memory_space<hbm>>) dst(%arg9 : memref<80x128xf32, #tpu.memory_space<vmem>>)
    }
    %scan3A_112 = arith.constant 6 : i32
    %run_scoped3A_113 = arith.constant 24 : i32
    "tpu.region"() ({
      %run_scoped3A_117 = tpu.sem_alloc : memref<!tpu.dma_semaphore, #tpu.memory_space<semaphore_mem>>
      %dma_start3A_118 = arith.constant 0 : i32
      %dma_start3A_119 = tpu.memref_slice %arg8[%run_scoped3A_113, %dma_start3A_118] : memref<25x80xi32, #tpu.memory_space<vmem>> -> memref<1x80xi32, #tpu.memory_space<vmem>>
      %dma_start3A_120 = tpu.memref_squeeze %dma_start3A_119 : memref<1x80xi32, #tpu.memory_space<vmem>> -> memref<80xi32, #tpu.memory_space<vmem>>
      %dma_start3A_121 = arith.constant 0 : i32
      %dma_start3A_122 = arith.constant 0 : i32
      %dma_start3A_123 = tpu.memref_slice %arg13[%dma_start3A_121, %dma_start3A_122] : memref<10240x128xf32, #tpu.memory_space<vmem_shared>> -> memref<10240x128xf32, #tpu.memory_space<vmem_shared>>
      tpu.enqueue_indirect_dma source(%arg9 : memref<80x128xf32, #tpu.memory_space<vmem>>) target(%dma_start3A_123 : memref<10240x128xf32, #tpu.memory_space<vmem_shared>>) offsets(%dma_start3A_120 : memref<80xi32, #tpu.memory_space<vmem>>) semaphore(%run_scoped3A_117 : memref<!tpu.dma_semaphore, #tpu.memory_space<semaphore_mem>>) {add = true}
      %dma_wait3A_124 = arith.constant 0 : i32
      %dma_wait3A_125 = tpu.memref_slice %arg8[%run_scoped3A_113, %dma_wait3A_124] : memref<25x80xi32, #tpu.memory_space<vmem>> -> memref<1x80xi32, #tpu.memory_space<vmem>>
      %dma_wait3A_126 = tpu.memref_squeeze %dma_wait3A_125 : memref<1x80xi32, #tpu.memory_space<vmem>> -> memref<80xi32, #tpu.memory_space<vmem>>
      %dma_wait3A_127 = arith.constant 0 : i32
      %dma_wait3A_128 = arith.constant 0 : i32
      %dma_wait3A_129 = tpu.memref_slice %arg13[%dma_wait3A_127, %dma_wait3A_128] : memref<10240x128xf32, #tpu.memory_space<vmem_shared>> -> memref<10240x128xf32, #tpu.memory_space<vmem_shared>>
      tpu.wait_indirect_dma semaphore(%run_scoped3A_117 : memref<!tpu.dma_semaphore, #tpu.memory_space<semaphore_mem>>) src(%arg9 : memref<80x128xf32, #tpu.memory_space<vmem>>) dst(%dma_wait3A_129 : memref<10240x128xf32, #tpu.memory_space<vmem_shared>>)
      tpu.yield
    }) : () -> ()
    %barrier3A_114 = arith.constant 0 : index
    tpu.barrier barrier_id(%barrier3A_114)
    %mul3A_115 = arith.constant 640 : i32
    %mul3A_116 = arith.muli %arg1, %mul3A_115 : i32
    "tpu.region"() ({
      %run_scoped3A_117 = tpu.sem_alloc : memref<!tpu.dma_semaphore, #tpu.memory_space<semaphore_mem>>
      %dma_start3A_118 = arith.constant 0 : i32
      %dma_start3A_119 = arith.constant 0 : i32
      %dma_start3A_120 = tpu.memref_slice %arg6[%arg0, %arg1, %dma_start3A_118, %dma_start3A_119] : memref<2x16x640x128xf32, #tpu.memory_space<hbm>> -> memref<1x1x640x128xf32, #tpu.memory_space<hbm>>
      %dma_start3A_121 = tpu.memref_squeeze %dma_start3A_120 : memref<1x1x640x128xf32, #tpu.memory_space<hbm>> -> memref<640x128xf32, #tpu.memory_space<hbm>>
      %dma_start3A_122 = arith.constant 0 : i32
      %dma_start3A_123 = tpu.memref_slice %arg13[%mul3A_116, %dma_start3A_122] : memref<10240x128xf32, #tpu.memory_space<vmem_shared>> -> memref<640x128xf32, #tpu.memory_space<vmem_shared>>
      tpu.enqueue_dma source(%dma_start3A_123 : memref<640x128xf32, #tpu.memory_space<vmem_shared>>) target(%dma_start3A_121 : memref<640x128xf32, #tpu.memory_space<hbm>>) target_semaphore(%run_scoped3A_117 : memref<!tpu.dma_semaphore, #tpu.memory_space<semaphore_mem>>)
      %dma_wait3A_124 = arith.constant 0 : i32
      %dma_wait3A_125 = arith.constant 0 : i32
      %dma_wait3A_126 = tpu.memref_slice %arg6[%arg0, %arg1, %dma_wait3A_124, %dma_wait3A_125] : memref<2x16x640x128xf32, #tpu.memory_space<hbm>> -> memref<1x1x640x128xf32, #tpu.memory_space<hbm>>
      %dma_wait3A_127 = tpu.memref_squeeze %dma_wait3A_126 : memref<1x1x640x128xf32, #tpu.memory_space<hbm>> -> memref<640x128xf32, #tpu.memory_space<hbm>>
      %dma_wait3A_128 = arith.constant 0 : i32
      %dma_wait3A_129 = tpu.memref_slice %arg13[%mul3A_116, %dma_wait3A_128] : memref<10240x128xf32, #tpu.memory_space<vmem_shared>> -> memref<640x128xf32, #tpu.memory_space<vmem_shared>>
      tpu.wait_dma2 semaphore(%run_scoped3A_117 : memref<!tpu.dma_semaphore, #tpu.memory_space<semaphore_mem>>) src(%dma_wait3A_129 : memref<640x128xf32, #tpu.memory_space<vmem_shared>>) dst(%dma_wait3A_127 : memref<640x128xf32, #tpu.memory_space<hbm>>)
      tpu.yield
    }) : () -> ()
    return
  }
}

</mosaic_0001>

<sc_bundles>
// kernel: _sc_agg.3.cloned.1.call-start
scs
__scs_entry_jumppad:
0x0: {  	(pc) =	sbr.rel $0x88, $3  }
0x1: {  	(tag) =	ssettag $0x0;
	lr =	simm.s32 $0x1  }
0x2: {  	[smem:$0x3F9D] =	sst lr;
	_ =	strace $0xD0000000  }
0x3: {  	_ = 	snop  }
0x4: {  	_ = 	snop  }
0x5: {  	_ = 	snop  }
0x6: {  	_ = 	snop  }
0x7: {  	_ = 	snop  }
__scs_overlays_trampoline_lowered:
0x8: {  	[smem:$0x3FAC] =	sst s0  }
0x9: {  	[smem:$0x3FAD] =	sst s1  }
0xa: {  	[smem:$0x3FAE] =	sst s2  }
0xb: {  	[smem:$0x3FAF] =	sst s3  }
0xc: {  	[smem:$0x3FB0] =	sst s4  }
0xd: {  	[smem:$0x3FB1] =	sst s5  }
0xe: {  	[smem:$0x3FB2] =	sst s6  }
0xf: {  	[smem:$0x3FB3] =	sst s7  }
0x10: {  	[smem:$0x3FB4] =	sst s8  }
0x11: {  	[smem:$0x3FB5] =	sst s9;
	s0 =	simm.s32 @!p0 $0x0  }
0x12: {  	s1 =	sld [smem:$0x3F9B];
	s0 =	simm.s32 @p0 $0x1  }
0x13: {  	[smem:$0x3FB6] =	sst s0;
	s0 =	simm.s32 @!p1 $0x0  }
0x14: {  	s2 =	sld [smem:$0x3F9A];
	s0 =	simm.s32 @p1 $0x1  }
0x15: {  	[smem:$0x3FB7] =	sst s0;
	s0 =	simm.s32 @!p2 $0x0  }
0x16: {  	s3 =	sld [smem:$0x3FDB];
	s0 =	simm.s32 @p2 $0x1  }
0x17: {  	s4 =	simm.s32 $0x1BF5;
	[smem:$0x3FB9] =	sst s0  }
0x18: {  	s0 =	sld [smem:$0x3F9C];
	_ =	swait.ge [sflag:s4], $0x0  }
0x19: {  	s7 =	sld [smem:$0x3F9D]  }
0x1a: {  	s8 =	sadd.s32 $0xFFFFE003, lr  }
0x1b: {  	s9 =	sadd.s32 $0xFFFFFEF7, lr;
	s5 =	simm.s32 $0xFFFFFFFF;
	p2 =	slt.u32 s8, $0xFFFFF086  }
0x1c: {  	p1 =	slt.u32 s9, $0xF7A;
	s5 =	simm.s32 @!p2 $0x0  }
0x1d: {  	s5 =	simm.s32 @p1 $0x1;
	p0 =	seq.s32 s7, s2  }
0x1e: {  	s7 =	smul.u32 @!p0 $0xF7A, s2;
	p2 =	seq.s32 @!p0 s5, $0x0  }
0x1f: {  	s9 =	smul.u32 $0xF7A, s1;
	s8 =	simm.s32 @!p0 $0x1BF5;
	p2 =	por !p2, p0  }
0x20: {  	[sflag:s8] =	ssyncset.s32 @!p0 $0xFFFFF086;
	s6 =	sadd.s32 @!p0 s3, s7;
	s7 =	simm.s32 @!p0 $0x108  }
0x21: {  	s3 =	sadd.s32 s3, s9;
	s6 =	sadd.s32 @!p0 $0x88, s6;
	s7 =	simm.s32 @p2 $0x1082  }
0x22: {  	[simem:s7], [sflag:s8] =	dma.local @!p0 [hbm:s6], $0xF7A  }
0x23: {  	s9 =	sor.u32 $0xD0000000, s2;
	s6 =	simm.s32 $0x108;
	_ =	swait.ge @!p0 [sflag:s8], $0x0  }
0x24: {  	s3 =	sadd.s32 $0x88, s3;
	s6 =	simm.s32 @!p1 $0x1082;
	[sflag:s4] =	ssyncset.s32 $0xFFFFF086  }
0x25: {  	[simem:s6], [sflag:s4] =	dma.local [hbm:s3], $0xF7A  }
0x26: {  	[smem:$0x3F9D] =	sst s1;
	(tag) =	ssettag s2;
	_ =	strace s9  }
0x27: {  	s1 =	sld [smem:$0x3FAD]  }
0x28: {  	s2 =	sld [smem:$0x3FAE]  }
0x29: {  	s4 =	sld [smem:$0x3FB0]  }
0x2a: {  	p0 =	seq.s32 s5, $0x0;
	s5 =	sld [smem:$0x3FB1]  }
0x2b: {  	s6 =	sld [smem:$0x3FB2]  }
0x2c: {  	s7 =	sld [smem:$0x3FB3]  }
0x2d: {  	s3 =	simm.s32 $0x108;
	s8 =	sld [smem:$0x3FB4]  }
0x2e: {  	s3 =	simm.s32 @!p0 $0x1082;
	s9 =	sld [smem:$0x3FB5]  }
0x2f: {  	lr =	sadd.s32 s0, s3;
	s0 =	sld [smem:$0x3FAC]  }
0x30: {  	s3 =	sld [smem:$0x3FAF]  }
0x31: {  	[smem:$0x3FB8] =	sst s10  }
0x32: {  	s10 =	sld [smem:$0x3FB6];
	_ =	sdelay $0x3  }
0x33: {  	p0 =	seq.s32 s10, $0x1;
	s10 =	sld [smem:$0x3FB8];
	_ =	sdelay $0x3  }
0x34: {  	[smem:$0x3FB8] =	sst s10  }
0x35: {  	s10 =	sld [smem:$0x3FB7];
	_ =	sdelay $0x3  }
0x36: {  	p1 =	seq.s32 s10, $0x1;
	s10 =	sld [smem:$0x3FB8];
	_ =	sdelay $0x3  }
0x37: {  	[smem:$0x3FB8] =	sst s10  }
0x38: {  	s10 =	sld [smem:$0x3FB9]  }
0x39: {  	_ = 	snop;
	(pc) =	sbr.ind lr, $3  }
0x3a: {  	_ = 	snop  }
0x3b: {  	_ = 	snop  }
0x3c: {  	p2 =	seq.s32 s10, $0x1;
	s10 =	sld [smem:$0x3FB8]  }
0x3d: {  	_ =	shalt  }
0x3e: {  	_ =	shalt  }
0x3f: {  	_ =	shalt  }
0x40: {  	_ =	shalt  }
0x41: {  	_ =	shalt  }
0x42: {  	_ =	shalt  }
0x43: {  	_ =	shalt  }
0x44: {  	_ =	shalt  }
0x45: {  	_ =	shalt  }
0x46: {  	_ =	shalt  }
0x47: {  	_ =	shalt  }
0x48: {  	_ =	shalt  }
0x49: {  	_ =	shalt  }
0x4a: {  	_ =	shalt  }
0x4b: {  	_ =	shalt  }
0x4c: {  	_ =	shalt  }
0x4d: {  	_ =	shalt  }
0x4e: {  	_ =	shalt  }
0x4f: {  	_ =	shalt  }
0x50: {  	_ =	shalt  }
0x51: {  	_ =	shalt  }
0x52: {  	_ =	shalt  }
0x53: {  	_ =	shalt  }
0x54: {  	_ =	shalt  }
0x55: {  	_ =	shalt  }
0x56: {  	_ =	shalt  }
0x57: {  	_ =	shalt  }
0x58: {  	_ =	shalt  }
0x59: {  	_ =	shalt  }
0x5a: {  	_ =	shalt  }
0x5b: {  	_ =	shalt  }
0x5c: {  	_ =	shalt  }
0x5d: {  	_ =	shalt  }
0x5e: {  	_ =	shalt  }
0x5f: {  	_ =	shalt  }
0x60: {  	_ =	shalt  }
0x61: {  	_ =	shalt  }
0x62: {  	_ =	shalt  }
0x63: {  	_ =	shalt  }
0x64: {  	_ =	shalt  }
0x65: {  	_ =	shalt  }
0x66: {  	_ =	shalt  }
0x67: {  	_ =	shalt  }
0x68: {  	_ =	shalt  }
0x69: {  	_ =	shalt  }
0x6a: {  	_ =	shalt  }
0x6b: {  	_ =	shalt  }
0x6c: {  	_ =	shalt  }
0x6d: {  	_ =	shalt  }
0x6e: {  	_ =	shalt  }
0x6f: {  	_ =	shalt  }
0x70: {  	_ =	shalt  }
0x71: {  	_ =	shalt  }
0x72: {  	_ =	shalt  }
0x73: {  	_ =	shalt  }
0x74: {  	_ =	shalt  }
0x75: {  	_ =	shalt  }
0x76: {  	_ =	shalt  }
0x77: {  	_ =	shalt  }
0x78: {  	_ =	shalt  }
0x79: {  	_ =	shalt  }
0x7a: {  	_ =	shalt  }
0x7b: {  	_ =	shalt  }
0x7c: {  	_ =	shalt  }
0x7d: {  	_ =	shalt  }
0x7e: {  	_ =	shalt  }
0x7f: {  	_ =	shalt  }
0x80: {  	_ =	shalt  }
0x81: {  	_ =	shalt  }
0x82: {  	_ =	shalt  }
0x83: {  	_ =	shalt  }
0x84: {  	_ =	shalt  }
0x85: {  	_ =	shalt  }
0x86: {  	_ =	shalt  }
0x87: {  	_ =	shalt  }
.Lfunc_end0:
.L_simem_size_0:
called_computation_lowered:
.L_overlay_start_0:
0x88: {  	s2 =	sld [smem:$0x3FD9]  }
0x89: {  	s3 =	sld [smem:$0x3FFE];
	_ =	sdelay $0x1  }
0x8a: {  	s1 =	srdreg.scid  }
0x8b: {  	s0 =	sand.u32 $0x1, s1  }
0x8c: {  	s17 =	sshll.u32 s0, $0xA;
	s2 =	sadd.s32 s3, s2  }
0x8d: {  	s2 =	sadd.s32 s2, s17  }
0x8e: {  	[smem:$0x3FC4] =	sst s2  }
0x8f: {  	_ = 	snop  }
0x90: {  	s2 =	sld [smem:$0x3FC7]  }
0x91: {  	s18 =	sld [smem:$0x3FC6]  }
0x92: {  	s4 =	sld [smem:$0x3FD0];
	(tm) =	ssettm $0x1  }
0x93: {  	s5 =	sld [smem:$0x3FFB];
	_ =	sdelay $0x3  }
0x94: {  	_ =	strace s5  }
0x95: {  	s5 =	sld [smem:$0x3FFC];
	_ =	sdelay $0x3  }
0x96: {  	_ =	strace s5  }
0x97: {  	s5 =	sld [smem:$0x3FFD];
	_ =	sdelay $0x3  }
0x98: {  	_ =	strace s5  }
0x99: {  	_ =	strace $0x8FFFFFFF  }
0x9a: {  	s19 =	sld [smem:$0x3FDB];
	_ =	sdelay $0x1  }
0x9b: {  	s6 =	simm.s32 $_scs_section_size  }
0x9c: {  	s7 =	simm.s32 $_size__tile_overlayer_lowered;
	s8 =	simm.s32 $_tile_overlayer_lowered  }
0x9d: {  	s22 =	simm.s32 $0x1BFF;
	s21 =	sshll.u32 s8, $0x1;
	s5 =	sadd.s32 s6, s19  }
0x9e: {  	s9 =	simm.s32 $0x0;
	s20 =	sshll.u32 s7, $0x1;
	s7 =	sadd.s32 s21, s5  }
0x9f: {  	[timem:s9], [sflag:s22] =	dma.local [hbm:s7], s20  }
0xa0: {  	_ =	swait.ge [sflag:s22], s20  }
0xa1: {  	s6 =	ssub.s32 $0x0, s20;
	[sflag:s22] =	ssyncset.done $0x0  }
0xa2: {  	[sflag:s22] =	ssyncadd.s32 s6;
	_ =	sdelay $0x1  }
0xa3: {  	s23 =	simm.s32 $0x1B8B  }
0xa4: {  	_ =	swait.ge [sflag:s23], $0x1  }
0xa5: {  	[sflag:s23] =	ssyncset.done $0x0  }
0xa6: {  	s25 =	simm.s32 $0x1B8E;
	s24 =	sld [smem:$0x3FFE];
	[sflag:s23] =	ssyncadd.s32 $0xFFFFFFFF  }
0xa7: {  	s26 =	simm.s32 $execute0_lowered;
	[smem:$0x3FD2] =	sst s25  }
0xa8: {  	s7 =	sshll.u32 s26, $0x1;
	_ =	strace $0x80000046;
	[dreg:$0x1] =	wrdreg $0xFFFFFFFF  }
0xa9: {  	s28 =	simm.s32 $_size_execute0_lowered;
	s5 =	sadd.s32 s5, s7;
	[dreg:$0x0] =	wrdreg $0x0  }
0xaa: {  	s7 =	sshll.u32 s28, $0x1;
	[dreg:$0x2] =	wrdreg s5  }
0xab: {  	[dreg:$0x3] =	wrdreg s7  }
0xac: {  	[dreg:$0x4] =	wrdreg $0xC0  }
0xad: {  	_ =	task [dreg:s9], $0x5FFFF  }
0xae: {  	[dreg:$0x1] =	wrdreg $0xFFFFFFFF  }
0xaf: {  	[dreg:$0x0] =	wrdreg $0x60  }
0xb0: {  	[dreg:$0x2] =	wrdreg s24  }
0xb1: {  	[dreg:$0x3] =	wrdreg s2  }
0xb2: {  	[dreg:$0x4] =	wrdreg s18  }
0xb3: {  	[dreg:$0x5] =	wrdreg s4  }
0xb4: {  	[dreg:$0x6] =	wrdreg $0xC0000  }
0xb5: {  	[dreg:$0x7] =	wrdreg $0x9  }
0xb6: {  	_ =	task.clear_ibuf [dreg:s9], $0x8FFFF;
	_ =	strace $0x90000046  }
0xb7: {  	s29 =	simm.s32 $0x9;
	_ =	strace $0x80000048  }
0xb8: {  	_ =	swait.ge [sflag:s29], $0x1  }
0xb9: {  	[sflag:s29] =	ssyncadd.s32 $0xFFFFFFFF  }
0xba: {  	_ =	strace $0x90000048  }
0xbb: {  	_ =	sfence  }
0xbc: {  	s30 =	sld [smem:$0x0];
	_ =	sdelay $0x2  }
0xbd: {  	s31 =	sshll.u32 s1, $0xD;
	s1 =	sshrl.u32 s1, $0x2  }
0xbe: {  	s3 =	sand.u32 $0x4000, s31;
	s1 =	sadd.s32 s1, s30  }
0xbf: {  	s0 =	sor.u32 s3, s0;
	s1 =	sshll.u32 s1, $0x11  }
0xc0: {  	s0 =	sor.u32 s1, s0  }
0xc1: {  	s0 =	sadd.s32 $0x8F2B, s0  }
0xc2: {  	[sflag:s0] =	ssyncadd.remote.s32 $0x1  }
0xc3: {  	_ =	sfence.sel $0xFFFF  }
0xc4: {  	[dreg:$0x0] =	wrdreg $0xFFFFFFFF;
	(pc) =	sbr.abs _section_cstart, $3  }
0xc5: {  	[dreg:$0x1] =	wrdreg $0xFFFFFFFF  }
0xc6: {  	_ =	task.clear_ibuf [dreg:s9], $0x2FFFF;
	_ =	strace $0x9FFFFFFF  }
0xc7: {  	(tm) =	ssettm $0x7FFFFFFF  }
tec
execute0_lowered:
.L_overlay_start_1:
0x0: {  	(tag) =	ssettag $0x1  }
0x1: {  	s0 =	rddreg [dreg:$0x0]  }
0x2: {  	s1 =	rddreg [dreg:$0x1]  }
0x3: {  	s3 =	rddreg [dreg:$0x2]  }
0x4: {  	s5 =	rddreg [dreg:$0x3]  }
0x5: {  	s2 =	rddreg [dreg:$0x4];
	s4 =	srdreg.scid  }
0x6: {  	s13 =	stileid.u32;
	s6 =	sand.u32 $0x1, s4;
	s4 =	simm.s32 $0x0  }
0x7: {  	s8 =	smul.u32 $0x14000, s13;
	s9 =	sadd.s32 $0x600, s0;
	s0 =	sadd.s32 $0x14600, s0  }
0x8: {  	s15 =	smul.u32 $0x50000, s13;
	s26 =	sshll.u32 s13, $0x6;
	s7 =	sshll.u32 s6, $0x4  }
0x9: {  	[smem:$0x7FF] =	sst s4;
	s10 =	ssub.s32 $0x2, s6;
	s6 =	smul.u32 $0x140000, s6  }
0xa: {  	s30 =	sor.u32 $0x1C07, s26;
	s26 =	simm.s32 $0x4;
	s7 =	sor.u32 s13, s7  }
0xb: {  	_ =	strace $0x80000047;
	s11 =	sshrl.u32 s8, $0x3;
	s12 =	sshrl.u32 s10, $0x1  }
0xc: {  	[dreg:$0x12] =	wrdreg s30;
	s7 =	smul.u32 $0x5000, s7;
	s3 =	sadd.s32 s3, s11  }
0xd: {  	s10 =	ssub.s32 s10, s12;
	s6 =	sadd.s32 s8, s6;
	s8 =	simm.s32 $0x7  }
0xe: {  	[dreg:$0x6] =	wrdreg s3;
	s25 =	sshrl.u32 s6, $0x3;
	s6 =	smax.u32 s10, $0x1  }
0xf: {  	s10 =	simm.s32 $0x50;
	s7 =	sshrl.u32 s7, $0x3;
	s28 =	sadd.s32 s5, s25  }
0x10: {  	s25 =	simm.s32 $0x6;
	s11 =	sadd.s32 s9, s7;
	[dreg:$0x11] =	wrdreg s28  }
0x11: {  	s12 =	sadd.s32 s0, s7;
	s14 =	sadd.s32 $0x200, s7;
	[dreg:$0x7] =	wrdreg s11  }
0x12: {  	s18 =	sadd.s32 $0x400, s7;
	[dreg:$0x8] =	wrdreg s12;
	s16 =	sadd.s32 s9, s14  }
0x13: {  	s21 =	sadd.s32 $0x600, s7;
	s17 =	sadd.s32 s0, s14;
	[dreg:$0x9] =	wrdreg s16  }
0x14: {  	s7 =	sadd.s32 $0x800, s7;
	s19 =	sadd.s32 s9, s18;
	[dreg:$0xa] =	wrdreg s17  }
0x15: {  	s12 =	sshrl.u32 s15, $0x2;
	s20 =	sadd.s32 s0, s18;
	[dreg:$0xb] =	wrdreg s19  }
0x16: {  	s22 =	sadd.s32 s9, s21;
	s23 =	sadd.s32 s0, s21;
	[dreg:$0xc] =	wrdreg s20  }
0x17: {  	s24 =	sadd.s32 s9, s7;
	s0 =	sadd.s32 s0, s7;
	[dreg:$0xd] =	wrdreg s22  }
0x18: {  	s11 =	simm.s32 $0x2000;
	s14 =	simm.s32 $0x4800;
	[dreg:$0xe] =	wrdreg s23  }
0x19: {  	s18 =	simm.s32 $0x9800;
	s21 =	simm.s32 $0x5;
	[dreg:$0xf] =	wrdreg s24  }
0x1a: {  	[dreg:$0x10] =	wrdreg s0;
	s29 =	sadd.s32 s12, s2;
	s22 =	simm.s32 $0x1000  }
0x1b: {  	s12 =	simm.s32 $0x1;
	s16 =	simm.s32 $0x7000;
	s31 =	sshrl.u32 s29, $0x3  }
0x1c: {  	s19 =	simm.s32 $0x2;
	s23 =	simm.s32 $0x3;
	[dreg:$0x13] =	wrdreg s31  }
.LBB2_1:
0x1d: {  	s28 =	rddreg [dreg:$0x6]  }
0x1e: {  	s0 =	rddreg [dreg:$0x12]  }
0x1f: {  	s3 =	rddreg [dreg:$0x13]  }
0x20: {  	[spmem:s3], [sflag:s0] =	dma.local [hbm:s28], $0x2800  }
0x21: {  	_ =	swait.ge [sflag:s8], $0x2800  }
0x22: {  	[sflag:s8] =	ssyncset.done $0x0  }
0x23: {  	[sflag:s8] =	ssyncadd.s32 $0xFFFFD800  }
0x24: {  	[bflag:$0x0] =	sbarrier.arrive $0xFFFF  }
0x25: {  	s7 =	rddreg [dreg:$0x7]  }
0x26: {  	[tilespmem:s4], [sflag:$0x7] =	stream.linear.gather [hbm4b:s7+s4], $0xC80, $0x38;
	v63 =	vld [tilespmem:$0x0]  }
0x27: {  	_ =	swait.ge [sflag:s8], $0xC80  }
0x28: {  	[sflag:s8] =	ssyncset.done $0x0  }
0x29: {  	s9 =	rddreg [dreg:$0x8];
	[sflag:s8] =	ssyncadd.s32 $0xFFFFF380  }
0x2a: {  	[tilespmem:s22], [sflag:$0x7] =	stream.linear.gather [hbm4b:s9+s4], $0xC80, $0x38;
	v63 =	vld [tilespmem:$0x0]  }
0x2b: {  	_ =	swait.ge [sflag:s8], $0xC80  }
0x2c: {  	[sflag:s8] =	ssyncset.done $0x0  }
0x2d: {  	[sflag:s8] =	ssyncadd.s32 $0xFFFFF380  }
0x2e: {  	[tilespmem:s11], [sflag:$0x1] =	stream.indirect.gather [hbm4b:s1+s10], $0x80, s4, s10, $0xb8;
	v63 =	vld [tilespmem:$0x0]  }
0x2f: {  	_ =	swait.ge [sflag:s12], $0x2800  }
0x30: {  	[sflag:s12] =	ssyncset.done $0x0  }
0x31: {  	s13 =	simm.s32 $0x80;
	[sflag:s12] =	ssyncadd.s32 $0xFFFFD800  }
0x32: {  	[tilespmem:s14], [sflag:$0x2] =	stream.indirect.gather [hbm4b:s1+s10], $0x80, s13, s10, $0xb8;
	v63 =	vld [tilespmem:$0x0]  }
0x33: {  	s15 =	simm.s32 $0x100  }
0x34: {  	[tilespmem:s16], [sflag:$0x3] =	stream.indirect.gather [hbm4b:s1+s10], $0x80, s15, s10, $0xb8;
	v63 =	vld [tilespmem:$0x0]  }
0x35: {  	s17 =	simm.s32 $0x180  }
0x36: {  	[tilespmem:s18], [sflag:$0x4] =	stream.indirect.gather [hbm4b:s1+s10], $0x80, s17, s10, $0xb8;
	v63 =	vld [tilespmem:$0x0]  }
0x37: {  	_ = 	snop  }
0x38: {  	[spmem:s2] =	stream.indirect.scatter.add.f32 [tilespmem:s11], [sflag:$0x5], $0x80, s22, s10, $0xb8;
	v63 =	vld [tilespmem:$0x0]  }
0x39: {  	_ =	swait.ge [sflag:s19], $0x2800  }
0x3a: {  	[sflag:s19] =	ssyncset.done $0x0  }
0x3b: {  	s20 =	simm.s32 $0x1080;
	[sflag:s19] =	ssyncadd.s32 $0xFFFFD800  }
0x3c: {  	[spmem:s2] =	stream.indirect.scatter.add.f32 [tilespmem:s14], [sflag:$0x6], $0x80, s20, s10, $0xb8;
	v63 =	vld [tilespmem:$0x0]  }
0x3d: {  	_ =	swait.ge [sflag:s21], $0x2800  }
0x3e: {  	[sflag:s21] =	ssyncset.done $0x0  }
0x3f: {  	s24 =	simm.s32 $0x200;
	[sflag:s21] =	ssyncadd.s32 $0xFFFFD800  }
0x40: {  	[tilespmem:s11], [sflag:$0x1] =	stream.indirect.gather [hbm4b:s1+s10], $0x80, s24, s10, $0xb8;
	v63 =	vld [tilespmem:$0x0]  }
0x41: {  	_ =	swait.ge [sflag:s23], $0x2800  }
0x42: {  	[sflag:s23] =	ssyncset.done $0x0  }
0x43: {  	s28 =	simm.s32 $0x1100;
	[sflag:s23] =	ssyncadd.s32 $0xFFFFD800  }
0x44: {  	[spmem:s2] =	stream.indirect.scatter.add.f32 [tilespmem:s16], [sflag:$0x5], $0x80, s28, s10, $0xb8;
	v63 =	vld [tilespmem:$0x0]  }
0x45: {  	_ =	swait.ge [sflag:s25], $0x2800  }
0x46: {  	[sflag:s25] =	ssyncset.done $0x0  }
0x47: {  	[sflag:s25] =	ssyncadd.s32 $0xFFFFD800  }
0x48: {  	_ =	swait.ge [sflag:s26], $0x2800  }
0x49: {  	[sflag:s26] =	ssyncset.done $0x0  }
0x4a: {  	s29 =	simm.s32 $0x1180;
	[sflag:s26] =	ssyncadd.s32 $0xFFFFD800  }
0x4b: {  	[spmem:s2] =	stream.indirect.scatter.add.f32 [tilespmem:s18], [sflag:$0x6], $0x80, s29, s10, $0xb8;
	v63 =	vld [tilespmem:$0x0]  }
0x4c: {  	_ =	swait.ge [sflag:s21], $0x2800  }
0x4d: {  	[sflag:s21] =	ssyncset.done $0x0  }
0x4e: {  	[sflag:s21] =	ssyncadd.s32 $0xFFFFD800  }
0x4f: {  	_ =	swait.ge [sflag:s25], $0x2800  }
0x50: {  	[sflag:s25] =	ssyncset.done $0x0  }
0x51: {  	[sflag:s25] =	ssyncadd.s32 $0xFFFFD800  }
0x52: {  	_ =	swait.ge [sflag:s12], $0x2800  }
0x53: {  	[sflag:s12] =	ssyncset.done $0x0  }
0x54: {  	s30 =	simm.s32 $0x280;
	[sflag:s12] =	ssyncadd.s32 $0xFFFFD800  }
0x55: {  	[tilespmem:s14], [sflag:$0x2] =	stream.indirect.gather [hbm4b:s1+s10], $0x80, s30, s10, $0xb8;
	v63 =	vld [tilespmem:$0x0]  }
0x56: {  	s31 =	simm.s32 $0x300  }
0x57: {  	[tilespmem:s16], [sflag:$0x3] =	stream.indirect.gather [hbm4b:s1+s10], $0x80, s31, s10, $0xb8;
	v63 =	vld [tilespmem:$0x0]  }
0x58: {  	s7 =	simm.s32 $0x380  }
0x59: {  	[tilespmem:s18], [sflag:$0x4] =	stream.indirect.gather [hbm4b:s1+s10], $0x80, s7, s10, $0xb8;
	v63 =	vld [tilespmem:$0x0]  }
0x5a: {  	s13 =	simm.s32 $0x1200  }
0x5b: {  	[spmem:s2] =	stream.indirect.scatter.add.f32 [tilespmem:s11], [sflag:$0x5], $0x80, s13, s10, $0xb8;
	v63 =	vld [tilespmem:$0x0]  }
0x5c: {  	_ =	swait.ge [sflag:s19], $0x2800  }
0x5d: {  	[sflag:s19] =	ssyncset.done $0x0  }
0x5e: {  	s15 =	simm.s32 $0x1280;
	[sflag:s19] =	ssyncadd.s32 $0xFFFFD800  }
0x5f: {  	[spmem:s2] =	stream.indirect.scatter.add.f32 [tilespmem:s14], [sflag:$0x6], $0x80, s15, s10, $0xb8;
	v63 =	vld [tilespmem:$0x0]  }
0x60: {  	_ =	swait.ge [sflag:s21], $0x2800  }
0x61: {  	[sflag:s21] =	ssyncset.done $0x0  }
0x62: {  	s17 =	simm.s32 $0x400;
	[sflag:s21] =	ssyncadd.s32 $0xFFFFD800  }
0x63: {  	[tilespmem:s11], [sflag:$0x1] =	stream.indirect.gather [hbm4b:s1+s10], $0x80, s17, s10, $0xb8;
	v63 =	vld [tilespmem:$0x0]  }
0x64: {  	_ =	swait.ge [sflag:s23], $0x2800  }
0x65: {  	[sflag:s23] =	ssyncset.done $0x0  }
0x66: {  	s20 =	simm.s32 $0x1300;
	[sflag:s23] =	ssyncadd.s32 $0xFFFFD800  }
0x67: {  	[spmem:s2] =	stream.indirect.scatter.add.f32 [tilespmem:s16], [sflag:$0x5], $0x80, s20, s10, $0xb8;
	v63 =	vld [tilespmem:$0x0]  }
0x68: {  	_ =	swait.ge [sflag:s25], $0x2800  }
0x69: {  	[sflag:s25] =	ssyncset.done $0x0  }
0x6a: {  	[sflag:s25] =	ssyncadd.s32 $0xFFFFD800  }
0x6b: {  	_ =	swait.ge [sflag:s26], $0x2800  }
0x6c: {  	[sflag:s26] =	ssyncset.done $0x0  }
0x6d: {  	s24 =	simm.s32 $0x1380;
	[sflag:s26] =	ssyncadd.s32 $0xFFFFD800  }
0x6e: {  	[spmem:s2] =	stream.indirect.scatter.add.f32 [tilespmem:s18], [sflag:$0x6], $0x80, s24, s10, $0xb8;
	v63 =	vld [tilespmem:$0x0]  }
0x6f: {  	_ =	swait.ge [sflag:s21], $0x2800  }
0x70: {  	[sflag:s21] =	ssyncset.done $0x0  }
0x71: {  	[sflag:s21] =	ssyncadd.s32 $0xFFFFD800  }
0x72: {  	_ =	swait.ge [sflag:s25], $0x2800  }
0x73: {  	[sflag:s25] =	ssyncset.done $0x0  }
0x74: {  	[sflag:s25] =	ssyncadd.s32 $0xFFFFD800  }
0x75: {  	_ =	swait.ge [sflag:s12], $0x2800  }
0x76: {  	[sflag:s12] =	ssyncset.done $0x0  }
0x77: {  	s29 =	simm.s32 $0x480;
	[sflag:s12] =	ssyncadd.s32 $0xFFFFD800  }
0x78: {  	[tilespmem:s14], [sflag:$0x2] =	stream.indirect.gather [hbm4b:s1+s10], $0x80, s29, s10, $0xb8;
	v63 =	vld [tilespmem:$0x0]  }
0x79: {  	s30 =	simm.s32 $0x500  }
0x7a: {  	[tilespmem:s16], [sflag:$0x3] =	stream.indirect.gather [hbm4b:s1+s10], $0x80, s30, s10, $0xb8;
	v63 =	vld [tilespmem:$0x0]  }
0x7b: {  	s31 =	simm.s32 $0x580  }
0x7c: {  	[tilespmem:s18], [sflag:$0x4] =	stream.indirect.gather [hbm4b:s1+s10], $0x80, s31, s10, $0xb8;
	v63 =	vld [tilespmem:$0x0]  }
0x7d: {  	s0 =	simm.s32 $0x1400  }
0x7e: {  	[spmem:s2] =	stream.indirect.scatter.add.f32 [tilespmem:s11], [sflag:$0x5], $0x80, s0, s10, $0xb8;
	v63 =	vld [tilespmem:$0x0]  }
0x7f: {  	_ =	swait.ge [sflag:s19], $0x2800  }
0x80: {  	[sflag:s19] =	ssyncset.done $0x0  }
0x81: {  	s7 =	simm.s32 $0x1480;
	[sflag:s19] =	ssyncadd.s32 $0xFFFFD800  }
0x82: {  	[spmem:s2] =	stream.indirect.scatter.add.f32 [tilespmem:s14], [sflag:$0x6], $0x80, s7, s10, $0xb8;
	v63 =	vld [tilespmem:$0x0]  }
0x83: {  	_ =	swait.ge [sflag:s21], $0x2800  }
0x84: {  	[sflag:s21] =	ssyncset.done $0x0  }
0x85: {  	s13 =	simm.s32 $0x600;
	[sflag:s21] =	ssyncadd.s32 $0xFFFFD800  }
0x86: {  	[tilespmem:s11], [sflag:$0x1] =	stream.indirect.gather [hbm4b:s1+s10], $0x80, s13, s10, $0xb8;
	v63 =	vld [tilespmem:$0x0]  }
0x87: {  	_ =	swait.ge [sflag:s23], $0x2800  }
0x88: {  	[sflag:s23] =	ssyncset.done $0x0  }
0x89: {  	s15 =	simm.s32 $0x1500;
	[sflag:s23] =	ssyncadd.s32 $0xFFFFD800  }
0x8a: {  	[spmem:s2] =	stream.indirect.scatter.add.f32 [tilespmem:s16], [sflag:$0x5], $0x80, s15, s10, $0xb8;
	v63 =	vld [tilespmem:$0x0]  }
0x8b: {  	_ =	swait.ge [sflag:s25], $0x2800  }
0x8c: {  	[sflag:s25] =	ssyncset.done $0x0  }
0x8d: {  	[sflag:s25] =	ssyncadd.s32 $0xFFFFD800  }
0x8e: {  	_ =	swait.ge [sflag:s26], $0x2800  }
0x8f: {  	[sflag:s26] =	ssyncset.done $0x0  }
0x90: {  	s17 =	simm.s32 $0x1580;
	[sflag:s26] =	ssyncadd.s32 $0xFFFFD800  }
0x91: {  	[spmem:s2] =	stream.indirect.scatter.add.f32 [tilespmem:s18], [sflag:$0x6], $0x80, s17, s10, $0xb8;
	v63 =	vld [tilespmem:$0x0]  }
0x92: {  	_ =	swait.ge [sflag:s21], $0x2800  }
0x93: {  	[sflag:s21] =	ssyncset.done $0x0  }
0x94: {  	[sflag:s21] =	ssyncadd.s32 $0xFFFFD800  }
0x95: {  	_ =	swait.ge [sflag:s25], $0x2800  }
0x96: {  	[sflag:s25] =	ssyncset.done $0x0  }
0x97: {  	[sflag:s25] =	ssyncadd.s32 $0xFFFFD800  }
0x98: {  	_ =	swait.ge [sflag:s12], $0x2800  }
0x99: {  	[sflag:s12] =	ssyncset.done $0x0  }
0x9a: {  	s20 =	simm.s32 $0x680;
	[sflag:s12] =	ssyncadd.s32 $0xFFFFD800  }
0x9b: {  	[tilespmem:s14], [sflag:$0x2] =	stream.indirect.gather [hbm4b:s1+s10], $0x80, s20, s10, $0xb8;
	v63 =	vld [tilespmem:$0x0]  }
0x9c: {  	s30 =	simm.s32 $0x700  }
0x9d: {  	[tilespmem:s16], [sflag:$0x3] =	stream.indirect.gather [hbm4b:s1+s10], $0x80, s30, s10, $0xb8;
	v63 =	vld [tilespmem:$0x0]  }
0x9e: {  	s31 =	simm.s32 $0x780  }
0x9f: {  	[tilespmem:s18], [sflag:$0x4] =	stream.indirect.gather [hbm4b:s1+s10], $0x80, s31, s10, $0xb8;
	v63 =	vld [tilespmem:$0x0]  }
0xa0: {  	s0 =	simm.s32 $0x1600  }
0xa1: {  	[spmem:s2] =	stream.indirect.scatter.add.f32 [tilespmem:s11], [sflag:$0x5], $0x80, s0, s10, $0xb8;
	v63 =	vld [tilespmem:$0x0]  }
0xa2: {  	_ =	swait.ge [sflag:s19], $0x2800  }
0xa3: {  	[sflag:s19] =	ssyncset.done $0x0  }
0xa4: {  	s7 =	simm.s32 $0x1680;
	[sflag:s19] =	ssyncadd.s32 $0xFFFFD800  }
0xa5: {  	[spmem:s2] =	stream.indirect.scatter.add.f32 [tilespmem:s14], [sflag:$0x6], $0x80, s7, s10, $0xb8;
	v63 =	vld [tilespmem:$0x0]  }
0xa6: {  	_ =	swait.ge [sflag:s21], $0x2800  }
0xa7: {  	[sflag:s21] =	ssyncset.done $0x0  }
0xa8: {  	s13 =	simm.s32 $0x800;
	[sflag:s21] =	ssyncadd.s32 $0xFFFFD800  }
0xa9: {  	[tilespmem:s11], [sflag:$0x1] =	stream.indirect.gather [hbm4b:s1+s10], $0x80, s13, s10, $0xb8;
	v63 =	vld [tilespmem:$0x0]  }
0xaa: {  	_ =	swait.ge [sflag:s23], $0x2800  }
0xab: {  	[sflag:s23] =	ssyncset.done $0x0  }
0xac: {  	s15 =	simm.s32 $0x1700;
	[sflag:s23] =	ssyncadd.s32 $0xFFFFD800  }
0xad: {  	[spmem:s2] =	stream.indirect.scatter.add.f32 [tilespmem:s16], [sflag:$0x5], $0x80, s15, s10, $0xb8;
	v63 =	vld [tilespmem:$0x0]  }
0xae: {  	_ =	swait.ge [sflag:s25], $0x2800  }
0xaf: {  	[sflag:s25] =	ssyncset.done $0x0  }
0xb0: {  	[sflag:s25] =	ssyncadd.s32 $0xFFFFD800  }
0xb1: {  	_ =	swait.ge [sflag:s26], $0x2800  }
0xb2: {  	[sflag:s26] =	ssyncset.done $0x0  }
0xb3: {  	s17 =	simm.s32 $0x1780;
	[sflag:s26] =	ssyncadd.s32 $0xFFFFD800  }
0xb4: {  	[spmem:s2] =	stream.indirect.scatter.add.f32 [tilespmem:s18], [sflag:$0x6], $0x80, s17, s10, $0xb8;
	v63 =	vld [tilespmem:$0x0]  }
0xb5: {  	_ =	swait.ge [sflag:s21], $0x2800  }
0xb6: {  	[sflag:s21] =	ssyncset.done $0x0  }
0xb7: {  	[sflag:s21] =	ssyncadd.s32 $0xFFFFD800  }
0xb8: {  	_ =	swait.ge [sflag:s25], $0x2800  }
0xb9: {  	[sflag:s25] =	ssyncset.done $0x0  }
0xba: {  	[sflag:s25] =	ssyncadd.s32 $0xFFFFD800  }
0xbb: {  	_ =	swait.ge [sflag:s12], $0x2800  }
0xbc: {  	[sflag:s12] =	ssyncset.done $0x0  }
0xbd: {  	s20 =	simm.s32 $0x880;
	[sflag:s12] =	ssyncadd.s32 $0xFFFFD800  }
0xbe: {  	[tilespmem:s14], [sflag:$0x2] =	stream.indirect.gather [hbm4b:s1+s10], $0x80, s20, s10, $0xb8;
	v63 =	vld [tilespmem:$0x0]  }
0xbf: {  	s0 =	simm.s32 $0x900  }
0xc0: {  	[tilespmem:s16], [sflag:$0x3] =	stream.indirect.gather [hbm4b:s1+s10], $0x80, s0, s10, $0xb8;
	v63 =	vld [tilespmem:$0x0]  }
0xc1: {  	s7 =	simm.s32 $0x980  }
0xc2: {  	[tilespmem:s18], [sflag:$0x4] =	stream.indirect.gather [hbm4b:s1+s10], $0x80, s7, s10, $0xb8;
	v63 =	vld [tilespmem:$0x0]  }
0xc3: {  	s13 =	simm.s32 $0x1800  }
0xc4: {  	[spmem:s2] =	stream.indirect.scatter.add.f32 [tilespmem:s11], [sflag:$0x5], $0x80, s13, s10, $0xb8;
	v63 =	vld [tilespmem:$0x0]  }
0xc5: {  	_ =	swait.ge [sflag:s19], $0x2800  }
0xc6: {  	[sflag:s19] =	ssyncset.done $0x0  }
0xc7: {  	s15 =	simm.s32 $0x1880;
	[sflag:s19] =	ssyncadd.s32 $0xFFFFD800  }
0xc8: {  	[spmem:s2] =	stream.indirect.scatter.add.f32 [tilespmem:s14], [sflag:$0x6], $0x80, s15, s10, $0xb8;
	v63 =	vld [tilespmem:$0x0]  }
0xc9: {  	_ =	swait.ge [sflag:s21], $0x2800  }
0xca: {  	[sflag:s21] =	ssyncset.done $0x0  }
0xcb: {  	s17 =	simm.s32 $0xA00;
	[sflag:s21] =	ssyncadd.s32 $0xFFFFD800  }
0xcc: {  	[tilespmem:s11], [sflag:$0x1] =	stream.indirect.gather [hbm4b:s1+s10], $0x80, s17, s10, $0xb8;
	v63 =	vld [tilespmem:$0x0]  }
0xcd: {  	_ =	swait.ge [sflag:s23], $0x2800  }
0xce: {  	[sflag:s23] =	ssyncset.done $0x0  }
0xcf: {  	s20 =	simm.s32 $0x1900;
	[sflag:s23] =	ssyncadd.s32 $0xFFFFD800  }
0xd0: {  	[spmem:s2] =	stream.indirect.scatter.add.f32 [tilespmem:s16], [sflag:$0x5], $0x80, s20, s10, $0xb8;
	v63 =	vld [tilespmem:$0x0]  }
0xd1: {  	_ =	swait.ge [sflag:s25], $0x2800  }
0xd2: {  	[sflag:s25] =	ssyncset.done $0x0  }
0xd3: {  	[sflag:s25] =	ssyncadd.s32 $0xFFFFD800  }
0xd4: {  	_ =	swait.ge [sflag:s26], $0x2800  }
0xd5: {  	[sflag:s26] =	ssyncset.done $0x0  }
0xd6: {  	s0 =	simm.s32 $0x1980;
	[sflag:s26] =	ssyncadd.s32 $0xFFFFD800  }
0xd7: {  	[spmem:s2] =	stream.indirect.scatter.add.f32 [tilespmem:s18], [sflag:$0x6], $0x80, s0, s10, $0xb8;
	v63 =	vld [tilespmem:$0x0]  }
0xd8: {  	_ =	swait.ge [sflag:s21], $0x2800  }
0xd9: {  	[sflag:s21] =	ssyncset.done $0x0  }
0xda: {  	[sflag:s21] =	ssyncadd.s32 $0xFFFFD800  }
0xdb: {  	_ =	swait.ge [sflag:s25], $0x2800  }
0xdc: {  	[sflag:s25] =	ssyncset.done $0x0  }
0xdd: {  	[sflag:s25] =	ssyncadd.s32 $0xFFFFD800  }
0xde: {  	_ =	swait.ge [sflag:s12], $0x2800  }
0xdf: {  	[sflag:s12] =	ssyncset.done $0x0  }
0xe0: {  	s7 =	simm.s32 $0xA80;
	[sflag:s12] =	ssyncadd.s32 $0xFFFFD800  }
0xe1: {  	[tilespmem:s14], [sflag:$0x2] =	stream.indirect.gather [hbm4b:s1+s10], $0x80, s7, s10, $0xb8;
	v63 =	vld [tilespmem:$0x0]  }
0xe2: {  	s13 =	simm.s32 $0xB00  }
0xe3: {  	[tilespmem:s16], [sflag:$0x3] =	stream.indirect.gather [hbm4b:s1+s10], $0x80, s13, s10, $0xb8;
	v63 =	vld [tilespmem:$0x0]  }
0xe4: {  	s15 =	simm.s32 $0xB80  }
0xe5: {  	[tilespmem:s18], [sflag:$0x4] =	stream.indirect.gather [hbm4b:s1+s10], $0x80, s15, s10, $0xb8;
	v63 =	vld [tilespmem:$0x0]  }
0xe6: {  	s17 =	simm.s32 $0x1A00  }
0xe7: {  	[spmem:s2] =	stream.indirect.scatter.add.f32 [tilespmem:s11], [sflag:$0x5], $0x80, s17, s10, $0xb8;
	v63 =	vld [tilespmem:$0x0]  }
0xe8: {  	_ =	swait.ge [sflag:s19], $0x2800  }
0xe9: {  	[sflag:s19] =	ssyncset.done $0x0  }
0xea: {  	s20 =	simm.s32 $0x1A80;
	[sflag:s19] =	ssyncadd.s32 $0xFFFFD800  }
0xeb: {  	[spmem:s2] =	stream.indirect.scatter.add.f32 [tilespmem:s14], [sflag:$0x6], $0x80, s20, s10, $0xb8;
	v63 =	vld [tilespmem:$0x0]  }
0xec: {  	_ =	swait.ge [sflag:s21], $0x2800  }
0xed: {  	[sflag:s21] =	ssyncset.done $0x0  }
0xee: {  	s0 =	simm.s32 $0xC00;
	[sflag:s21] =	ssyncadd.s32 $0xFFFFD800  }
0xef: {  	[tilespmem:s11], [sflag:$0x1] =	stream.indirect.gather [hbm4b:s1+s10], $0x80, s0, s10, $0xb8;
	v63 =	vld [tilespmem:$0x0]  }
0xf0: {  	_ =	swait.ge [sflag:s23], $0x2800  }
0xf1: {  	[sflag:s23] =	ssyncset.done $0x0  }
0xf2: {  	s7 =	simm.s32 $0x1B00;
	[sflag:s23] =	ssyncadd.s32 $0xFFFFD800  }
0xf3: {  	[spmem:s2] =	stream.indirect.scatter.add.f32 [tilespmem:s16], [sflag:$0x5], $0x80, s7, s10, $0xb8;
	v63 =	vld [tilespmem:$0x0]  }
0xf4: {  	_ =	swait.ge [sflag:s25], $0x2800  }
0xf5: {  	[sflag:s25] =	ssyncset.done $0x0  }
0xf6: {  	[sflag:s25] =	ssyncadd.s32 $0xFFFFD800  }
0xf7: {  	_ =	swait.ge [sflag:s26], $0x2800  }
0xf8: {  	[sflag:s26] =	ssyncset.done $0x0  }
0xf9: {  	s13 =	simm.s32 $0x1B80;
	[sflag:s26] =	ssyncadd.s32 $0xFFFFD800  }
0xfa: {  	[spmem:s2] =	stream.indirect.scatter.add.f32 [tilespmem:s18], [sflag:$0x6], $0x80, s13, s10, $0xb8;
	v63 =	vld [tilespmem:$0x0]  }
0xfb: {  	_ =	swait.ge [sflag:s21], $0x2800  }
0xfc: {  	[sflag:s21] =	ssyncset.done $0x0  }
0xfd: {  	[sflag:s21] =	ssyncadd.s32 $0xFFFFD800  }
0xfe: {  	_ =	swait.ge [sflag:s25], $0x2800  }
0xff: {  	[sflag:s25] =	ssyncset.done $0x0  }
0x100: {  	[sflag:s25] =	ssyncadd.s32 $0xFFFFD800  }
0x101: {  	_ =	swait.ge [sflag:s12], $0x2800  }
0x102: {  	[sflag:s12] =	ssyncset.done $0x0  }
0x103: {  	s15 =	simm.s32 $0x1C00;
	[sflag:s12] =	ssyncadd.s32 $0xFFFFD800  }
0x104: {  	[spmem:s2] =	stream.indirect.scatter.add.f32 [tilespmem:s11], [sflag:$0x7], $0x80, s15, s10, $0xb8;
	v63 =	vld [tilespmem:$0x0]  }
0x105: {  	_ =	swait.ge [sflag:s8], $0x2800  }
0x106: {  	[sflag:s8] =	ssyncset.done $0x0  }
0x107: {  	s17 =	rddreg [dreg:$0x9];
	[sflag:s8] =	ssyncadd.s32 $0xFFFFD800  }
0x108: {  	[tilespmem:s4], [sflag:$0x7] =	stream.linear.gather [hbm4b:s17+s4], $0xC80, $0x38;
	v63 =	vld [tilespmem:$0x0]  }
0x109: {  	_ =	swait.ge [sflag:s8], $0xC80  }
0x10a: {  	[sflag:s8] =	ssyncset.done $0x0  }
0x10b: {  	s20 =	rddreg [dreg:$0xa];
	[sflag:s8] =	ssyncadd.s32 $0xFFFFF380  }
0x10c: {  	[tilespmem:s22], [sflag:$0x7] =	stream.linear.gather [hbm4b:s20+s4], $0xC80, $0x38;
	v63 =	vld [tilespmem:$0x0]  }
0x10d: {  	_ =	swait.ge [sflag:s8], $0xC80  }
0x10e: {  	[sflag:s8] =	ssyncset.done $0x0  }
0x10f: {  	[sflag:s8] =	ssyncadd.s32 $0xFFFFF380  }
0x110: {  	[tilespmem:s11], [sflag:$0x1] =	stream.indirect.gather [hbm4b:s1+s10], $0x80, s4, s10, $0xb8;
	v63 =	vld [tilespmem:$0x0]  }
0x111: {  	_ =	swait.ge [sflag:s12], $0x2800  }
0x112: {  	[sflag:s12] =	ssyncset.done $0x0  }
0x113: {  	s3 =	simm.s32 $0x80;
	[sflag:s12] =	ssyncadd.s32 $0xFFFFD800  }
0x114: {  	[tilespmem:s14], [sflag:$0x2] =	stream.indirect.gather [hbm4b:s1+s10], $0x80, s3, s10, $0xb8;
	v63 =	vld [tilespmem:$0x0]  }
0x115: {  	s0 =	simm.s32 $0x100  }
0x116: {  	[tilespmem:s16], [sflag:$0x3] =	stream.indirect.gather [hbm4b:s1+s10], $0x80, s0, s10, $0xb8;
	v63 =	vld [tilespmem:$0x0]  }
0x117: {  	s5 =	simm.s32 $0x180  }
0x118: {  	[tilespmem:s18], [sflag:$0x4] =	stream.indirect.gather [hbm4b:s1+s10], $0x80, s5, s10, $0xb8;
	v63 =	vld [tilespmem:$0x0]  }
0x119: {  	_ = 	snop  }
0x11a: {  	[spmem:s2] =	stream.indirect.scatter.add.f32 [tilespmem:s11], [sflag:$0x5], $0x80, s22, s10, $0xb8;
	v63 =	vld [tilespmem:$0x0]  }
0x11b: {  	_ =	swait.ge [sflag:s19], $0x2800  }
0x11c: {  	[sflag:s19] =	ssyncset.done $0x0  }
0x11d: {  	s9 =	simm.s32 $0x1080;
	[sflag:s19] =	ssyncadd.s32 $0xFFFFD800  }
0x11e: {  	[spmem:s2] =	stream.indirect.scatter.add.f32 [tilespmem:s14], [sflag:$0x6], $0x80, s9, s10, $0xb8;
	v63 =	vld [tilespmem:$0x0]  }
0x11f: {  	_ =	swait.ge [sflag:s21], $0x2800  }
0x120: {  	[sflag:s21] =	ssyncset.done $0x0  }
0x121: {  	s7 =	simm.s32 $0x200;
	[sflag:s21] =	ssyncadd.s32 $0xFFFFD800  }
0x122: {  	[tilespmem:s11], [sflag:$0x1] =	stream.indirect.gather [hbm4b:s1+s10], $0x80, s7, s10, $0xb8;
	v63 =	vld [tilespmem:$0x0]  }
0x123: {  	_ =	swait.ge [sflag:s23], $0x2800  }
0x124: {  	[sflag:s23] =	ssyncset.done $0x0  }
0x125: {  	s13 =	simm.s32 $0x1100;
	[sflag:s23] =	ssyncadd.s32 $0xFFFFD800  }
0x126: {  	[spmem:s2] =	stream.indirect.scatter.add.f32 [tilespmem:s16], [sflag:$0x5], $0x80, s13, s10, $0xb8;
	v63 =	vld [tilespmem:$0x0]  }
0x127: {  	_ =	swait.ge [sflag:s25], $0x2800  }
0x128: {  	[sflag:s25] =	ssyncset.done $0x0  }
0x129: {  	[sflag:s25] =	ssyncadd.s32 $0xFFFFD800  }
0x12a: {  	_ =	swait.ge [sflag:s26], $0x2800  }
0x12b: {  	[sflag:s26] =	ssyncset.done $0x0  }
0x12c: {  	s15 =	simm.s32 $0x1180;
	[sflag:s26] =	ssyncadd.s32 $0xFFFFD800  }
0x12d: {  	[spmem:s2] =	stream.indirect.scatter.add.f32 [tilespmem:s18], [sflag:$0x6], $0x80, s15, s10, $0xb8;
	v63 =	vld [tilespmem:$0x0]  }
0x12e: {  	_ =	swait.ge [sflag:s21], $0x2800  }
0x12f: {  	[sflag:s21] =	ssyncset.done $0x0  }
0x130: {  	[sflag:s21] =	ssyncadd.s32 $0xFFFFD800  }
0x131: {  	_ =	swait.ge [sflag:s25], $0x2800  }
0x132: {  	[sflag:s25] =	ssyncset.done $0x0  }
0x133: {  	[sflag:s25] =	ssyncadd.s32 $0xFFFFD800  }
0x134: {  	_ =	swait.ge [sflag:s12], $0x2800  }
0x135: {  	[sflag:s12] =	ssyncset.done $0x0  }
0x136: {  	s3 =	simm.s32 $0x280;
	[sflag:s12] =	ssyncadd.s32 $0xFFFFD800  }
0x137: {  	[tilespmem:s14], [sflag:$0x2] =	stream.indirect.gather [hbm4b:s1+s10], $0x80, s3, s10, $0xb8;
	v63 =	vld [tilespmem:$0x0]  }
0x138: {  	s9 =	simm.s32 $0x300  }
0x139: {  	[tilespmem:s16], [sflag:$0x3] =	stream.indirect.gather [hbm4b:s1+s10], $0x80, s9, s10, $0xb8;
	v63 =	vld [tilespmem:$0x0]  }
0x13a: {  	s5 =	simm.s32 $0x380  }
0x13b: {  	[tilespmem:s18], [sflag:$0x4] =	stream.indirect.gather [hbm4b:s1+s10], $0x80, s5, s10, $0xb8;
	v63 =	vld [tilespmem:$0x0]  }
0x13c: {  	s17 =	simm.s32 $0x1200  }
0x13d: {  	[spmem:s2] =	stream.indirect.scatter.add.f32 [tilespmem:s11], [sflag:$0x5], $0x80, s17, s10, $0xb8;
	v63 =	vld [tilespmem:$0x0]  }
0x13e: {  	_ =	swait.ge [sflag:s19], $0x2800  }
0x13f: {  	[sflag:s19] =	ssyncset.done $0x0  }
0x140: {  	s20 =	simm.s32 $0x1280;
	[sflag:s19] =	ssyncadd.s32 $0xFFFFD800  }
0x141: {  	[spmem:s2] =	stream.indirect.scatter.add.f32 [tilespmem:s14], [sflag:$0x6], $0x80, s20, s10, $0xb8;
	v63 =	vld [tilespmem:$0x0]  }
0x142: {  	_ =	swait.ge [sflag:s21], $0x2800  }
0x143: {  	[sflag:s21] =	ssyncset.done $0x0  }
0x144: {  	s28 =	simm.s32 $0x400;
	[sflag:s21] =	ssyncadd.s32 $0xFFFFD800  }
0x145: {  	[tilespmem:s11], [sflag:$0x1] =	stream.indirect.gather [hbm4b:s1+s10], $0x80, s28, s10, $0xb8;
	v63 =	vld [tilespmem:$0x0]  }
0x146: {  	_ =	swait.ge [sflag:s23], $0x2800  }
0x147: {  	[sflag:s23] =	ssyncset.done $0x0  }
0x148: {  	s28 =	simm.s32 $0x1300;
	[sflag:s23] =	ssyncadd.s32 $0xFFFFD800  }
0x149: {  	[spmem:s2] =	stream.indirect.scatter.add.f32 [tilespmem:s16], [sflag:$0x5], $0x80, s28, s10, $0xb8;
	v63 =	vld [tilespmem:$0x0]  }
0x14a: {  	_ =	swait.ge [sflag:s25], $0x2800  }
0x14b: {  	[sflag:s25] =	ssyncset.done $0x0  }
0x14c: {  	[sflag:s25] =	ssyncadd.s32 $0xFFFFD800  }
0x14d: {  	_ =	swait.ge [sflag:s26], $0x2800  }
0x14e: {  	[sflag:s26] =	ssyncset.done $0x0  }
0x14f: {  	s28 =	simm.s32 $0x1380;
	[sflag:s26] =	ssyncadd.s32 $0xFFFFD800  }
0x150: {  	[spmem:s2] =	stream.indirect.scatter.add.f32 [tilespmem:s18], [sflag:$0x6], $0x80, s28, s10, $0xb8;
	v63 =	vld [tilespmem:$0x0]  }
0x151: {  	_ =	swait.ge [sflag:s21], $0x2800  }
0x152: {  	[sflag:s21] =	ssyncset.done $0x0  }
0x153: {  	[sflag:s21] =	ssyncadd.s32 $0xFFFFD800  }
0x154: {  	_ =	swait.ge [sflag:s25], $0x2800  }
0x155: {  	[sflag:s25] =	ssyncset.done $0x0  }
0x156: {  	[sflag:s25] =	ssyncadd.s32 $0xFFFFD800  }
0x157: {  	_ =	swait.ge [sflag:s12], $0x2800  }
0x158: {  	[sflag:s12] =	ssyncset.done $0x0  }
0x159: {  	s28 =	simm.s32 $0x480;
	[sflag:s12] =	ssyncadd.s32 $0xFFFFD800  }
0x15a: {  	[tilespmem:s14], [sflag:$0x2] =	stream.indirect.gather [hbm4b:s1+s10], $0x80, s28, s10, $0xb8;
	v63 =	vld [tilespmem:$0x0]  }
0x15b: {  	s28 =	simm.s32 $0x500  }
0x15c: {  	[tilespmem:s16], [sflag:$0x3] =	stream.indirect.gather [hbm4b:s1+s10], $0x80, s28, s10, $0xb8;
	v63 =	vld [tilespmem:$0x0]  }
0x15d: {  	s28 =	simm.s32 $0x580  }
0x15e: {  	[tilespmem:s18], [sflag:$0x4] =	stream.indirect.gather [hbm4b:s1+s10], $0x80, s28, s10, $0xb8;
	v63 =	vld [tilespmem:$0x0]  }
0x15f: {  	s28 =	simm.s32 $0x1400  }
0x160: {  	[spmem:s2] =	stream.indirect.scatter.add.f32 [tilespmem:s11], [sflag:$0x5], $0x80, s28, s10, $0xb8;
	v63 =	vld [tilespmem:$0x0]  }
0x161: {  	_ =	swait.ge [sflag:s19], $0x2800  }
0x162: {  	[sflag:s19] =	ssyncset.done $0x0  }
0x163: {  	s28 =	simm.s32 $0x1480;
	[sflag:s19] =	ssyncadd.s32 $0xFFFFD800  }
0x164: {  	[spmem:s2] =	stream.indirect.scatter.add.f32 [tilespmem:s14], [sflag:$0x6], $0x80, s28, s10, $0xb8;
	v63 =	vld [tilespmem:$0x0]  }
0x165: {  	_ =	swait.ge [sflag:s21], $0x2800  }
0x166: {  	[sflag:s21] =	ssyncset.done $0x0  }
0x167: {  	s28 =	simm.s32 $0x600;
	[sflag:s21] =	ssyncadd.s32 $0xFFFFD800  }
0x168: {  	[tilespmem:s11], [sflag:$0x1] =	stream.indirect.gather [hbm4b:s1+s10], $0x80, s28, s10, $0xb8;
	v63 =	vld [tilespmem:$0x0]  }
0x169: {  	_ =	swait.ge [sflag:s23], $0x2800  }
0x16a: {  	[sflag:s23] =	ssyncset.done $0x0  }
0x16b: {  	s24 =	simm.s32 $0x1500;
	[sflag:s23] =	ssyncadd.s32 $0xFFFFD800  }
0x16c: {  	[spmem:s2] =	stream.indirect.scatter.add.f32 [tilespmem:s16], [sflag:$0x5], $0x80, s24, s10, $0xb8;
	v63 =	vld [tilespmem:$0x0]  }
0x16d: {  	_ =	swait.ge [sflag:s25], $0x2800  }
0x16e: {  	[sflag:s25] =	ssyncset.done $0x0  }
0x16f: {  	[sflag:s25] =	ssyncadd.s32 $0xFFFFD800  }
0x170: {  	_ =	swait.ge [sflag:s26], $0x2800  }
0x171: {  	[sflag:s26] =	ssyncset.done $0x0  }
0x172: {  	s29 =	simm.s32 $0x1580;
	[sflag:s26] =	ssyncadd.s32 $0xFFFFD800  }
0x173: {  	[spmem:s2] =	stream.indirect.scatter.add.f32 [tilespmem:s18], [sflag:$0x6], $0x80, s29, s10, $0xb8;
	v63 =	vld [tilespmem:$0x0]  }
0x174: {  	_ =	swait.ge [sflag:s21], $0x2800  }
0x175: {  	[sflag:s21] =	ssyncset.done $0x0  }
0x176: {  	[sflag:s21] =	ssyncadd.s32 $0xFFFFD800  }
0x177: {  	_ =	swait.ge [sflag:s25], $0x2800  }
0x178: {  	[sflag:s25] =	ssyncset.done $0x0  }
0x179: {  	[sflag:s25] =	ssyncadd.s32 $0xFFFFD800  }
0x17a: {  	_ =	swait.ge [sflag:s12], $0x2800  }
0x17b: {  	[sflag:s12] =	ssyncset.done $0x0  }
0x17c: {  	s28 =	simm.s32 $0x680;
	[sflag:s12] =	ssyncadd.s32 $0xFFFFD800  }
0x17d: {  	[tilespmem:s14], [sflag:$0x2] =	stream.indirect.gather [hbm4b:s1+s10], $0x80, s28, s10, $0xb8;
	v63 =	vld [tilespmem:$0x0]  }
0x17e: {  	s29 =	simm.s32 $0x700  }
0x17f: {  	[tilespmem:s16], [sflag:$0x3] =	stream.indirect.gather [hbm4b:s1+s10], $0x80, s29, s10, $0xb8;
	v63 =	vld [tilespmem:$0x0]  }
0x180: {  	s28 =	simm.s32 $0x780  }
0x181: {  	[tilespmem:s18], [sflag:$0x4] =	stream.indirect.gather [hbm4b:s1+s10], $0x80, s28, s10, $0xb8;
	v63 =	vld [tilespmem:$0x0]  }
0x182: {  	s30 =	simm.s32 $0x1600  }
0x183: {  	[spmem:s2] =	stream.indirect.scatter.add.f32 [tilespmem:s11], [sflag:$0x5], $0x80, s30, s10, $0xb8;
	v63 =	vld [tilespmem:$0x0]  }
0x184: {  	_ =	swait.ge [sflag:s19], $0x2800  }
0x185: {  	[sflag:s19] =	ssyncset.done $0x0  }
0x186: {  	s31 =	simm.s32 $0x1680;
	[sflag:s19] =	ssyncadd.s32 $0xFFFFD800  }
0x187: {  	[spmem:s2] =	stream.indirect.scatter.add.f32 [tilespmem:s14], [sflag:$0x6], $0x80, s31, s10, $0xb8;
	v63 =	vld [tilespmem:$0x0]  }
0x188: {  	_ =	swait.ge [sflag:s21], $0x2800  }
0x189: {  	[sflag:s21] =	ssyncset.done $0x0  }
0x18a: {  	s31 =	simm.s32 $0x800;
	[sflag:s21] =	ssyncadd.s32 $0xFFFFD800  }
0x18b: {  	[tilespmem:s11], [sflag:$0x1] =	stream.indirect.gather [hbm4b:s1+s10], $0x80, s31, s10, $0xb8;
	v63 =	vld [tilespmem:$0x0]  }
0x18c: {  	_ =	swait.ge [sflag:s23], $0x2800  }
0x18d: {  	[sflag:s23] =	ssyncset.done $0x0  }
0x18e: {  	s30 =	simm.s32 $0x1700;
	[sflag:s23] =	ssyncadd.s32 $0xFFFFD800  }
0x18f: {  	[spmem:s2] =	stream.indirect.scatter.add.f32 [tilespmem:s16], [sflag:$0x5], $0x80, s30, s10, $0xb8;
	v63 =	vld [tilespmem:$0x0]  }
0x190: {  	_ =	swait.ge [sflag:s25], $0x2800  }
0x191: {  	[sflag:s25] =	ssyncset.done $0x0  }
0x192: {  	[sflag:s25] =	ssyncadd.s32 $0xFFFFD800  }
0x193: {  	_ =	swait.ge [sflag:s26], $0x2800  }
0x194: {  	[sflag:s26] =	ssyncset.done $0x0  }
0x195: {  	s31 =	simm.s32 $0x1780;
	[sflag:s26] =	ssyncadd.s32 $0xFFFFD800  }
0x196: {  	[spmem:s2] =	stream.indirect.scatter.add.f32 [tilespmem:s18], [sflag:$0x6], $0x80, s31, s10, $0xb8;
	v63 =	vld [tilespmem:$0x0]  }
0x197: {  	_ =	swait.ge [sflag:s21], $0x2800  }
0x198: {  	[sflag:s21] =	ssyncset.done $0x0  }
0x199: {  	[sflag:s21] =	ssyncadd.s32 $0xFFFFD800  }
0x19a: {  	_ =	swait.ge [sflag:s25], $0x2800  }
0x19b: {  	[sflag:s25] =	ssyncset.done $0x0  }
0x19c: {  	[sflag:s25] =	ssyncadd.s32 $0xFFFFD800  }
0x19d: {  	_ =	swait.ge [sflag:s12], $0x2800  }
0x19e: {  	[sflag:s12] =	ssyncset.done $0x0  }
0x19f: {  	s30 =	simm.s32 $0x880;
	[sflag:s12] =	ssyncadd.s32 $0xFFFFD800  }
0x1a0: {  	[tilespmem:s14], [sflag:$0x2] =	stream.indirect.gather [hbm4b:s1+s10], $0x80, s30, s10, $0xb8;
	v63 =	vld [tilespmem:$0x0]  }
0x1a1: {  	s31 =	simm.s32 $0x900  }
0x1a2: {  	[tilespmem:s16], [sflag:$0x3] =	stream.indirect.gather [hbm4b:s1+s10], $0x80, s31, s10, $0xb8;
	v63 =	vld [tilespmem:$0x0]  }
0x1a3: {  	s28 =	simm.s32 $0x980  }
0x1a4: {  	[tilespmem:s18], [sflag:$0x4] =	stream.indirect.gather [hbm4b:s1+s10], $0x80, s28, s10, $0xb8;
	v63 =	vld [tilespmem:$0x0]  }
0x1a5: {  	s28 =	simm.s32 $0x1800  }
0x1a6: {  	[spmem:s2] =	stream.indirect.scatter.add.f32 [tilespmem:s11], [sflag:$0x5], $0x80, s28, s10, $0xb8;
	v63 =	vld [tilespmem:$0x0]  }
0x1a7: {  	_ =	swait.ge [sflag:s19], $0x2800  }
0x1a8: {  	[sflag:s19] =	ssyncset.done $0x0  }
0x1a9: {  	s28 =	simm.s32 $0x1880;
	[sflag:s19] =	ssyncadd.s32 $0xFFFFD800  }
0x1aa: {  	[spmem:s2] =	stream.indirect.scatter.add.f32 [tilespmem:s14], [sflag:$0x6], $0x80, s28, s10, $0xb8;
	v63 =	vld [tilespmem:$0x0]  }
0x1ab: {  	_ =	swait.ge [sflag:s21], $0x2800  }
0x1ac: {  	[sflag:s21] =	ssyncset.done $0x0  }
0x1ad: {  	s28 =	simm.s32 $0xA00;
	[sflag:s21] =	ssyncadd.s32 $0xFFFFD800  }
0x1ae: {  	[tilespmem:s11], [sflag:$0x1] =	stream.indirect.gather [hbm4b:s1+s10], $0x80, s28, s10, $0xb8;
	v63 =	vld [tilespmem:$0x0]  }
0x1af: {  	_ =	swait.ge [sflag:s23], $0x2800  }
0x1b0: {  	[sflag:s23] =	ssyncset.done $0x0  }
0x1b1: {  	s28 =	simm.s32 $0x1900;
	[sflag:s23] =	ssyncadd.s32 $0xFFFFD800  }
0x1b2: {  	[spmem:s2] =	stream.indirect.scatter.add.f32 [tilespmem:s16], [sflag:$0x5], $0x80, s28, s10, $0xb8;
	v63 =	vld [tilespmem:$0x0]  }
0x1b3: {  	_ =	swait.ge [sflag:s25], $0x2800  }
0x1b4: {  	[sflag:s25] =	ssyncset.done $0x0  }
0x1b5: {  	[sflag:s25] =	ssyncadd.s32 $0xFFFFD800  }
0x1b6: {  	_ =	swait.ge [sflag:s26], $0x2800  }
0x1b7: {  	[sflag:s26] =	ssyncset.done $0x0  }
0x1b8: {  	s28 =	simm.s32 $0x1980;
	[sflag:s26] =	ssyncadd.s32 $0xFFFFD800  }
0x1b9: {  	[spmem:s2] =	stream.indirect.scatter.add.f32 [tilespmem:s18], [sflag:$0x6], $0x80, s28, s10, $0xb8;
	v63 =	vld [tilespmem:$0x0]  }
0x1ba: {  	_ =	swait.ge [sflag:s21], $0x2800  }
0x1bb: {  	[sflag:s21] =	ssyncset.done $0x0  }
0x1bc: {  	[sflag:s21] =	ssyncadd.s32 $0xFFFFD800  }
0x1bd: {  	_ =	swait.ge [sflag:s25], $0x2800  }
0x1be: {  	[sflag:s25] =	ssyncset.done $0x0  }
0x1bf: {  	[sflag:s25] =	ssyncadd.s32 $0xFFFFD800  }
0x1c0: {  	_ =	swait.ge [sflag:s12], $0x2800  }
0x1c1: {  	[sflag:s12] =	ssyncset.done $0x0  }
0x1c2: {  	s28 =	simm.s32 $0xA80;
	[sflag:s12] =	ssyncadd.s32 $0xFFFFD800  }
0x1c3: {  	[tilespmem:s14], [sflag:$0x2] =	stream.indirect.gather [hbm4b:s1+s10], $0x80, s28, s10, $0xb8;
	v63 =	vld [tilespmem:$0x0]  }
0x1c4: {  	s28 =	simm.s32 $0xB00  }
0x1c5: {  	[tilespmem:s16], [sflag:$0x3] =	stream.indirect.gather [hbm4b:s1+s10], $0x80, s28, s10, $0xb8;
	v63 =	vld [tilespmem:$0x0]  }
0x1c6: {  	s28 =	simm.s32 $0xB80  }
0x1c7: {  	[tilespmem:s18], [sflag:$0x4] =	stream.indirect.gather [hbm4b:s1+s10], $0x80, s28, s10, $0xb8;
	v63 =	vld [tilespmem:$0x0]  }
0x1c8: {  	s28 =	simm.s32 $0x1A00  }
0x1c9: {  	[spmem:s2] =	stream.indirect.scatter.add.f32 [tilespmem:s11], [sflag:$0x5], $0x80, s28, s10, $0xb8;
	v63 =	vld [tilespmem:$0x0]  }
0x1ca: {  	_ =	swait.ge [sflag:s19], $0x2800  }
0x1cb: {  	[sflag:s19] =	ssyncset.done $0x0  }
0x1cc: {  	s28 =	simm.s32 $0x1A80;
	[sflag:s19] =	ssyncadd.s32 $0xFFFFD800  }
0x1cd: {  	[spmem:s2] =	stream.indirect.scatter.add.f32 [tilespmem:s14], [sflag:$0x6], $0x80, s28, s10, $0xb8;
	v63 =	vld [tilespmem:$0x0]  }
0x1ce: {  	_ =	swait.ge [sflag:s21], $0x2800  }
0x1cf: {  	[sflag:s21] =	ssyncset.done $0x0  }
0x1d0: {  	s28 =	simm.s32 $0xC00;
	[sflag:s21] =	ssyncadd.s32 $0xFFFFD800  }
0x1d1: {  	[tilespmem:s11], [sflag:$0x1] =	stream.indirect.gather [hbm4b:s1+s10], $0x80, s28, s10, $0xb8;
	v63 =	vld [tilespmem:$0x0]  }
0x1d2: {  	_ =	swait.ge [sflag:s23], $0x2800  }
0x1d3: {  	[sflag:s23] =	ssyncset.done $0x0  }
0x1d4: {  	s28 =	simm.s32 $0x1B00;
	[sflag:s23] =	ssyncadd.s32 $0xFFFFD800  }
0x1d5: {  	[spmem:s2] =	stream.indirect.scatter.add.f32 [tilespmem:s16], [sflag:$0x5], $0x80, s28, s10, $0xb8;
	v63 =	vld [tilespmem:$0x0]  }
0x1d6: {  	_ =	swait.ge [sflag:s25], $0x2800  }
0x1d7: {  	[sflag:s25] =	ssyncset.done $0x0  }
0x1d8: {  	[sflag:s25] =	ssyncadd.s32 $0xFFFFD800  }
0x1d9: {  	_ =	swait.ge [sflag:s26], $0x2800  }
0x1da: {  	[sflag:s26] =	ssyncset.done $0x0  }
0x1db: {  	s28 =	simm.s32 $0x1B80;
	[sflag:s26] =	ssyncadd.s32 $0xFFFFD800  }
0x1dc: {  	[spmem:s2] =	stream.indirect.scatter.add.f32 [tilespmem:s18], [sflag:$0x6], $0x80, s28, s10, $0xb8;
	v63 =	vld [tilespmem:$0x0]  }
0x1dd: {  	_ =	swait.ge [sflag:s21], $0x2800  }
0x1de: {  	[sflag:s21] =	ssyncset.done $0x0  }
0x1df: {  	[sflag:s21] =	ssyncadd.s32 $0xFFFFD800  }
0x1e0: {  	_ =	swait.ge [sflag:s25], $0x2800  }
0x1e1: {  	[sflag:s25] =	ssyncset.done $0x0  }
0x1e2: {  	[sflag:s25] =	ssyncadd.s32 $0xFFFFD800  }
0x1e3: {  	_ =	swait.ge [sflag:s12], $0x2800  }
0x1e4: {  	[sflag:s12] =	ssyncset.done $0x0  }
0x1e5: {  	s28 =	simm.s32 $0x1C00;
	[sflag:s12] =	ssyncadd.s32 $0xFFFFD800  }
0x1e6: {  	[spmem:s2] =	stream.indirect.scatter.add.f32 [tilespmem:s11], [sflag:$0x7], $0x80, s28, s10, $0xb8;
	v63 =	vld [tilespmem:$0x0]  }
0x1e7: {  	_ =	swait.ge [sflag:s8], $0x2800  }
0x1e8: {  	[sflag:s8] =	ssyncset.done $0x0  }
0x1e9: {  	s28 =	rddreg [dreg:$0xb];
	[sflag:s8] =	ssyncadd.s32 $0xFFFFD800  }
0x1ea: {  	[tilespmem:s4], [sflag:$0x7] =	stream.linear.gather [hbm4b:s28+s4], $0xC80, $0x38;
	v63 =	vld [tilespmem:$0x0]  }
0x1eb: {  	_ =	swait.ge [sflag:s8], $0xC80  }
0x1ec: {  	[sflag:s8] =	ssyncset.done $0x0  }
0x1ed: {  	s28 =	rddreg [dreg:$0xc];
	[sflag:s8] =	ssyncadd.s32 $0xFFFFF380  }
0x1ee: {  	[tilespmem:s22], [sflag:$0x7] =	stream.linear.gather [hbm4b:s28+s4], $0xC80, $0x38;
	v63 =	vld [tilespmem:$0x0]  }
0x1ef: {  	_ =	swait.ge [sflag:s8], $0xC80  }
0x1f0: {  	[sflag:s8] =	ssyncset.done $0x0  }
0x1f1: {  	[sflag:s8] =	ssyncadd.s32 $0xFFFFF380  }
0x1f2: {  	[tilespmem:s11], [sflag:$0x1] =	stream.indirect.gather [hbm4b:s1+s10], $0x80, s4, s10, $0xb8;
	v63 =	vld [tilespmem:$0x0]  }
0x1f3: {  	_ =	swait.ge [sflag:s12], $0x2800  }
0x1f4: {  	[sflag:s12] =	ssyncset.done $0x0  }
0x1f5: {  	s28 =	simm.s32 $0x80;
	[sflag:s12] =	ssyncadd.s32 $0xFFFFD800  }
0x1f6: {  	[tilespmem:s14], [sflag:$0x2] =	stream.indirect.gather [hbm4b:s1+s10], $0x80, s28, s10, $0xb8;
	v63 =	vld [tilespmem:$0x0]  }
0x1f7: {  	_ = 	snop  }
0x1f8: {  	[tilespmem:s16], [sflag:$0x3] =	stream.indirect.gather [hbm4b:s1+s10], $0x80, s0, s10, $0xb8;
	v63 =	vld [tilespmem:$0x0]  }
0x1f9: {  	s28 =	simm.s32 $0x180  }
0x1fa: {  	[tilespmem:s18], [sflag:$0x4] =	stream.indirect.gather [hbm4b:s1+s10], $0x80, s28, s10, $0xb8;
	v63 =	vld [tilespmem:$0x0]  }
0x1fb: {  	_ = 	snop  }
0x1fc: {  	[spmem:s2] =	stream.indirect.scatter.add.f32 [tilespmem:s11], [sflag:$0x5], $0x80, s22, s10, $0xb8;
	v63 =	vld [tilespmem:$0x0]  }
0x1fd: {  	_ =	swait.ge [sflag:s19], $0x2800  }
0x1fe: {  	[sflag:s19] =	ssyncset.done $0x0  }
0x1ff: {  	s28 =	simm.s32 $0x1080;
	[sflag:s19] =	ssyncadd.s32 $0xFFFFD800  }
0x200: {  	[spmem:s2] =	stream.indirect.scatter.add.f32 [tilespmem:s14], [sflag:$0x6], $0x80, s28, s10, $0xb8;
	v63 =	vld [tilespmem:$0x0]  }
0x201: {  	_ =	swait.ge [sflag:s21], $0x2800  }
0x202: {  	[sflag:s21] =	ssyncset.done $0x0  }
0x203: {  	[sflag:s21] =	ssyncadd.s32 $0xFFFFD800  }
0x204: {  	[tilespmem:s11], [sflag:$0x1] =	stream.indirect.gather [hbm4b:s1+s10], $0x80, s7, s10, $0xb8;
	v63 =	vld [tilespmem:$0x0]  }
0x205: {  	_ =	swait.ge [sflag:s23], $0x2800  }
0x206: {  	[sflag:s23] =	ssyncset.done $0x0  }
0x207: {  	[sflag:s23] =	ssyncadd.s32 $0xFFFFD800  }
0x208: {  	[spmem:s2] =	stream.indirect.scatter.add.f32 [tilespmem:s16], [sflag:$0x5], $0x80, s13, s10, $0xb8;
	v63 =	vld [tilespmem:$0x0]  }
0x209: {  	_ =	swait.ge [sflag:s25], $0x2800  }
0x20a: {  	[sflag:s25] =	ssyncset.done $0x0  }
0x20b: {  	[sflag:s25] =	ssyncadd.s32 $0xFFFFD800  }
0x20c: {  	_ =	swait.ge [sflag:s26], $0x2800  }
0x20d: {  	[sflag:s26] =	ssyncset.done $0x0  }
0x20e: {  	[sflag:s26] =	ssyncadd.s32 $0xFFFFD800  }
0x20f: {  	[spmem:s2] =	stream.indirect.scatter.add.f32 [tilespmem:s18], [sflag:$0x6], $0x80, s15, s10, $0xb8;
	v63 =	vld [tilespmem:$0x0]  }
0x210: {  	_ =	swait.ge [sflag:s21], $0x2800  }
0x211: {  	[sflag:s21] =	ssyncset.done $0x0  }
0x212: {  	[sflag:s21] =	ssyncadd.s32 $0xFFFFD800  }
0x213: {  	_ =	swait.ge [sflag:s25], $0x2800  }
0x214: {  	[sflag:s25] =	ssyncset.done $0x0  }
0x215: {  	[sflag:s25] =	ssyncadd.s32 $0xFFFFD800  }
0x216: {  	_ =	swait.ge [sflag:s12], $0x2800  }
0x217: {  	[sflag:s12] =	ssyncset.done $0x0  }
0x218: {  	[sflag:s12] =	ssyncadd.s32 $0xFFFFD800  }
0x219: {  	[tilespmem:s14], [sflag:$0x2] =	stream.indirect.gather [hbm4b:s1+s10], $0x80, s3, s10, $0xb8;
	v63 =	vld [tilespmem:$0x0]  }
0x21a: {  	_ = 	snop  }
0x21b: {  	[tilespmem:s16], [sflag:$0x3] =	stream.indirect.gather [hbm4b:s1+s10], $0x80, s9, s10, $0xb8;
	v63 =	vld [tilespmem:$0x0]  }
0x21c: {  	_ = 	snop  }
0x21d: {  	[tilespmem:s18], [sflag:$0x4] =	stream.indirect.gather [hbm4b:s1+s10], $0x80, s5, s10, $0xb8;
	v63 =	vld [tilespmem:$0x0]  }
0x21e: {  	_ = 	snop  }
0x21f: {  	[spmem:s2] =	stream.indirect.scatter.add.f32 [tilespmem:s11], [sflag:$0x5], $0x80, s17, s10, $0xb8;
	v63 =	vld [tilespmem:$0x0]  }
0x220: {  	_ =	swait.ge [sflag:s19], $0x2800  }
0x221: {  	[sflag:s19] =	ssyncset.done $0x0  }
0x222: {  	[sflag:s19] =	ssyncadd.s32 $0xFFFFD800  }
0x223: {  	[spmem:s2] =	stream.indirect.scatter.add.f32 [tilespmem:s14], [sflag:$0x6], $0x80, s20, s10, $0xb8;
	v63 =	vld [tilespmem:$0x0]  }
0x224: {  	_ =	swait.ge [sflag:s21], $0x2800  }
0x225: {  	[sflag:s21] =	ssyncset.done $0x0  }
0x226: {  	s9 =	simm.s32 $0x400;
	[sflag:s21] =	ssyncadd.s32 $0xFFFFD800  }
0x227: {  	[tilespmem:s11], [sflag:$0x1] =	stream.indirect.gather [hbm4b:s1+s10], $0x80, s9, s10, $0xb8;
	v63 =	vld [tilespmem:$0x0]  }
0x228: {  	_ =	swait.ge [sflag:s23], $0x2800  }
0x229: {  	[sflag:s23] =	ssyncset.done $0x0  }
0x22a: {  	s15 =	simm.s32 $0x1300;
	[sflag:s23] =	ssyncadd.s32 $0xFFFFD800  }
0x22b: {  	[spmem:s2] =	stream.indirect.scatter.add.f32 [tilespmem:s16], [sflag:$0x5], $0x80, s15, s10, $0xb8;
	v63 =	vld [tilespmem:$0x0]  }
0x22c: {  	_ =	swait.ge [sflag:s25], $0x2800  }
0x22d: {  	[sflag:s25] =	ssyncset.done $0x0  }
0x22e: {  	[sflag:s25] =	ssyncadd.s32 $0xFFFFD800  }
0x22f: {  	_ =	swait.ge [sflag:s26], $0x2800  }
0x230: {  	[sflag:s26] =	ssyncset.done $0x0  }
0x231: {  	s17 =	simm.s32 $0x1380;
	[sflag:s26] =	ssyncadd.s32 $0xFFFFD800  }
0x232: {  	[spmem:s2] =	stream.indirect.scatter.add.f32 [tilespmem:s18], [sflag:$0x6], $0x80, s17, s10, $0xb8;
	v63 =	vld [tilespmem:$0x0]  }
0x233: {  	_ =	swait.ge [sflag:s21], $0x2800  }
0x234: {  	[sflag:s21] =	ssyncset.done $0x0  }
0x235: {  	[sflag:s21] =	ssyncadd.s32 $0xFFFFD800  }
0x236: {  	_ =	swait.ge [sflag:s25], $0x2800  }
0x237: {  	[sflag:s25] =	ssyncset.done $0x0  }
0x238: {  	[sflag:s25] =	ssyncadd.s32 $0xFFFFD800  }
0x239: {  	_ =	swait.ge [sflag:s12], $0x2800  }
0x23a: {  	[sflag:s12] =	ssyncset.done $0x0  }
0x23b: {  	s28 =	simm.s32 $0x480;
	[sflag:s12] =	ssyncadd.s32 $0xFFFFD800  }
0x23c: {  	[tilespmem:s14], [sflag:$0x2] =	stream.indirect.gather [hbm4b:s1+s10], $0x80, s28, s10, $0xb8;
	v63 =	vld [tilespmem:$0x0]  }
0x23d: {  	s9 =	simm.s32 $0x500  }
0x23e: {  	[tilespmem:s16], [sflag:$0x3] =	stream.indirect.gather [hbm4b:s1+s10], $0x80, s9, s10, $0xb8;
	v63 =	vld [tilespmem:$0x0]  }
0x23f: {  	s15 =	simm.s32 $0x580  }
0x240: {  	[tilespmem:s18], [sflag:$0x4] =	stream.indirect.gather [hbm4b:s1+s10], $0x80, s15, s10, $0xb8;
	v63 =	vld [tilespmem:$0x0]  }
0x241: {  	s17 =	simm.s32 $0x1400  }
0x242: {  	[spmem:s2] =	stream.indirect.scatter.add.f32 [tilespmem:s11], [sflag:$0x5], $0x80, s17, s10, $0xb8;
	v63 =	vld [tilespmem:$0x0]  }
0x243: {  	_ =	swait.ge [sflag:s19], $0x2800  }
0x244: {  	[sflag:s19] =	ssyncset.done $0x0  }
0x245: {  	s28 =	simm.s32 $0x1480;
	[sflag:s19] =	ssyncadd.s32 $0xFFFFD800  }
0x246: {  	[spmem:s2] =	stream.indirect.scatter.add.f32 [tilespmem:s14], [sflag:$0x6], $0x80, s28, s10, $0xb8;
	v63 =	vld [tilespmem:$0x0]  }
0x247: {  	_ =	swait.ge [sflag:s21], $0x2800  }
0x248: {  	[sflag:s21] =	ssyncset.done $0x0  }
0x249: {  	s9 =	simm.s32 $0x600;
	[sflag:s21] =	ssyncadd.s32 $0xFFFFD800  }
0x24a: {  	[tilespmem:s11], [sflag:$0x1] =	stream.indirect.gather [hbm4b:s1+s10], $0x80, s9, s10, $0xb8;
	v63 =	vld [tilespmem:$0x0]  }
0x24b: {  	_ =	swait.ge [sflag:s23], $0x2800  }
0x24c: {  	[sflag:s23] =	ssyncset.done $0x0  }
0x24d: {  	s15 =	simm.s32 $0x1500;
	[sflag:s23] =	ssyncadd.s32 $0xFFFFD800  }
0x24e: {  	[spmem:s2] =	stream.indirect.scatter.add.f32 [tilespmem:s16], [sflag:$0x5], $0x80, s15, s10, $0xb8;
	v63 =	vld [tilespmem:$0x0]  }
0x24f: {  	_ =	swait.ge [sflag:s25], $0x2800  }
0x250: {  	[sflag:s25] =	ssyncset.done $0x0  }
0x251: {  	[sflag:s25] =	ssyncadd.s32 $0xFFFFD800  }
0x252: {  	_ =	swait.ge [sflag:s26], $0x2800  }
0x253: {  	[sflag:s26] =	ssyncset.done $0x0  }
0x254: {  	s17 =	simm.s32 $0x1580;
	[sflag:s26] =	ssyncadd.s32 $0xFFFFD800  }
0x255: {  	[spmem:s2] =	stream.indirect.scatter.add.f32 [tilespmem:s18], [sflag:$0x6], $0x80, s17, s10, $0xb8;
	v63 =	vld [tilespmem:$0x0]  }
0x256: {  	_ =	swait.ge [sflag:s21], $0x2800  }
0x257: {  	[sflag:s21] =	ssyncset.done $0x0  }
0x258: {  	[sflag:s21] =	ssyncadd.s32 $0xFFFFD800  }
0x259: {  	_ =	swait.ge [sflag:s25], $0x2800  }
0x25a: {  	[sflag:s25] =	ssyncset.done $0x0  }
0x25b: {  	[sflag:s25] =	ssyncadd.s32 $0xFFFFD800  }
0x25c: {  	_ =	swait.ge [sflag:s12], $0x2800  }
0x25d: {  	[sflag:s12] =	ssyncset.done $0x0  }
0x25e: {  	s24 =	simm.s32 $0x680;
	[sflag:s12] =	ssyncadd.s32 $0xFFFFD800  }
0x25f: {  	[tilespmem:s14], [sflag:$0x2] =	stream.indirect.gather [hbm4b:s1+s10], $0x80, s24, s10, $0xb8;
	v63 =	vld [tilespmem:$0x0]  }
0x260: {  	s29 =	simm.s32 $0x700  }
0x261: {  	[tilespmem:s16], [sflag:$0x3] =	stream.indirect.gather [hbm4b:s1+s10], $0x80, s29, s10, $0xb8;
	v63 =	vld [tilespmem:$0x0]  }
0x262: {  	s24 =	simm.s32 $0x780  }
0x263: {  	[tilespmem:s18], [sflag:$0x4] =	stream.indirect.gather [hbm4b:s1+s10], $0x80, s24, s10, $0xb8;
	v63 =	vld [tilespmem:$0x0]  }
0x264: {  	s28 =	simm.s32 $0x1600  }
0x265: {  	[spmem:s2] =	stream.indirect.scatter.add.f32 [tilespmem:s11], [sflag:$0x5], $0x80, s28, s10, $0xb8;
	v63 =	vld [tilespmem:$0x0]  }
0x266: {  	_ =	swait.ge [sflag:s19], $0x2800  }
0x267: {  	[sflag:s19] =	ssyncset.done $0x0  }
0x268: {  	s29 =	simm.s32 $0x1680;
	[sflag:s19] =	ssyncadd.s32 $0xFFFFD800  }
0x269: {  	[spmem:s2] =	stream.indirect.scatter.add.f32 [tilespmem:s14], [sflag:$0x6], $0x80, s29, s10, $0xb8;
	v63 =	vld [tilespmem:$0x0]  }
0x26a: {  	_ =	swait.ge [sflag:s21], $0x2800  }
0x26b: {  	[sflag:s21] =	ssyncset.done $0x0  }
0x26c: {  	s9 =	simm.s32 $0x800;
	[sflag:s21] =	ssyncadd.s32 $0xFFFFD800  }
0x26d: {  	[tilespmem:s11], [sflag:$0x1] =	stream.indirect.gather [hbm4b:s1+s10], $0x80, s9, s10, $0xb8;
	v63 =	vld [tilespmem:$0x0]  }
0x26e: {  	_ =	swait.ge [sflag:s23], $0x2800  }
0x26f: {  	[sflag:s23] =	ssyncset.done $0x0  }
0x270: {  	s15 =	simm.s32 $0x1700;
	[sflag:s23] =	ssyncadd.s32 $0xFFFFD800  }
0x271: {  	[spmem:s2] =	stream.indirect.scatter.add.f32 [tilespmem:s16], [sflag:$0x5], $0x80, s15, s10, $0xb8;
	v63 =	vld [tilespmem:$0x0]  }
0x272: {  	_ =	swait.ge [sflag:s25], $0x2800  }
0x273: {  	[sflag:s25] =	ssyncset.done $0x0  }
0x274: {  	[sflag:s25] =	ssyncadd.s32 $0xFFFFD800  }
0x275: {  	_ =	swait.ge [sflag:s26], $0x2800  }
0x276: {  	[sflag:s26] =	ssyncset.done $0x0  }
0x277: {  	s17 =	simm.s32 $0x1780;
	[sflag:s26] =	ssyncadd.s32 $0xFFFFD800  }
0x278: {  	[spmem:s2] =	stream.indirect.scatter.add.f32 [tilespmem:s18], [sflag:$0x6], $0x80, s17, s10, $0xb8;
	v63 =	vld [tilespmem:$0x0]  }
0x279: {  	_ =	swait.ge [sflag:s21], $0x2800  }
0x27a: {  	[sflag:s21] =	ssyncset.done $0x0  }
0x27b: {  	[sflag:s21] =	ssyncadd.s32 $0xFFFFD800  }
0x27c: {  	_ =	swait.ge [sflag:s25], $0x2800  }
0x27d: {  	[sflag:s25] =	ssyncset.done $0x0  }
0x27e: {  	[sflag:s25] =	ssyncadd.s32 $0xFFFFD800  }
0x27f: {  	_ =	swait.ge [sflag:s12], $0x2800  }
0x280: {  	[sflag:s12] =	ssyncset.done $0x0  }
0x281: {  	s30 =	simm.s32 $0x880;
	[sflag:s12] =	ssyncadd.s32 $0xFFFFD800  }
0x282: {  	[tilespmem:s14], [sflag:$0x2] =	stream.indirect.gather [hbm4b:s1+s10], $0x80, s30, s10, $0xb8;
	v63 =	vld [tilespmem:$0x0]  }
0x283: {  	s31 =	simm.s32 $0x900  }
0x284: {  	[tilespmem:s16], [sflag:$0x3] =	stream.indirect.gather [hbm4b:s1+s10], $0x80, s31, s10, $0xb8;
	v63 =	vld [tilespmem:$0x0]  }
0x285: {  	s24 =	simm.s32 $0x980  }
0x286: {  	[tilespmem:s18], [sflag:$0x4] =	stream.indirect.gather [hbm4b:s1+s10], $0x80, s24, s10, $0xb8;
	v63 =	vld [tilespmem:$0x0]  }
0x287: {  	s28 =	simm.s32 $0x1800  }
0x288: {  	[spmem:s2] =	stream.indirect.scatter.add.f32 [tilespmem:s11], [sflag:$0x5], $0x80, s28, s10, $0xb8;
	v63 =	vld [tilespmem:$0x0]  }
0x289: {  	_ =	swait.ge [sflag:s19], $0x2800  }
0x28a: {  	[sflag:s19] =	ssyncset.done $0x0  }
0x28b: {  	s29 =	simm.s32 $0x1880;
	[sflag:s19] =	ssyncadd.s32 $0xFFFFD800  }
0x28c: {  	[spmem:s2] =	stream.indirect.scatter.add.f32 [tilespmem:s14], [sflag:$0x6], $0x80, s29, s10, $0xb8;
	v63 =	vld [tilespmem:$0x0]  }
0x28d: {  	_ =	swait.ge [sflag:s21], $0x2800  }
0x28e: {  	[sflag:s21] =	ssyncset.done $0x0  }
0x28f: {  	s30 =	simm.s32 $0xA00;
	[sflag:s21] =	ssyncadd.s32 $0xFFFFD800  }
0x290: {  	[tilespmem:s11], [sflag:$0x1] =	stream.indirect.gather [hbm4b:s1+s10], $0x80, s30, s10, $0xb8;
	v63 =	vld [tilespmem:$0x0]  }
0x291: {  	_ =	swait.ge [sflag:s23], $0x2800  }
0x292: {  	[sflag:s23] =	ssyncset.done $0x0  }
0x293: {  	s31 =	simm.s32 $0x1900;
	[sflag:s23] =	ssyncadd.s32 $0xFFFFD800  }
0x294: {  	[spmem:s2] =	stream.indirect.scatter.add.f32 [tilespmem:s16], [sflag:$0x5], $0x80, s31, s10, $0xb8;
	v63 =	vld [tilespmem:$0x0]  }
0x295: {  	_ =	swait.ge [sflag:s25], $0x2800  }
0x296: {  	[sflag:s25] =	ssyncset.done $0x0  }
0x297: {  	[sflag:s25] =	ssyncadd.s32 $0xFFFFD800  }
0x298: {  	_ =	swait.ge [sflag:s26], $0x2800  }
0x299: {  	[sflag:s26] =	ssyncset.done $0x0  }
0x29a: {  	s9 =	simm.s32 $0x1980;
	[sflag:s26] =	ssyncadd.s32 $0xFFFFD800  }
0x29b: {  	[spmem:s2] =	stream.indirect.scatter.add.f32 [tilespmem:s18], [sflag:$0x6], $0x80, s9, s10, $0xb8;
	v63 =	vld [tilespmem:$0x0]  }
0x29c: {  	_ =	swait.ge [sflag:s21], $0x2800  }
0x29d: {  	[sflag:s21] =	ssyncset.done $0x0  }
0x29e: {  	[sflag:s21] =	ssyncadd.s32 $0xFFFFD800  }
0x29f: {  	_ =	swait.ge [sflag:s25], $0x2800  }
0x2a0: {  	[sflag:s25] =	ssyncset.done $0x0  }
0x2a1: {  	[sflag:s25] =	ssyncadd.s32 $0xFFFFD800  }
0x2a2: {  	_ =	swait.ge [sflag:s12], $0x2800  }
0x2a3: {  	[sflag:s12] =	ssyncset.done $0x0  }
0x2a4: {  	s15 =	simm.s32 $0xA80;
	[sflag:s12] =	ssyncadd.s32 $0xFFFFD800  }
0x2a5: {  	[tilespmem:s14], [sflag:$0x2] =	stream.indirect.gather [hbm4b:s1+s10], $0x80, s15, s10, $0xb8;
	v63 =	vld [tilespmem:$0x0]  }
0x2a6: {  	s17 =	simm.s32 $0xB00  }
0x2a7: {  	[tilespmem:s16], [sflag:$0x3] =	stream.indirect.gather [hbm4b:s1+s10], $0x80, s17, s10, $0xb8;
	v63 =	vld [tilespmem:$0x0]  }
0x2a8: {  	s24 =	simm.s32 $0xB80  }
0x2a9: {  	[tilespmem:s18], [sflag:$0x4] =	stream.indirect.gather [hbm4b:s1+s10], $0x80, s24, s10, $0xb8;
	v63 =	vld [tilespmem:$0x0]  }
0x2aa: {  	s28 =	simm.s32 $0x1A00  }
0x2ab: {  	[spmem:s2] =	stream.indirect.scatter.add.f32 [tilespmem:s11], [sflag:$0x5], $0x80, s28, s10, $0xb8;
	v63 =	vld [tilespmem:$0x0]  }
0x2ac: {  	_ =	swait.ge [sflag:s19], $0x2800  }
0x2ad: {  	[sflag:s19] =	ssyncset.done $0x0  }
0x2ae: {  	s29 =	simm.s32 $0x1A80;
	[sflag:s19] =	ssyncadd.s32 $0xFFFFD800  }
0x2af: {  	[spmem:s2] =	stream.indirect.scatter.add.f32 [tilespmem:s14], [sflag:$0x6], $0x80, s29, s10, $0xb8;
	v63 =	vld [tilespmem:$0x0]  }
0x2b0: {  	_ =	swait.ge [sflag:s21], $0x2800  }
0x2b1: {  	[sflag:s21] =	ssyncset.done $0x0  }
0x2b2: {  	s30 =	simm.s32 $0xC00;
	[sflag:s21] =	ssyncadd.s32 $0xFFFFD800  }
0x2b3: {  	[tilespmem:s11], [sflag:$0x1] =	stream.indirect.gather [hbm4b:s1+s10], $0x80, s30, s10, $0xb8;
	v63 =	vld [tilespmem:$0x0]  }
0x2b4: {  	_ =	swait.ge [sflag:s23], $0x2800  }
0x2b5: {  	[sflag:s23] =	ssyncset.done $0x0  }
0x2b6: {  	s31 =	simm.s32 $0x1B00;
	[sflag:s23] =	ssyncadd.s32 $0xFFFFD800  }
0x2b7: {  	[spmem:s2] =	stream.indirect.scatter.add.f32 [tilespmem:s16], [sflag:$0x5], $0x80, s31, s10, $0xb8;
	v63 =	vld [tilespmem:$0x0]  }
0x2b8: {  	_ =	swait.ge [sflag:s25], $0x2800  }
0x2b9: {  	[sflag:s25] =	ssyncset.done $0x0  }
0x2ba: {  	[sflag:s25] =	ssyncadd.s32 $0xFFFFD800  }
0x2bb: {  	_ =	swait.ge [sflag:s26], $0x2800  }
0x2bc: {  	[sflag:s26] =	ssyncset.done $0x0  }
0x2bd: {  	s9 =	simm.s32 $0x1B80;
	[sflag:s26] =	ssyncadd.s32 $0xFFFFD800  }
0x2be: {  	[spmem:s2] =	stream.indirect.scatter.add.f32 [tilespmem:s18], [sflag:$0x6], $0x80, s9, s10, $0xb8;
	v63 =	vld [tilespmem:$0x0]  }
0x2bf: {  	_ =	swait.ge [sflag:s21], $0x2800  }
0x2c0: {  	[sflag:s21] =	ssyncset.done $0x0  }
0x2c1: {  	[sflag:s21] =	ssyncadd.s32 $0xFFFFD800  }
0x2c2: {  	_ =	swait.ge [sflag:s25], $0x2800  }
0x2c3: {  	[sflag:s25] =	ssyncset.done $0x0  }
0x2c4: {  	[sflag:s25] =	ssyncadd.s32 $0xFFFFD800  }
0x2c5: {  	_ =	swait.ge [sflag:s12], $0x2800  }
0x2c6: {  	[sflag:s12] =	ssyncset.done $0x0  }
0x2c7: {  	s15 =	simm.s32 $0x1C00;
	[sflag:s12] =	ssyncadd.s32 $0xFFFFD800  }
0x2c8: {  	[spmem:s2] =	stream.indirect.scatter.add.f32 [tilespmem:s11], [sflag:$0x7], $0x80, s15, s10, $0xb8;
	v63 =	vld [tilespmem:$0x0]  }
0x2c9: {  	_ =	swait.ge [sflag:s8], $0x2800  }
0x2ca: {  	[sflag:s8] =	ssyncset.done $0x0  }
0x2cb: {  	s17 =	rddreg [dreg:$0xd];
	[sflag:s8] =	ssyncadd.s32 $0xFFFFD800  }
0x2cc: {  	[tilespmem:s4], [sflag:$0x7] =	stream.linear.gather [hbm4b:s17+s4], $0xC80, $0x38;
	v63 =	vld [tilespmem:$0x0]  }
0x2cd: {  	_ =	swait.ge [sflag:s8], $0xC80  }
0x2ce: {  	[sflag:s8] =	ssyncset.done $0x0  }
0x2cf: {  	s24 =	rddreg [dreg:$0xe];
	[sflag:s8] =	ssyncadd.s32 $0xFFFFF380  }
0x2d0: {  	[tilespmem:s22], [sflag:$0x7] =	stream.linear.gather [hbm4b:s24+s4], $0xC80, $0x38;
	v63 =	vld [tilespmem:$0x0]  }
0x2d1: {  	_ =	swait.ge [sflag:s8], $0xC80  }
0x2d2: {  	[sflag:s8] =	ssyncset.done $0x0  }
0x2d3: {  	[sflag:s8] =	ssyncadd.s32 $0xFFFFF380  }
0x2d4: {  	[tilespmem:s11], [sflag:$0x1] =	stream.indirect.gather [hbm4b:s1+s10], $0x80, s4, s10, $0xb8;
	v63 =	vld [tilespmem:$0x0]  }
0x2d5: {  	_ =	swait.ge [sflag:s12], $0x2800  }
0x2d6: {  	[sflag:s12] =	ssyncset.done $0x0  }
0x2d7: {  	s29 =	simm.s32 $0x80;
	[sflag:s12] =	ssyncadd.s32 $0xFFFFD800  }
0x2d8: {  	[tilespmem:s14], [sflag:$0x2] =	stream.indirect.gather [hbm4b:s1+s10], $0x80, s29, s10, $0xb8;
	v63 =	vld [tilespmem:$0x0]  }
0x2d9: {  	s0 =	simm.s32 $0x100  }
0x2da: {  	[tilespmem:s16], [sflag:$0x3] =	stream.indirect.gather [hbm4b:s1+s10], $0x80, s0, s10, $0xb8;
	v63 =	vld [tilespmem:$0x0]  }
0x2db: {  	s30 =	simm.s32 $0x180  }
0x2dc: {  	[tilespmem:s18], [sflag:$0x4] =	stream.indirect.gather [hbm4b:s1+s10], $0x80, s30, s10, $0xb8;
	v63 =	vld [tilespmem:$0x0]  }
0x2dd: {  	_ = 	snop  }
0x2de: {  	[spmem:s2] =	stream.indirect.scatter.add.f32 [tilespmem:s11], [sflag:$0x5], $0x80, s22, s10, $0xb8;
	v63 =	vld [tilespmem:$0x0]  }
0x2df: {  	_ =	swait.ge [sflag:s19], $0x2800  }
0x2e0: {  	[sflag:s19] =	ssyncset.done $0x0  }
0x2e1: {  	s31 =	simm.s32 $0x1080;
	[sflag:s19] =	ssyncadd.s32 $0xFFFFD800  }
0x2e2: {  	[spmem:s2] =	stream.indirect.scatter.add.f32 [tilespmem:s14], [sflag:$0x6], $0x80, s31, s10, $0xb8;
	v63 =	vld [tilespmem:$0x0]  }
0x2e3: {  	_ =	swait.ge [sflag:s21], $0x2800  }
0x2e4: {  	[sflag:s21] =	ssyncset.done $0x0  }
0x2e5: {  	s9 =	simm.s32 $0x200;
	[sflag:s21] =	ssyncadd.s32 $0xFFFFD800  }
0x2e6: {  	[tilespmem:s11], [sflag:$0x1] =	stream.indirect.gather [hbm4b:s1+s10], $0x80, s9, s10, $0xb8;
	v63 =	vld [tilespmem:$0x0]  }
0x2e7: {  	_ =	swait.ge [sflag:s23], $0x2800  }
0x2e8: {  	[sflag:s23] =	ssyncset.done $0x0  }
0x2e9: {  	s15 =	simm.s32 $0x1100;
	[sflag:s23] =	ssyncadd.s32 $0xFFFFD800  }
0x2ea: {  	[spmem:s2] =	stream.indirect.scatter.add.f32 [tilespmem:s16], [sflag:$0x5], $0x80, s15, s10, $0xb8;
	v63 =	vld [tilespmem:$0x0]  }
0x2eb: {  	_ =	swait.ge [sflag:s25], $0x2800  }
0x2ec: {  	[sflag:s25] =	ssyncset.done $0x0  }
0x2ed: {  	[sflag:s25] =	ssyncadd.s32 $0xFFFFD800  }
0x2ee: {  	_ =	swait.ge [sflag:s26], $0x2800  }
0x2ef: {  	[sflag:s26] =	ssyncset.done $0x0  }
0x2f0: {  	s17 =	simm.s32 $0x1180;
	[sflag:s26] =	ssyncadd.s32 $0xFFFFD800  }
0x2f1: {  	[spmem:s2] =	stream.indirect.scatter.add.f32 [tilespmem:s18], [sflag:$0x6], $0x80, s17, s10, $0xb8;
	v63 =	vld [tilespmem:$0x0]  }
0x2f2: {  	_ =	swait.ge [sflag:s21], $0x2800  }
0x2f3: {  	[sflag:s21] =	ssyncset.done $0x0  }
0x2f4: {  	[sflag:s21] =	ssyncadd.s32 $0xFFFFD800  }
0x2f5: {  	_ =	swait.ge [sflag:s25], $0x2800  }
0x2f6: {  	[sflag:s25] =	ssyncset.done $0x0  }
0x2f7: {  	[sflag:s25] =	ssyncadd.s32 $0xFFFFD800  }
0x2f8: {  	_ =	swait.ge [sflag:s12], $0x2800  }
0x2f9: {  	[sflag:s12] =	ssyncset.done $0x0  }
0x2fa: {  	s3 =	simm.s32 $0x280;
	[sflag:s12] =	ssyncadd.s32 $0xFFFFD800  }
0x2fb: {  	[tilespmem:s14], [sflag:$0x2] =	stream.indirect.gather [hbm4b:s1+s10], $0x80, s3, s10, $0xb8;
	v63 =	vld [tilespmem:$0x0]  }
0x2fc: {  	s7 =	simm.s32 $0x300  }
0x2fd: {  	[tilespmem:s16], [sflag:$0x3] =	stream.indirect.gather [hbm4b:s1+s10], $0x80, s7, s10, $0xb8;
	v63 =	vld [tilespmem:$0x0]  }
0x2fe: {  	s13 =	simm.s32 $0x380  }
0x2ff: {  	[tilespmem:s18], [sflag:$0x4] =	stream.indirect.gather [hbm4b:s1+s10], $0x80, s13, s10, $0xb8;
	v63 =	vld [tilespmem:$0x0]  }
0x300: {  	s28 =	simm.s32 $0x1200  }
0x301: {  	[spmem:s2] =	stream.indirect.scatter.add.f32 [tilespmem:s11], [sflag:$0x5], $0x80, s28, s10, $0xb8;
	v63 =	vld [tilespmem:$0x0]  }
0x302: {  	_ =	swait.ge [sflag:s19], $0x2800  }
0x303: {  	[sflag:s19] =	ssyncset.done $0x0  }
0x304: {  	s20 =	simm.s32 $0x1280;
	[sflag:s19] =	ssyncadd.s32 $0xFFFFD800  }
0x305: {  	[spmem:s2] =	stream.indirect.scatter.add.f32 [tilespmem:s14], [sflag:$0x6], $0x80, s20, s10, $0xb8;
	v63 =	vld [tilespmem:$0x0]  }
0x306: {  	_ =	swait.ge [sflag:s21], $0x2800  }
0x307: {  	[sflag:s21] =	ssyncset.done $0x0  }
0x308: {  	s29 =	simm.s32 $0x400;
	[sflag:s21] =	ssyncadd.s32 $0xFFFFD800  }
0x309: {  	[tilespmem:s11], [sflag:$0x1] =	stream.indirect.gather [hbm4b:s1+s10], $0x80, s29, s10, $0xb8;
	v63 =	vld [tilespmem:$0x0]  }
0x30a: {  	_ =	swait.ge [sflag:s23], $0x2800  }
0x30b: {  	[sflag:s23] =	ssyncset.done $0x0  }
0x30c: {  	s30 =	simm.s32 $0x1300;
	[sflag:s23] =	ssyncadd.s32 $0xFFFFD800  }
0x30d: {  	[spmem:s2] =	stream.indirect.scatter.add.f32 [tilespmem:s16], [sflag:$0x5], $0x80, s30, s10, $0xb8;
	v63 =	vld [tilespmem:$0x0]  }
0x30e: {  	_ =	swait.ge [sflag:s25], $0x2800  }
0x30f: {  	[sflag:s25] =	ssyncset.done $0x0  }
0x310: {  	[sflag:s25] =	ssyncadd.s32 $0xFFFFD800  }
0x311: {  	_ =	swait.ge [sflag:s26], $0x2800  }
0x312: {  	[sflag:s26] =	ssyncset.done $0x0  }
0x313: {  	s31 =	simm.s32 $0x1380;
	[sflag:s26] =	ssyncadd.s32 $0xFFFFD800  }
0x314: {  	[spmem:s2] =	stream.indirect.scatter.add.f32 [tilespmem:s18], [sflag:$0x6], $0x80, s31, s10, $0xb8;
	v63 =	vld [tilespmem:$0x0]  }
0x315: {  	_ =	swait.ge [sflag:s21], $0x2800  }
0x316: {  	[sflag:s21] =	ssyncset.done $0x0  }
0x317: {  	[sflag:s21] =	ssyncadd.s32 $0xFFFFD800  }
0x318: {  	_ =	swait.ge [sflag:s25], $0x2800  }
0x319: {  	[sflag:s25] =	ssyncset.done $0x0  }
0x31a: {  	[sflag:s25] =	ssyncadd.s32 $0xFFFFD800  }
0x31b: {  	_ =	swait.ge [sflag:s12], $0x2800  }
0x31c: {  	[sflag:s12] =	ssyncset.done $0x0  }
0x31d: {  	s29 =	simm.s32 $0x480;
	[sflag:s12] =	ssyncadd.s32 $0xFFFFD800  }
0x31e: {  	[tilespmem:s14], [sflag:$0x2] =	stream.indirect.gather [hbm4b:s1+s10], $0x80, s29, s10, $0xb8;
	v63 =	vld [tilespmem:$0x0]  }
0x31f: {  	s30 =	simm.s32 $0x500  }
0x320: {  	[tilespmem:s16], [sflag:$0x3] =	stream.indirect.gather [hbm4b:s1+s10], $0x80, s30, s10, $0xb8;
	v63 =	vld [tilespmem:$0x0]  }
0x321: {  	s31 =	simm.s32 $0x580  }
0x322: {  	[tilespmem:s18], [sflag:$0x4] =	stream.indirect.gather [hbm4b:s1+s10], $0x80, s31, s10, $0xb8;
	v63 =	vld [tilespmem:$0x0]  }
0x323: {  	s28 =	simm.s32 $0x1400  }
0x324: {  	[spmem:s2] =	stream.indirect.scatter.add.f32 [tilespmem:s11], [sflag:$0x5], $0x80, s28, s10, $0xb8;
	v63 =	vld [tilespmem:$0x0]  }
0x325: {  	_ =	swait.ge [sflag:s19], $0x2800  }
0x326: {  	[sflag:s19] =	ssyncset.done $0x0  }
0x327: {  	s28 =	simm.s32 $0x1480;
	[sflag:s19] =	ssyncadd.s32 $0xFFFFD800  }
0x328: {  	[spmem:s2] =	stream.indirect.scatter.add.f32 [tilespmem:s14], [sflag:$0x6], $0x80, s28, s10, $0xb8;
	v63 =	vld [tilespmem:$0x0]  }
0x329: {  	_ =	swait.ge [sflag:s21], $0x2800  }
0x32a: {  	[sflag:s21] =	ssyncset.done $0x0  }
0x32b: {  	s28 =	simm.s32 $0x600;
	[sflag:s21] =	ssyncadd.s32 $0xFFFFD800  }
0x32c: {  	[tilespmem:s11], [sflag:$0x1] =	stream.indirect.gather [hbm4b:s1+s10], $0x80, s28, s10, $0xb8;
	v63 =	vld [tilespmem:$0x0]  }
0x32d: {  	_ =	swait.ge [sflag:s23], $0x2800  }
0x32e: {  	[sflag:s23] =	ssyncset.done $0x0  }
0x32f: {  	s28 =	simm.s32 $0x1500;
	[sflag:s23] =	ssyncadd.s32 $0xFFFFD800  }
0x330: {  	[spmem:s2] =	stream.indirect.scatter.add.f32 [tilespmem:s16], [sflag:$0x5], $0x80, s28, s10, $0xb8;
	v63 =	vld [tilespmem:$0x0]  }
0x331: {  	_ =	swait.ge [sflag:s25], $0x2800  }
0x332: {  	[sflag:s25] =	ssyncset.done $0x0  }
0x333: {  	[sflag:s25] =	ssyncadd.s32 $0xFFFFD800  }
0x334: {  	_ =	swait.ge [sflag:s26], $0x2800  }
0x335: {  	[sflag:s26] =	ssyncset.done $0x0  }
0x336: {  	s28 =	simm.s32 $0x1580;
	[sflag:s26] =	ssyncadd.s32 $0xFFFFD800  }
0x337: {  	[spmem:s2] =	stream.indirect.scatter.add.f32 [tilespmem:s18], [sflag:$0x6], $0x80, s28, s10, $0xb8;
	v63 =	vld [tilespmem:$0x0]  }
0x338: {  	_ =	swait.ge [sflag:s21], $0x2800  }
0x339: {  	[sflag:s21] =	ssyncset.done $0x0  }
0x33a: {  	[sflag:s21] =	ssyncadd.s32 $0xFFFFD800  }
0x33b: {  	_ =	swait.ge [sflag:s25], $0x2800  }
0x33c: {  	[sflag:s25] =	ssyncset.done $0x0  }
0x33d: {  	[sflag:s25] =	ssyncadd.s32 $0xFFFFD800  }
0x33e: {  	_ =	swait.ge [sflag:s12], $0x2800  }
0x33f: {  	[sflag:s12] =	ssyncset.done $0x0  }
0x340: {  	s28 =	simm.s32 $0x680;
	[sflag:s12] =	ssyncadd.s32 $0xFFFFD800  }
0x341: {  	[tilespmem:s14], [sflag:$0x2] =	stream.indirect.gather [hbm4b:s1+s10], $0x80, s28, s10, $0xb8;
	v63 =	vld [tilespmem:$0x0]  }
0x342: {  	s28 =	simm.s32 $0x700  }
0x343: {  	[tilespmem:s16], [sflag:$0x3] =	stream.indirect.gather [hbm4b:s1+s10], $0x80, s28, s10, $0xb8;
	v63 =	vld [tilespmem:$0x0]  }
0x344: {  	s28 =	simm.s32 $0x780  }
0x345: {  	[tilespmem:s18], [sflag:$0x4] =	stream.indirect.gather [hbm4b:s1+s10], $0x80, s28, s10, $0xb8;
	v63 =	vld [tilespmem:$0x0]  }
0x346: {  	s28 =	simm.s32 $0x1600  }
0x347: {  	[spmem:s2] =	stream.indirect.scatter.add.f32 [tilespmem:s11], [sflag:$0x5], $0x80, s28, s10, $0xb8;
	v63 =	vld [tilespmem:$0x0]  }
0x348: {  	_ =	swait.ge [sflag:s19], $0x2800  }
0x349: {  	[sflag:s19] =	ssyncset.done $0x0  }
0x34a: {  	s28 =	simm.s32 $0x1680;
	[sflag:s19] =	ssyncadd.s32 $0xFFFFD800  }
0x34b: {  	[spmem:s2] =	stream.indirect.scatter.add.f32 [tilespmem:s14], [sflag:$0x6], $0x80, s28, s10, $0xb8;
	v63 =	vld [tilespmem:$0x0]  }
0x34c: {  	_ =	swait.ge [sflag:s21], $0x2800  }
0x34d: {  	[sflag:s21] =	ssyncset.done $0x0  }
0x34e: {  	s28 =	simm.s32 $0x800;
	[sflag:s21] =	ssyncadd.s32 $0xFFFFD800  }
0x34f: {  	[tilespmem:s11], [sflag:$0x1] =	stream.indirect.gather [hbm4b:s1+s10], $0x80, s28, s10, $0xb8;
	v63 =	vld [tilespmem:$0x0]  }
0x350: {  	_ =	swait.ge [sflag:s23], $0x2800  }
0x351: {  	[sflag:s23] =	ssyncset.done $0x0  }
0x352: {  	s28 =	simm.s32 $0x1700;
	[sflag:s23] =	ssyncadd.s32 $0xFFFFD800  }
0x353: {  	[spmem:s2] =	stream.indirect.scatter.add.f32 [tilespmem:s16], [sflag:$0x5], $0x80, s28, s10, $0xb8;
	v63 =	vld [tilespmem:$0x0]  }
0x354: {  	_ =	swait.ge [sflag:s25], $0x2800  }
0x355: {  	[sflag:s25] =	ssyncset.done $0x0  }
0x356: {  	[sflag:s25] =	ssyncadd.s32 $0xFFFFD800  }
0x357: {  	_ =	swait.ge [sflag:s26], $0x2800  }
0x358: {  	[sflag:s26] =	ssyncset.done $0x0  }
0x359: {  	s28 =	simm.s32 $0x1780;
	[sflag:s26] =	ssyncadd.s32 $0xFFFFD800  }
0x35a: {  	[spmem:s2] =	stream.indirect.scatter.add.f32 [tilespmem:s18], [sflag:$0x6], $0x80, s28, s10, $0xb8;
	v63 =	vld [tilespmem:$0x0]  }
0x35b: {  	_ =	swait.ge [sflag:s21], $0x2800  }
0x35c: {  	[sflag:s21] =	ssyncset.done $0x0  }
0x35d: {  	[sflag:s21] =	ssyncadd.s32 $0xFFFFD800  }
0x35e: {  	_ =	swait.ge [sflag:s25], $0x2800  }
0x35f: {  	[sflag:s25] =	ssyncset.done $0x0  }
0x360: {  	[sflag:s25] =	ssyncadd.s32 $0xFFFFD800  }
0x361: {  	_ =	swait.ge [sflag:s12], $0x2800  }
0x362: {  	[sflag:s12] =	ssyncset.done $0x0  }
0x363: {  	s28 =	simm.s32 $0x880;
	[sflag:s12] =	ssyncadd.s32 $0xFFFFD800  }
0x364: {  	[tilespmem:s14], [sflag:$0x2] =	stream.indirect.gather [hbm4b:s1+s10], $0x80, s28, s10, $0xb8;
	v63 =	vld [tilespmem:$0x0]  }
0x365: {  	s28 =	simm.s32 $0x900  }
0x366: {  	[tilespmem:s16], [sflag:$0x3] =	stream.indirect.gather [hbm4b:s1+s10], $0x80, s28, s10, $0xb8;
	v63 =	vld [tilespmem:$0x0]  }
0x367: {  	s28 =	simm.s32 $0x980  }
0x368: {  	[tilespmem:s18], [sflag:$0x4] =	stream.indirect.gather [hbm4b:s1+s10], $0x80, s28, s10, $0xb8;
	v63 =	vld [tilespmem:$0x0]  }
0x369: {  	s28 =	simm.s32 $0x1800  }
0x36a: {  	[spmem:s2] =	stream.indirect.scatter.add.f32 [tilespmem:s11], [sflag:$0x5], $0x80, s28, s10, $0xb8;
	v63 =	vld [tilespmem:$0x0]  }
0x36b: {  	_ =	swait.ge [sflag:s19], $0x2800  }
0x36c: {  	[sflag:s19] =	ssyncset.done $0x0  }
0x36d: {  	s28 =	simm.s32 $0x1880;
	[sflag:s19] =	ssyncadd.s32 $0xFFFFD800  }
0x36e: {  	[spmem:s2] =	stream.indirect.scatter.add.f32 [tilespmem:s14], [sflag:$0x6], $0x80, s28, s10, $0xb8;
	v63 =	vld [tilespmem:$0x0]  }
0x36f: {  	_ =	swait.ge [sflag:s21], $0x2800  }
0x370: {  	[sflag:s21] =	ssyncset.done $0x0  }
0x371: {  	s28 =	simm.s32 $0xA00;
	[sflag:s21] =	ssyncadd.s32 $0xFFFFD800  }
0x372: {  	[tilespmem:s11], [sflag:$0x1] =	stream.indirect.gather [hbm4b:s1+s10], $0x80, s28, s10, $0xb8;
	v63 =	vld [tilespmem:$0x0]  }
0x373: {  	_ =	swait.ge [sflag:s23], $0x2800  }
0x374: {  	[sflag:s23] =	ssyncset.done $0x0  }
0x375: {  	s28 =	simm.s32 $0x1900;
	[sflag:s23] =	ssyncadd.s32 $0xFFFFD800  }
0x376: {  	[spmem:s2] =	stream.indirect.scatter.add.f32 [tilespmem:s16], [sflag:$0x5], $0x80, s28, s10, $0xb8;
	v63 =	vld [tilespmem:$0x0]  }
0x377: {  	_ =	swait.ge [sflag:s25], $0x2800  }
0x378: {  	[sflag:s25] =	ssyncset.done $0x0  }
0x379: {  	[sflag:s25] =	ssyncadd.s32 $0xFFFFD800  }
0x37a: {  	_ =	swait.ge [sflag:s26], $0x2800  }
0x37b: {  	[sflag:s26] =	ssyncset.done $0x0  }
0x37c: {  	s28 =	simm.s32 $0x1980;
	[sflag:s26] =	ssyncadd.s32 $0xFFFFD800  }
0x37d: {  	[spmem:s2] =	stream.indirect.scatter.add.f32 [tilespmem:s18], [sflag:$0x6], $0x80, s28, s10, $0xb8;
	v63 =	vld [tilespmem:$0x0]  }
0x37e: {  	_ =	swait.ge [sflag:s21], $0x2800  }
0x37f: {  	[sflag:s21] =	ssyncset.done $0x0  }
0x380: {  	[sflag:s21] =	ssyncadd.s32 $0xFFFFD800  }
0x381: {  	_ =	swait.ge [sflag:s25], $0x2800  }
0x382: {  	[sflag:s25] =	ssyncset.done $0x0  }
0x383: {  	[sflag:s25] =	ssyncadd.s32 $0xFFFFD800  }
0x384: {  	_ =	swait.ge [sflag:s12], $0x2800  }
0x385: {  	[sflag:s12] =	ssyncset.done $0x0  }
0x386: {  	s28 =	simm.s32 $0xA80;
	[sflag:s12] =	ssyncadd.s32 $0xFFFFD800  }
0x387: {  	[tilespmem:s14], [sflag:$0x2] =	stream.indirect.gather [hbm4b:s1+s10], $0x80, s28, s10, $0xb8;
	v63 =	vld [tilespmem:$0x0]  }
0x388: {  	s28 =	simm.s32 $0xB00  }
0x389: {  	[tilespmem:s16], [sflag:$0x3] =	stream.indirect.gather [hbm4b:s1+s10], $0x80, s28, s10, $0xb8;
	v63 =	vld [tilespmem:$0x0]  }
0x38a: {  	s28 =	simm.s32 $0xB80  }
0x38b: {  	[tilespmem:s18], [sflag:$0x4] =	stream.indirect.gather [hbm4b:s1+s10], $0x80, s28, s10, $0xb8;
	v63 =	vld [tilespmem:$0x0]  }
0x38c: {  	s28 =	simm.s32 $0x1A00  }
0x38d: {  	[spmem:s2] =	stream.indirect.scatter.add.f32 [tilespmem:s11], [sflag:$0x5], $0x80, s28, s10, $0xb8;
	v63 =	vld [tilespmem:$0x0]  }
0x38e: {  	_ =	swait.ge [sflag:s19], $0x2800  }
0x38f: {  	[sflag:s19] =	ssyncset.done $0x0  }
0x390: {  	s28 =	simm.s32 $0x1A80;
	[sflag:s19] =	ssyncadd.s32 $0xFFFFD800  }
0x391: {  	[spmem:s2] =	stream.indirect.scatter.add.f32 [tilespmem:s14], [sflag:$0x6], $0x80, s28, s10, $0xb8;
	v63 =	vld [tilespmem:$0x0]  }
0x392: {  	_ =	swait.ge [sflag:s21], $0x2800  }
0x393: {  	[sflag:s21] =	ssyncset.done $0x0  }
0x394: {  	s28 =	simm.s32 $0xC00;
	[sflag:s21] =	ssyncadd.s32 $0xFFFFD800  }
0x395: {  	[tilespmem:s11], [sflag:$0x1] =	stream.indirect.gather [hbm4b:s1+s10], $0x80, s28, s10, $0xb8;
	v63 =	vld [tilespmem:$0x0]  }
0x396: {  	_ =	swait.ge [sflag:s23], $0x2800  }
0x397: {  	[sflag:s23] =	ssyncset.done $0x0  }
0x398: {  	s28 =	simm.s32 $0x1B00;
	[sflag:s23] =	ssyncadd.s32 $0xFFFFD800  }
0x399: {  	[spmem:s2] =	stream.indirect.scatter.add.f32 [tilespmem:s16], [sflag:$0x5], $0x80, s28, s10, $0xb8;
	v63 =	vld [tilespmem:$0x0]  }
0x39a: {  	_ =	swait.ge [sflag:s25], $0x2800  }
0x39b: {  	[sflag:s25] =	ssyncset.done $0x0  }
0x39c: {  	[sflag:s25] =	ssyncadd.s32 $0xFFFFD800  }
0x39d: {  	_ =	swait.ge [sflag:s26], $0x2800  }
0x39e: {  	[sflag:s26] =	ssyncset.done $0x0  }
0x39f: {  	s28 =	simm.s32 $0x1B80;
	[sflag:s26] =	ssyncadd.s32 $0xFFFFD800  }
0x3a0: {  	[spmem:s2] =	stream.indirect.scatter.add.f32 [tilespmem:s18], [sflag:$0x6], $0x80, s28, s10, $0xb8;
	v63 =	vld [tilespmem:$0x0]  }
0x3a1: {  	_ =	swait.ge [sflag:s21], $0x2800  }
0x3a2: {  	[sflag:s21] =	ssyncset.done $0x0  }
0x3a3: {  	[sflag:s21] =	ssyncadd.s32 $0xFFFFD800  }
0x3a4: {  	_ =	swait.ge [sflag:s25], $0x2800  }
0x3a5: {  	[sflag:s25] =	ssyncset.done $0x0  }
0x3a6: {  	[sflag:s25] =	ssyncadd.s32 $0xFFFFD800  }
0x3a7: {  	_ =	swait.ge [sflag:s12], $0x2800  }
0x3a8: {  	[sflag:s12] =	ssyncset.done $0x0  }
0x3a9: {  	s28 =	simm.s32 $0x1C00;
	[sflag:s12] =	ssyncadd.s32 $0xFFFFD800  }
0x3aa: {  	[spmem:s2] =	stream.indirect.scatter.add.f32 [tilespmem:s11], [sflag:$0x7], $0x80, s28, s10, $0xb8;
	v63 =	vld [tilespmem:$0x0]  }
0x3ab: {  	_ =	swait.ge [sflag:s8], $0x2800  }
0x3ac: {  	[sflag:s8] =	ssyncset.done $0x0  }
0x3ad: {  	s28 =	rddreg [dreg:$0xf];
	[sflag:s8] =	ssyncadd.s32 $0xFFFFD800  }
0x3ae: {  	[tilespmem:s4], [sflag:$0x7] =	stream.linear.gather [hbm4b:s28+s4], $0xC80, $0x38;
	v63 =	vld [tilespmem:$0x0]  }
0x3af: {  	_ =	swait.ge [sflag:s8], $0xC80  }
0x3b0: {  	[sflag:s8] =	ssyncset.done $0x0  }
0x3b1: {  	s28 =	rddreg [dreg:$0x10];
	[sflag:s8] =	ssyncadd.s32 $0xFFFFF380  }
0x3b2: {  	[tilespmem:s22], [sflag:$0x7] =	stream.linear.gather [hbm4b:s28+s4], $0xC80, $0x38;
	v63 =	vld [tilespmem:$0x0]  }
0x3b3: {  	_ =	swait.ge [sflag:s8], $0xC80  }
0x3b4: {  	[sflag:s8] =	ssyncset.done $0x0  }
0x3b5: {  	[sflag:s8] =	ssyncadd.s32 $0xFFFFF380  }
0x3b6: {  	[tilespmem:s11], [sflag:$0x1] =	stream.indirect.gather [hbm4b:s1+s10], $0x80, s4, s10, $0xb8;
	v63 =	vld [tilespmem:$0x0]  }
0x3b7: {  	_ =	swait.ge [sflag:s12], $0x2800  }
0x3b8: {  	[sflag:s12] =	ssyncset.done $0x0  }
0x3b9: {  	s24 =	simm.s32 $0x80;
	[sflag:s12] =	ssyncadd.s32 $0xFFFFD800  }
0x3ba: {  	[tilespmem:s14], [sflag:$0x2] =	stream.indirect.gather [hbm4b:s1+s10], $0x80, s24, s10, $0xb8;
	v63 =	vld [tilespmem:$0x0]  }
0x3bb: {  	s0 =	simm.s32 $0x100  }
0x3bc: {  	[tilespmem:s16], [sflag:$0x3] =	stream.indirect.gather [hbm4b:s1+s10], $0x80, s0, s10, $0xb8;
	v63 =	vld [tilespmem:$0x0]  }
0x3bd: {  	s24 =	simm.s32 $0x180  }
0x3be: {  	[tilespmem:s18], [sflag:$0x4] =	stream.indirect.gather [hbm4b:s1+s10], $0x80, s24, s10, $0xb8;
	v63 =	vld [tilespmem:$0x0]  }
0x3bf: {  	_ = 	snop  }
0x3c0: {  	[spmem:s2] =	stream.indirect.scatter.add.f32 [tilespmem:s11], [sflag:$0x5], $0x80, s22, s10, $0xb8;
	v63 =	vld [tilespmem:$0x0]  }
0x3c1: {  	_ =	swait.ge [sflag:s19], $0x2800  }
0x3c2: {  	[sflag:s19] =	ssyncset.done $0x0  }
0x3c3: {  	s28 =	simm.s32 $0x1080;
	[sflag:s19] =	ssyncadd.s32 $0xFFFFD800  }
0x3c4: {  	[spmem:s2] =	stream.indirect.scatter.add.f32 [tilespmem:s14], [sflag:$0x6], $0x80, s28, s10, $0xb8;
	v63 =	vld [tilespmem:$0x0]  }
0x3c5: {  	_ =	swait.ge [sflag:s21], $0x2800  }
0x3c6: {  	[sflag:s21] =	ssyncset.done $0x0  }
0x3c7: {  	s9 =	simm.s32 $0x200;
	[sflag:s21] =	ssyncadd.s32 $0xFFFFD800  }
0x3c8: {  	[tilespmem:s11], [sflag:$0x1] =	stream.indirect.gather [hbm4b:s1+s10], $0x80, s9, s10, $0xb8;
	v63 =	vld [tilespmem:$0x0]  }
0x3c9: {  	_ =	swait.ge [sflag:s23], $0x2800  }
0x3ca: {  	[sflag:s23] =	ssyncset.done $0x0  }
0x3cb: {  	s15 =	simm.s32 $0x1100;
	[sflag:s23] =	ssyncadd.s32 $0xFFFFD800  }
0x3cc: {  	[spmem:s2] =	stream.indirect.scatter.add.f32 [tilespmem:s16], [sflag:$0x5], $0x80, s15, s10, $0xb8;
	v63 =	vld [tilespmem:$0x0]  }
0x3cd: {  	_ =	swait.ge [sflag:s25], $0x2800  }
0x3ce: {  	[sflag:s25] =	ssyncset.done $0x0  }
0x3cf: {  	[sflag:s25] =	ssyncadd.s32 $0xFFFFD800  }
0x3d0: {  	_ =	swait.ge [sflag:s26], $0x2800  }
0x3d1: {  	[sflag:s26] =	ssyncset.done $0x0  }
0x3d2: {  	s17 =	simm.s32 $0x1180;
	[sflag:s26] =	ssyncadd.s32 $0xFFFFD800  }
0x3d3: {  	[spmem:s2] =	stream.indirect.scatter.add.f32 [tilespmem:s18], [sflag:$0x6], $0x80, s17, s10, $0xb8;
	v63 =	vld [tilespmem:$0x0]  }
0x3d4: {  	_ =	swait.ge [sflag:s21], $0x2800  }
0x3d5: {  	[sflag:s21] =	ssyncset.done $0x0  }
0x3d6: {  	[sflag:s21] =	ssyncadd.s32 $0xFFFFD800  }
0x3d7: {  	_ =	swait.ge [sflag:s25], $0x2800  }
0x3d8: {  	[sflag:s25] =	ssyncset.done $0x0  }
0x3d9: {  	[sflag:s25] =	ssyncadd.s32 $0xFFFFD800  }
0x3da: {  	_ =	swait.ge [sflag:s12], $0x2800  }
0x3db: {  	[sflag:s12] =	ssyncset.done $0x0  }
0x3dc: {  	s3 =	simm.s32 $0x280;
	[sflag:s12] =	ssyncadd.s32 $0xFFFFD800  }
0x3dd: {  	[tilespmem:s14], [sflag:$0x2] =	stream.indirect.gather [hbm4b:s1+s10], $0x80, s3, s10, $0xb8;
	v63 =	vld [tilespmem:$0x0]  }
0x3de: {  	s5 =	simm.s32 $0x300  }
0x3df: {  	[tilespmem:s16], [sflag:$0x3] =	stream.indirect.gather [hbm4b:s1+s10], $0x80, s5, s10, $0xb8;
	v63 =	vld [tilespmem:$0x0]  }
0x3e0: {  	s7 =	simm.s32 $0x380  }
0x3e1: {  	[tilespmem:s18], [sflag:$0x4] =	stream.indirect.gather [hbm4b:s1+s10], $0x80, s7, s10, $0xb8;
	v63 =	vld [tilespmem:$0x0]  }
0x3e2: {  	s13 =	simm.s32 $0x1200  }
0x3e3: {  	[spmem:s2] =	stream.indirect.scatter.add.f32 [tilespmem:s11], [sflag:$0x5], $0x80, s13, s10, $0xb8;
	v63 =	vld [tilespmem:$0x0]  }
0x3e4: {  	_ =	swait.ge [sflag:s19], $0x2800  }
0x3e5: {  	[sflag:s19] =	ssyncset.done $0x0  }
0x3e6: {  	s20 =	simm.s32 $0x1280;
	[sflag:s19] =	ssyncadd.s32 $0xFFFFD800  }
0x3e7: {  	[spmem:s2] =	stream.indirect.scatter.add.f32 [tilespmem:s14], [sflag:$0x6], $0x80, s20, s10, $0xb8;
	v63 =	vld [tilespmem:$0x0]  }
0x3e8: {  	_ =	swait.ge [sflag:s21], $0x2800  }
0x3e9: {  	[sflag:s21] =	ssyncset.done $0x0  }
0x3ea: {  	s9 =	simm.s32 $0x400;
	[sflag:s21] =	ssyncadd.s32 $0xFFFFD800  }
0x3eb: {  	[tilespmem:s11], [sflag:$0x1] =	stream.indirect.gather [hbm4b:s1+s10], $0x80, s9, s10, $0xb8;
	v63 =	vld [tilespmem:$0x0]  }
0x3ec: {  	_ =	swait.ge [sflag:s23], $0x2800  }
0x3ed: {  	[sflag:s23] =	ssyncset.done $0x0  }
0x3ee: {  	s13 =	simm.s32 $0x1300;
	[sflag:s23] =	ssyncadd.s32 $0xFFFFD800  }
0x3ef: {  	[spmem:s2] =	stream.indirect.scatter.add.f32 [tilespmem:s16], [sflag:$0x5], $0x80, s13, s10, $0xb8;
	v63 =	vld [tilespmem:$0x0]  }
0x3f0: {  	_ =	swait.ge [sflag:s25], $0x2800  }
0x3f1: {  	[sflag:s25] =	ssyncset.done $0x0  }
0x3f2: {  	[sflag:s25] =	ssyncadd.s32 $0xFFFFD800  }
0x3f3: {  	_ =	swait.ge [sflag:s26], $0x2800  }
0x3f4: {  	[sflag:s26] =	ssyncset.done $0x0  }
0x3f5: {  	s15 =	simm.s32 $0x1380;
	[sflag:s26] =	ssyncadd.s32 $0xFFFFD800  }
0x3f6: {  	[spmem:s2] =	stream.indirect.scatter.add.f32 [tilespmem:s18], [sflag:$0x6], $0x80, s15, s10, $0xb8;
	v63 =	vld [tilespmem:$0x0]  }
0x3f7: {  	_ =	swait.ge [sflag:s21], $0x2800  }
0x3f8: {  	[sflag:s21] =	ssyncset.done $0x0  }
0x3f9: {  	[sflag:s21] =	ssyncadd.s32 $0xFFFFD800  }
0x3fa: {  	_ =	swait.ge [sflag:s25], $0x2800  }
0x3fb: {  	[sflag:s25] =	ssyncset.done $0x0  }
0x3fc: {  	[sflag:s25] =	ssyncadd.s32 $0xFFFFD800  }
0x3fd: {  	_ =	swait.ge [sflag:s12], $0x2800  }
0x3fe: {  	[sflag:s12] =	ssyncset.done $0x0  }
0x3ff: {  	s29 =	simm.s32 $0x480;
	[sflag:s12] =	ssyncadd.s32 $0xFFFFD800  }
0x400: {  	[tilespmem:s14], [sflag:$0x2] =	stream.indirect.gather [hbm4b:s1+s10], $0x80, s29, s10, $0xb8;
	v63 =	vld [tilespmem:$0x0]  }
0x401: {  	s30 =	simm.s32 $0x500  }
0x402: {  	[tilespmem:s16], [sflag:$0x3] =	stream.indirect.gather [hbm4b:s1+s10], $0x80, s30, s10, $0xb8;
	v63 =	vld [tilespmem:$0x0]  }
0x403: {  	s31 =	simm.s32 $0x580  }
0x404: {  	[tilespmem:s18], [sflag:$0x4] =	stream.indirect.gather [hbm4b:s1+s10], $0x80, s31, s10, $0xb8;
	v63 =	vld [tilespmem:$0x0]  }
0x405: {  	s17 =	simm.s32 $0x1400  }
0x406: {  	[spmem:s2] =	stream.indirect.scatter.add.f32 [tilespmem:s11], [sflag:$0x5], $0x80, s17, s10, $0xb8;
	v63 =	vld [tilespmem:$0x0]  }
0x407: {  	_ =	swait.ge [sflag:s19], $0x2800  }
0x408: {  	[sflag:s19] =	ssyncset.done $0x0  }
0x409: {  	s20 =	simm.s32 $0x1480;
	[sflag:s19] =	ssyncadd.s32 $0xFFFFD800  }
0x40a: {  	[spmem:s2] =	stream.indirect.scatter.add.f32 [tilespmem:s14], [sflag:$0x6], $0x80, s20, s10, $0xb8;
	v63 =	vld [tilespmem:$0x0]  }
0x40b: {  	_ =	swait.ge [sflag:s21], $0x2800  }
0x40c: {  	[sflag:s21] =	ssyncset.done $0x0  }
0x40d: {  	s24 =	simm.s32 $0x600;
	[sflag:s21] =	ssyncadd.s32 $0xFFFFD800  }
0x40e: {  	[tilespmem:s11], [sflag:$0x1] =	stream.indirect.gather [hbm4b:s1+s10], $0x80, s24, s10, $0xb8;
	v63 =	vld [tilespmem:$0x0]  }
0x40f: {  	_ =	swait.ge [sflag:s23], $0x2800  }
0x410: {  	[sflag:s23] =	ssyncset.done $0x0  }
0x411: {  	s28 =	simm.s32 $0x1500;
	[sflag:s23] =	ssyncadd.s32 $0xFFFFD800  }
0x412: {  	[spmem:s2] =	stream.indirect.scatter.add.f32 [tilespmem:s16], [sflag:$0x5], $0x80, s28, s10, $0xb8;
	v63 =	vld [tilespmem:$0x0]  }
0x413: {  	_ =	swait.ge [sflag:s25], $0x2800  }
0x414: {  	[sflag:s25] =	ssyncset.done $0x0  }
0x415: {  	[sflag:s25] =	ssyncadd.s32 $0xFFFFD800  }
0x416: {  	_ =	swait.ge [sflag:s26], $0x2800  }
0x417: {  	[sflag:s26] =	ssyncset.done $0x0  }
0x418: {  	s29 =	simm.s32 $0x1580;
	[sflag:s26] =	ssyncadd.s32 $0xFFFFD800  }
0x419: {  	[spmem:s2] =	stream.indirect.scatter.add.f32 [tilespmem:s18], [sflag:$0x6], $0x80, s29, s10, $0xb8;
	v63 =	vld [tilespmem:$0x0]  }
0x41a: {  	_ =	swait.ge [sflag:s21], $0x2800  }
0x41b: {  	[sflag:s21] =	ssyncset.done $0x0  }
0x41c: {  	[sflag:s21] =	ssyncadd.s32 $0xFFFFD800  }
0x41d: {  	_ =	swait.ge [sflag:s25], $0x2800  }
0x41e: {  	[sflag:s25] =	ssyncset.done $0x0  }
0x41f: {  	[sflag:s25] =	ssyncadd.s32 $0xFFFFD800  }
0x420: {  	_ =	swait.ge [sflag:s12], $0x2800  }
0x421: {  	[sflag:s12] =	ssyncset.done $0x0  }
0x422: {  	s30 =	simm.s32 $0x680;
	[sflag:s12] =	ssyncadd.s32 $0xFFFFD800  }
0x423: {  	[tilespmem:s14], [sflag:$0x2] =	stream.indirect.gather [hbm4b:s1+s10], $0x80, s30, s10, $0xb8;
	v63 =	vld [tilespmem:$0x0]  }
0x424: {  	s31 =	simm.s32 $0x700  }
0x425: {  	[tilespmem:s16], [sflag:$0x3] =	stream.indirect.gather [hbm4b:s1+s10], $0x80, s31, s10, $0xb8;
	v63 =	vld [tilespmem:$0x0]  }
0x426: {  	s3 =	simm.s32 $0x780  }
0x427: {  	[tilespmem:s18], [sflag:$0x4] =	stream.indirect.gather [hbm4b:s1+s10], $0x80, s3, s10, $0xb8;
	v63 =	vld [tilespmem:$0x0]  }
0x428: {  	s5 =	simm.s32 $0x1600  }
0x429: {  	[spmem:s2] =	stream.indirect.scatter.add.f32 [tilespmem:s11], [sflag:$0x5], $0x80, s5, s10, $0xb8;
	v63 =	vld [tilespmem:$0x0]  }
0x42a: {  	_ =	swait.ge [sflag:s19], $0x2800  }
0x42b: {  	[sflag:s19] =	ssyncset.done $0x0  }
0x42c: {  	s7 =	simm.s32 $0x1680;
	[sflag:s19] =	ssyncadd.s32 $0xFFFFD800  }
0x42d: {  	[spmem:s2] =	stream.indirect.scatter.add.f32 [tilespmem:s14], [sflag:$0x6], $0x80, s7, s10, $0xb8;
	v63 =	vld [tilespmem:$0x0]  }
0x42e: {  	_ =	swait.ge [sflag:s21], $0x2800  }
0x42f: {  	[sflag:s21] =	ssyncset.done $0x0  }
0x430: {  	s9 =	simm.s32 $0x800;
	[sflag:s21] =	ssyncadd.s32 $0xFFFFD800  }
0x431: {  	[tilespmem:s11], [sflag:$0x1] =	stream.indirect.gather [hbm4b:s1+s10], $0x80, s9, s10, $0xb8;
	v63 =	vld [tilespmem:$0x0]  }
0x432: {  	_ =	swait.ge [sflag:s23], $0x2800  }
0x433: {  	[sflag:s23] =	ssyncset.done $0x0  }
0x434: {  	s13 =	simm.s32 $0x1700;
	[sflag:s23] =	ssyncadd.s32 $0xFFFFD800  }
0x435: {  	[spmem:s2] =	stream.indirect.scatter.add.f32 [tilespmem:s16], [sflag:$0x5], $0x80, s13, s10, $0xb8;
	v63 =	vld [tilespmem:$0x0]  }
0x436: {  	_ =	swait.ge [sflag:s25], $0x2800  }
0x437: {  	[sflag:s25] =	ssyncset.done $0x0  }
0x438: {  	[sflag:s25] =	ssyncadd.s32 $0xFFFFD800  }
0x439: {  	_ =	swait.ge [sflag:s26], $0x2800  }
0x43a: {  	[sflag:s26] =	ssyncset.done $0x0  }
0x43b: {  	s15 =	simm.s32 $0x1780;
	[sflag:s26] =	ssyncadd.s32 $0xFFFFD800  }
0x43c: {  	[spmem:s2] =	stream.indirect.scatter.add.f32 [tilespmem:s18], [sflag:$0x6], $0x80, s15, s10, $0xb8;
	v63 =	vld [tilespmem:$0x0]  }
0x43d: {  	_ =	swait.ge [sflag:s21], $0x2800  }
0x43e: {  	[sflag:s21] =	ssyncset.done $0x0  }
0x43f: {  	[sflag:s21] =	ssyncadd.s32 $0xFFFFD800  }
0x440: {  	_ =	swait.ge [sflag:s25], $0x2800  }
0x441: {  	[sflag:s25] =	ssyncset.done $0x0  }
0x442: {  	[sflag:s25] =	ssyncadd.s32 $0xFFFFD800  }
0x443: {  	_ =	swait.ge [sflag:s12], $0x2800  }
0x444: {  	[sflag:s12] =	ssyncset.done $0x0  }
0x445: {  	s17 =	simm.s32 $0x880;
	[sflag:s12] =	ssyncadd.s32 $0xFFFFD800  }
0x446: {  	[tilespmem:s14], [sflag:$0x2] =	stream.indirect.gather [hbm4b:s1+s10], $0x80, s17, s10, $0xb8;
	v63 =	vld [tilespmem:$0x0]  }
0x447: {  	s20 =	simm.s32 $0x900  }
0x448: {  	[tilespmem:s16], [sflag:$0x3] =	stream.indirect.gather [hbm4b:s1+s10], $0x80, s20, s10, $0xb8;
	v63 =	vld [tilespmem:$0x0]  }
0x449: {  	s24 =	simm.s32 $0x980  }
0x44a: {  	[tilespmem:s18], [sflag:$0x4] =	stream.indirect.gather [hbm4b:s1+s10], $0x80, s24, s10, $0xb8;
	v63 =	vld [tilespmem:$0x0]  }
0x44b: {  	s28 =	simm.s32 $0x1800  }
0x44c: {  	[spmem:s2] =	stream.indirect.scatter.add.f32 [tilespmem:s11], [sflag:$0x5], $0x80, s28, s10, $0xb8;
	v63 =	vld [tilespmem:$0x0]  }
0x44d: {  	_ =	swait.ge [sflag:s19], $0x2800  }
0x44e: {  	[sflag:s19] =	ssyncset.done $0x0  }
0x44f: {  	s29 =	simm.s32 $0x1880;
	[sflag:s19] =	ssyncadd.s32 $0xFFFFD800  }
0x450: {  	[spmem:s2] =	stream.indirect.scatter.add.f32 [tilespmem:s14], [sflag:$0x6], $0x80, s29, s10, $0xb8;
	v63 =	vld [tilespmem:$0x0]  }
0x451: {  	_ =	swait.ge [sflag:s21], $0x2800  }
0x452: {  	[sflag:s21] =	ssyncset.done $0x0  }
0x453: {  	s30 =	simm.s32 $0xA00;
	[sflag:s21] =	ssyncadd.s32 $0xFFFFD800  }
0x454: {  	[tilespmem:s11], [sflag:$0x1] =	stream.indirect.gather [hbm4b:s1+s10], $0x80, s30, s10, $0xb8;
	v63 =	vld [tilespmem:$0x0]  }
0x455: {  	_ =	swait.ge [sflag:s23], $0x2800  }
0x456: {  	[sflag:s23] =	ssyncset.done $0x0  }
0x457: {  	s31 =	simm.s32 $0x1900;
	[sflag:s23] =	ssyncadd.s32 $0xFFFFD800  }
0x458: {  	[spmem:s2] =	stream.indirect.scatter.add.f32 [tilespmem:s16], [sflag:$0x5], $0x80, s31, s10, $0xb8;
	v63 =	vld [tilespmem:$0x0]  }
0x459: {  	_ =	swait.ge [sflag:s25], $0x2800  }
0x45a: {  	[sflag:s25] =	ssyncset.done $0x0  }
0x45b: {  	[sflag:s25] =	ssyncadd.s32 $0xFFFFD800  }
0x45c: {  	_ =	swait.ge [sflag:s26], $0x2800  }
0x45d: {  	[sflag:s26] =	ssyncset.done $0x0  }
0x45e: {  	s3 =	simm.s32 $0x1980;
	[sflag:s26] =	ssyncadd.s32 $0xFFFFD800  }
0x45f: {  	[spmem:s2] =	stream.indirect.scatter.add.f32 [tilespmem:s18], [sflag:$0x6], $0x80, s3, s10, $0xb8;
	v63 =	vld [tilespmem:$0x0]  }
0x460: {  	_ =	swait.ge [sflag:s21], $0x2800  }
0x461: {  	[sflag:s21] =	ssyncset.done $0x0  }
0x462: {  	[sflag:s21] =	ssyncadd.s32 $0xFFFFD800  }
0x463: {  	_ =	swait.ge [sflag:s25], $0x2800  }
0x464: {  	[sflag:s25] =	ssyncset.done $0x0  }
0x465: {  	[sflag:s25] =	ssyncadd.s32 $0xFFFFD800  }
0x466: {  	_ =	swait.ge [sflag:s12], $0x2800  }
0x467: {  	[sflag:s12] =	ssyncset.done $0x0  }
0x468: {  	s5 =	simm.s32 $0xA80;
	[sflag:s12] =	ssyncadd.s32 $0xFFFFD800  }
0x469: {  	[tilespmem:s14], [sflag:$0x2] =	stream.indirect.gather [hbm4b:s1+s10], $0x80, s5, s10, $0xb8;
	v63 =	vld [tilespmem:$0x0]  }
0x46a: {  	s7 =	simm.s32 $0xB00  }
0x46b: {  	[tilespmem:s16], [sflag:$0x3] =	stream.indirect.gather [hbm4b:s1+s10], $0x80, s7, s10, $0xb8;
	v63 =	vld [tilespmem:$0x0]  }
0x46c: {  	s9 =	simm.s32 $0xB80  }
0x46d: {  	[tilespmem:s18], [sflag:$0x4] =	stream.indirect.gather [hbm4b:s1+s10], $0x80, s9, s10, $0xb8;
	v63 =	vld [tilespmem:$0x0]  }
0x46e: {  	s13 =	simm.s32 $0x1A00  }
0x46f: {  	[spmem:s2] =	stream.indirect.scatter.add.f32 [tilespmem:s11], [sflag:$0x5], $0x80, s13, s10, $0xb8;
	v63 =	vld [tilespmem:$0x0]  }
0x470: {  	_ =	swait.ge [sflag:s19], $0x2800  }
0x471: {  	[sflag:s19] =	ssyncset.done $0x0  }
0x472: {  	s15 =	simm.s32 $0x1A80;
	[sflag:s19] =	ssyncadd.s32 $0xFFFFD800  }
0x473: {  	[spmem:s2] =	stream.indirect.scatter.add.f32 [tilespmem:s14], [sflag:$0x6], $0x80, s15, s10, $0xb8;
	v63 =	vld [tilespmem:$0x0]  }
0x474: {  	_ =	swait.ge [sflag:s21], $0x2800  }
0x475: {  	[sflag:s21] =	ssyncset.done $0x0  }
0x476: {  	s17 =	simm.s32 $0xC00;
	[sflag:s21] =	ssyncadd.s32 $0xFFFFD800  }
0x477: {  	[tilespmem:s11], [sflag:$0x1] =	stream.indirect.gather [hbm4b:s1+s10], $0x80, s17, s10, $0xb8;
	v63 =	vld [tilespmem:$0x0]  }
0x478: {  	_ =	swait.ge [sflag:s23], $0x2800  }
0x479: {  	[sflag:s23] =	ssyncset.done $0x0  }
0x47a: {  	s20 =	simm.s32 $0x1B00;
	[sflag:s23] =	ssyncadd.s32 $0xFFFFD800  }
0x47b: {  	[spmem:s2] =	stream.indirect.scatter.add.f32 [tilespmem:s16], [sflag:$0x5], $0x80, s20, s10, $0xb8;
	v63 =	vld [tilespmem:$0x0]  }
0x47c: {  	_ =	swait.ge [sflag:s25], $0x2800  }
0x47d: {  	[sflag:s25] =	ssyncset.done $0x0  }
0x47e: {  	[sflag:s25] =	ssyncadd.s32 $0xFFFFD800  }
0x47f: {  	_ =	swait.ge [sflag:s26], $0x2800  }
0x480: {  	[sflag:s26] =	ssyncset.done $0x0  }
0x481: {  	s24 =	simm.s32 $0x1B80;
	[sflag:s26] =	ssyncadd.s32 $0xFFFFD800  }
0x482: {  	[spmem:s2] =	stream.indirect.scatter.add.f32 [tilespmem:s18], [sflag:$0x6], $0x80, s24, s10, $0xb8;
	v63 =	vld [tilespmem:$0x0]  }
0x483: {  	_ =	swait.ge [sflag:s21], $0x2800  }
0x484: {  	[sflag:s21] =	ssyncset.done $0x0  }
0x485: {  	[sflag:s21] =	ssyncadd.s32 $0xFFFFD800  }
0x486: {  	_ =	swait.ge [sflag:s25], $0x2800  }
0x487: {  	[sflag:s25] =	ssyncset.done $0x0  }
0x488: {  	[sflag:s25] =	ssyncadd.s32 $0xFFFFD800  }
0x489: {  	_ =	swait.ge [sflag:s12], $0x2800  }
0x48a: {  	[sflag:s12] =	ssyncset.done $0x0  }
0x48b: {  	s28 =	simm.s32 $0x1C00;
	[sflag:s12] =	ssyncadd.s32 $0xFFFFD800  }
0x48c: {  	[spmem:s2] =	stream.indirect.scatter.add.f32 [tilespmem:s11], [sflag:$0x7], $0x80, s28, s10, $0xb8;
	v63 =	vld [tilespmem:$0x0]  }
0x48d: {  	_ =	swait.ge [sflag:s8], $0x2800  }
0x48e: {  	[sflag:s8] =	ssyncset.done $0x0  }
0x48f: {  	[sflag:s8] =	ssyncadd.s32 $0xFFFFD800  }
0x490: {  	[bflag:$0x0] =	sbarrier.arrive $0xFFFF  }
0x491: {  	s29 =	rddreg [dreg:$0x11]  }
0x492: {  	p0 =	sne.s32 s6, $0x1;
	s30 =	rddreg [dreg:$0x13]  }
.Ltmp0:
0x493: {  	s31 =	rddreg [dreg:$0x12];
	(pc) =	sbr.rel @p0 .LBB2_1-.Ltmp0, $4  }
0x494: {  	[hbm:s29], [sflag:s31] =	dma.local [spmem:s30], $0x2800  }
0x495: {  	_ =	swait.ge [sflag:s8], $0x2800  }
0x496: {  	[sflag:s8] =	ssyncset.done $0x0  }
0x497: {  	s6 =	sadd.s32 $0xFFFFFFFF, s6;
	[sflag:s8] =	ssyncadd.s32 $0xFFFFD800  }
0x498: {  	_ =	sfence.sel $0x180000  }
0x499: {  	[bflag:$0x0] =	sbarrier.arrive $0xFFFF  }
0x49a: {  	_ =	strace $0x90000047  }
0x49b: {  	s0 =	stileid.u32;
	[bflag:$0x2] =	sbarrier.arrive $0xFFFF  }
0x49c: {  	p0 =	sne.s32 s0, $0x0;
	s0 =	rddreg [dreg:$0x5]  }
0x49d: {  	s0 =	sadd.s32 @!p0 $0x100000, s0  }
0x49e: {  	[sflag:s0] =	ssyncadd.tile.s32 @!p0 $0x1;
	_ =	shalt  }
.Lfunc_end2:
_tile_overlayer_lowered:
.L_overlay_start_2:
0x49f: {  	(tag) =	ssettag $0x2  }
0x4a0: {  	s0 =	rddreg [dreg:$0x0];
	s2 =	stileid.u32  }
0x4a1: {  	s1 =	rddreg [dreg:$0x1];
	p0 =	sne.s32 s2, $0x0  }
0x4a2: {  	s3 =	rddreg [dreg:$0x2];
	[bflag:$0x3] =	sbarrier.arrive $0xFFFF;
	s2 =	simm.s32 @!p0 $0x1C07  }
0x4a3: {  	[timem:s3], [sflag:s2] =	dma.local @!p0 [hbm:s0], s1  }
0x4a4: {  	s0 =	simm.s32 @!p0 $0x7  }
0x4a5: {  	_ =	swait.ge @!p0 [sflag:s0], s1  }
0x4a6: {  	s1 =	ssub.s32 @!p0 $0x0, s1;
	[sflag:s0] =	ssyncset.done @!p0 $0x0  }
0x4a7: {  	[sflag:s0] =	ssyncadd.s32 @!p0 s1  }
0x4a8: {  	[bflag:$0x3] =	sbarrier.arrive $0xFFFF  }
0x4a9: {  	_ =	shalt  }

</sc_bundles>
